<compile_context>
chip_gen: v7x
topology: tpu7x:2x2x1
jax: 0.10.2.dev20260603
libtpu: 0.0.44.dev20260713+nightly
codegen_flags: <defaults>
</compile_context>

<pallas_src>
import functools

import jax
import jax.numpy as jnp
from jax import lax
from jax.experimental import pallas as pl
from jax.experimental.pallas import tpu as pltpu
from jax.experimental.pallas import tpu_sc as plsc

GRID_SIZE = 4
SPLINE_ORDER = 3
NBASIS = GRID_SIZE + SPLINE_ORDER
N = 10000
E = 320000

NC, NS = 2, 16
NW = NC * NS
CHUNK = 64
NCHUNKS = 5120
CHUNKS_PER_W = NCHUNKS // NW
EPAD = NCHUNKS * CHUNK
ROWS_PER_TILE = 632
NPAD = NS * ROWS_PER_TILE
BLK = 2000
NBLK = N // BLK

_SC_MESH = dict(core_axis_name="c", subcore_axis_name="s",
                num_cores=NC, num_subcores=NS)



def _silu(x):
  return x * (1.0 / (1.0 + jnp.exp(-x)))


def _spline_bases(x):
  h = 2.0 / GRID_SIZE
  g = [(t - SPLINE_ORDER) * h - 1.0 for t in range(GRID_SIZE + 2 * SPLINE_ORDER + 1)]
  d = [x - g[t] for t in range(len(g))]
  b = [jnp.where((x >= g[t]) & (x < g[t + 1]), 1.0, 0.0).astype(x.dtype)
       for t in range(len(g) - 1)]
  for k in range(1, SPLINE_ORDER + 1):
    inv = 1.0 / (k * h)
    nb = []
    for t in range(len(b) - 1):
      left = (d[t] * inv) * b[t]
      right = (d[t + k + 1] * (-inv)) * b[t + 1]
      nb.append(left + right)
    b = nb
  return b


def _dinv_from_deg(deg_blk):
  degs = deg_blk[0] + deg_blk[1] + 1.0
  return lax.rsqrt(degs)[:, 0:1]


def _kan1_body(x_ref, deg_ref, wb1_ref, ws1_ref, wb2x_ref, ws2x_ref,
               hs1_ref, pre2_ref):
  xb = x_ref[:]
  dinv = _dinv_from_deg(deg_ref[:])
  sil = _silu(xb)
  bs = _spline_bases(xb)
  h1 = jnp.dot(sil, wb1_ref[:], preferred_element_type=jnp.float32)
  p2 = jnp.dot(sil, wb2x_ref[:], preferred_element_type=jnp.float32)
  for c in range(NBASIS):
    h1 = h1 + jnp.dot(bs[c], ws1_ref[c], preferred_element_type=jnp.float32)
    p2 = p2 + jnp.dot(bs[c], ws2x_ref[c], preferred_element_type=jnp.float32)
  hs1_ref[:] = h1 * dinv
  pre2_ref[:] = p2


def _kan2_body(hs1_ref, part_ref, pre2_ref, deg_ref, b1_ref, wb2a_ref,
               ws2a_ref, hs2_ref):
  dinv = _dinv_from_deg(deg_ref[:])
  agg = dinv * (part_ref[0] + part_ref[1] + hs1_ref[:]) + b1_ref[:]
  sil = _silu(agg)
  bs = _spline_bases(agg)
  h2 = pre2_ref[:] + jnp.dot(sil, wb2a_ref[:], preferred_element_type=jnp.float32)
  for c in range(NBASIS):
    h2 = h2 + jnp.dot(bs[c], ws2a_ref[c], preferred_element_type=jnp.float32)
  hs2_ref[:] = h2 * dinv


def _epilogue_body(hs2_ref, part_ref, deg_ref, b2_ref, out_ref):
  dinv = _dinv_from_deg(deg_ref[:])
  out_ref[:] = dinv * (part_ref[0] + part_ref[1] + hs2_ref[:]) + b2_ref[:]


def _row_spec(f):
  return pl.BlockSpec((BLK, f), lambda i: (i, 0))


def _part_spec(f):
  return pl.BlockSpec((2, BLK, f), lambda i: (0, i, 0))


def _full_spec(shape):
  nd = len(shape)
  return pl.BlockSpec(shape, lambda i, _nd=nd: (0,) * _nd)


def _kan1_call(x, degp, wb1, ws1, wb2x, ws2x):
  return pl.pallas_call(
      _kan1_body,
      grid=(NBLK,),
      in_specs=[
          _row_spec(128), _part_spec(16),
          _full_spec((128, 128)), _full_spec((NBASIS, 128, 128)),
          _full_spec((128, 64)), _full_spec((NBASIS, 128, 64)),
      ],
      out_specs=[_row_spec(128), _row_spec(64)],
      out_shape=[jax.ShapeDtypeStruct((N, 128), jnp.float32),
                 jax.ShapeDtypeStruct((N, 64), jnp.float32)],
  )(x, degp, wb1, ws1, wb2x, ws2x)


def _kan2_call(hs1, part1, pre2, degp, b1, wb2a, ws2a):
  return pl.pallas_call(
      _kan2_body,
      grid=(NBLK,),
      in_specs=[
          _row_spec(128), _part_spec(128), _row_spec(64), _part_spec(16),
          _full_spec((1, 128)),
          _full_spec((128, 64)), _full_spec((NBASIS, 128, 64)),
      ],
      out_specs=_row_spec(64),
      out_shape=jax.ShapeDtypeStruct((N, 64), jnp.float32),
  )(hs1, part1, pre2, degp, b1, wb2a, ws2a)


def _epilogue_call(hs2, part2, degp, b2):
  return pl.pallas_call(
      _epilogue_body,
      grid=(NBLK,),
      in_specs=[_row_spec(64), _part_spec(64), _part_spec(16),
                _full_spec((1, 64))],
      out_specs=_row_spec(64),
      out_shape=jax.ShapeDtypeStruct((N, 64), jnp.float32),
  )(hs2, part2, degp, b2)



def _worker_id():
  return lax.axis_index("s") * NC + lax.axis_index("c")


def _sc_agg_kernel(f, nbuf):
  mesh = plsc.VectorSubcoreMesh(**_SC_MESH)

  @functools.partial(
      pl.kernel,
      out_type=jax.ShapeDtypeStruct((NC, NPAD, f), jnp.float32),
      mesh=mesh,
      scratch_types=[
          pltpu.VMEM((CHUNKS_PER_W, CHUNK), jnp.int32),
          pltpu.VMEM((CHUNKS_PER_W, CHUNK), jnp.int32),
          [pltpu.VMEM((CHUNK, f), jnp.float32)] * nbuf,
          pltpu.VMEM_SHARED((NPAD, f), jnp.float32),
          [pltpu.SemaphoreType.DMA] * nbuf,
          [pltpu.SemaphoreType.DMA] * nbuf,
      ],
      compiler_params=pltpu.CompilerParams(use_tc_tiling_on_sc=False),
  )
  def agg(rows_hbm, cols_hbm, hs_hbm, zeros_hbm, out_hbm,
          ridx, cidx, bufs, acc_sh, gsems, ssems):
    cid = lax.axis_index("c")
    sid = lax.axis_index("s")
    wid = _worker_id()
    rbase = sid * ROWS_PER_TILE
    cstart = wid * CHUNKS_PER_W
    pltpu.sync_copy(rows_hbm.at[pl.ds(cstart, CHUNKS_PER_W)], ridx)
    pltpu.sync_copy(cols_hbm.at[pl.ds(cstart, CHUNKS_PER_W)], cidx)
    pltpu.sync_copy(zeros_hbm.at[pl.ds(rbase, ROWS_PER_TILE)],
                    acc_sh.at[pl.ds(rbase, ROWS_PER_TILE)])
    plsc.subcore_barrier()

    def g_start(j, b):
      pltpu.async_copy(hs_hbm.at[ridx.at[j]], bufs[b], gsems[b])

    def g_wait(j, b):
      pltpu.make_async_copy(hs_hbm.at[ridx.at[j]], bufs[b], gsems[b]).wait()

    def s_start(j, b):
      pltpu.async_copy(bufs[b], acc_sh.at[cidx.at[j]], ssems[b], add=True)

    def s_wait(j, b):
      pltpu.make_async_copy(bufs[b], acc_sh.at[cidx.at[j]], ssems[b]).wait()

    for b in range(nbuf - 1):
      g_start(b, b)

    main = CHUNKS_PER_W // nbuf

    def body(i, carry):
      for b in range(nbuf):
        j = i * nbuf + b
        pj = j + nbuf - 1
        pb = (b + nbuf - 1) % nbuf

        if b == 0:
          @pl.when(i > 0)
          def _():
            s_wait(0, pb)
        else:
          s_wait(0, pb)

        @pl.when(pj < CHUNKS_PER_W)
        def _(pj=pj, pb=pb):
          g_start(pj, pb)

        g_wait(j, b)
        s_start(j, b)
      return carry

    lax.fori_loop(0, main, body, 0)
    for t in range(main * nbuf, CHUNKS_PER_W):
      g_wait(t, t % nbuf)
      s_start(t, t % nbuf)
    for c in range(main * nbuf - 1, CHUNKS_PER_W):
      s_wait(c, c % nbuf)
    plsc.subcore_barrier()
    pltpu.sync_copy(acc_sh.at[pl.ds(rbase, ROWS_PER_TILE)],
                    out_hbm.at[cid, pl.ds(rbase, ROWS_PER_TILE)])

  return agg


def _sc_deg_kernel():
  mesh = plsc.VectorSubcoreMesh(**_SC_MESH)

  @functools.partial(
      pl.kernel,
      out_type=jax.ShapeDtypeStruct((NC, NPAD, 16), jnp.float32),
      mesh=mesh,
      scratch_types=[
          pltpu.VMEM((CHUNKS_PER_W, CHUNK), jnp.int32),
          pltpu.VMEM((CHUNK, 16), jnp.float32),
          pltpu.VMEM_SHARED((NPAD, 16), jnp.float32),
          pltpu.SemaphoreType.DMA,
      ],
      compiler_params=pltpu.CompilerParams(use_tc_tiling_on_sc=False),
  )
  def deg(cols_hbm, ones_hbm, zeros_hbm, out_hbm, cidx, ones_v, acc_sh, dsem):
    cid = lax.axis_index("c")
    sid = lax.axis_index("s")
    wid = _worker_id()
    rbase = sid * ROWS_PER_TILE
    cstart = wid * CHUNKS_PER_W
    pltpu.sync_copy(cols_hbm.at[pl.ds(cstart, CHUNKS_PER_W)], cidx)
    pltpu.sync_copy(ones_hbm, ones_v)
    pltpu.sync_copy(zeros_hbm.at[pl.ds(rbase, ROWS_PER_TILE)],
                    acc_sh.at[pl.ds(rbase, ROWS_PER_TILE)])
    plsc.subcore_barrier()

    WIN = 8

    def body(j, carry):
      @pl.when(j >= WIN)
      def _():
        pltpu.make_async_copy(ones_v, acc_sh.at[cidx.at[j]], dsem).wait()
      pltpu.async_copy(ones_v, acc_sh.at[cidx.at[j]], dsem, add=True)
      return carry

    lax.fori_loop(0, CHUNKS_PER_W, body, 0)

    def drain(j, carry):
      pltpu.make_async_copy(ones_v, acc_sh.at[cidx.at[j]], dsem).wait()
      return carry

    lax.fori_loop(0, WIN, drain, 0)
    plsc.subcore_barrier()
    pltpu.sync_copy(acc_sh.at[pl.ds(rbase, ROWS_PER_TILE)],
                    out_hbm.at[cid, pl.ds(rbase, ROWS_PER_TILE)])

  return deg



def kernel(x, edge_index, w1_base, w1_spline, w1_scaler, b1,
           w2_base, w2_spline, w2_scaler, b2):
  pad = EPAD - E
  pad_ar = jnp.arange(pad, dtype=jnp.int32)
  row = jnp.concatenate([edge_index[0], pad_ar % N])
  col = jnp.concatenate([edge_index[1], N + pad_ar % (NPAD - N)])
  rows_pk = row.reshape(NCHUNKS, CHUNK)
  cols_pk = col.reshape(NCHUNKS, CHUNK)

  ws1 = jnp.transpose(w1_spline * w1_scaler[:, :, None], (2, 1, 0))
  wb1 = w1_base.T
  ws2 = jnp.transpose(w2_spline * w2_scaler[:, :, None], (2, 1, 0))
  wb2 = w2_base.T
  wb2x, wb2a = wb2[:128], wb2[128:]
  ws2x, ws2a = ws2[:, :128, :], ws2[:, 128:, :]

  zeros16 = jnp.zeros((NPAD, 16), jnp.float32)
  zeros128 = jnp.zeros((NPAD, 128), jnp.float32)
  zeros64 = jnp.zeros((NPAD, 64), jnp.float32)
  ones16 = jnp.ones((CHUNK, 16), jnp.float32)

  degp = _sc_deg_kernel()(cols_pk, ones16, zeros16)
  hs1, pre2 = _kan1_call(x, degp, wb1, ws1, wb2x, ws2x)
  part1 = _sc_agg_kernel(128, 3)(rows_pk, cols_pk, hs1, zeros128)
  hs2 = _kan2_call(hs1, part1, pre2, degp, b1.reshape(1, 128), wb2a, ws2a)
  part2 = _sc_agg_kernel(64, 4)(rows_pk, cols_pk, hs2, zeros64)
  return _epilogue_call(hs2, part2, degp, b2.reshape(1, 64))

# --- scband reference (transcript-rebuilt; emitter-appended) ---
"""Pipeline reference for scband-gkan-nodes-38594576122039 (READ-ONLY COPY).

The authoritative reference and input builder live on the scoring server;
editing this copy changes nothing except your own understanding.
"""

import jax, jax.numpy as jnp
import numpy as np

GRID_SIZE = 4
SPLINE_ORDER = 3
N_NODES = 10000
N_EDGES = 320000

def make_grid(in_features):
    h = 2.0 / GRID_SIZE
    g = jnp.arange(-SPLINE_ORDER, GRID_SIZE + SPLINE_ORDER + 1, dtype=jnp.float32) * h - 1.0
    return jnp.tile(g[None, :], (in_features, 1))

def b_splines(x, grid):
    xg = x[:, :, None]
    bases = ((xg >= grid[:, :-1]) & (xg < grid[:, 1:])).astype(x.dtype)
    for k in range(1, SPLINE_ORDER + 1):
        left = (xg - grid[:, :-(k + 1)]) / (grid[:, k:-1] - grid[:, :-(k + 1)]) * bases[:, :, :-1]
        right = (grid[:, k + 1:] - xg) / (grid[:, k + 1:] - grid[:, 1:-k]) * bases[:, :, 1:]
        bases = left + right
    return bases

def kan_linear(x, base_w, spline_w, scaler):
    grid = make_grid(x.shape[1])
    base = jax.nn.silu(x) @ base_w.T
    sb = b_splines(x, grid)
    sw = spline_w * scaler[:, :, None]
    spline = sb.reshape(x.shape[0], -1) @ sw.reshape(sw.shape[0], -1).T
    return base + spline

def gcn_conv(x, edge_index, base_w, spline_w, scaler, bias):
    N = x.shape[0]
    h = kan_linear(x, base_w, spline_w, scaler)
    loop = jnp.arange(N, dtype=edge_index.dtype)
    row = jnp.concatenate([edge_index[0], loop])
    col = jnp.concatenate([edge_index[1], loop])
    ew = jnp.ones(row.shape[0], dtype=x.dtype)
    deg = jax.ops.segment_sum(ew, col, num_segments=N)
    dinv = jnp.where(deg > 0, 1.0 / jnp.sqrt(deg), 0.0)
    norm = dinv[row] * dinv[col]
    out = jax.ops.segment_sum(norm[:, None] * h[row], col, num_segments=N)
    return out + bias

def setup_inputs(seed: int = 0):
    key = jax.random.key(seed)
    ks = [jax.random.fold_in(key, i) for i in range(12)]
    C = GRID_SIZE + SPLINE_ORDER
    x = jax.random.normal(ks[0], (N_NODES, 128), dtype=jnp.float32)
    edge_index = jax.random.randint(ks[1], (2, N_EDGES), 0, N_NODES, dtype=jnp.int32)
    w1_base = jax.random.normal(ks[2], (128, 128), dtype=jnp.float32) * 0.1
    w1_spline = jax.random.normal(ks[3], (128, 128, C), dtype=jnp.float32) * 0.1
    w1_scaler = jax.random.normal(ks[4], (128, 128), dtype=jnp.float32) * 0.1
    b1 = jnp.zeros((128,), dtype=jnp.float32)
    w2_base = jax.random.normal(ks[5], (64, 256), dtype=jnp.float32) * 0.05
    w2_spline = jax.random.normal(ks[6], (64, 256, C), dtype=jnp.float32) * 0.05
    w2_scaler = jax.random.normal(ks[7], (64, 256), dtype=jnp.float32) * 0.05
    b2 = jnp.zeros((64,), dtype=jnp.float32)
    return {"x": x, "edge_index": edge_index, "w1_base": w1_base, "w1_spline": w1_spline, "w1_scaler": w1_scaler, "b1": b1, "w2_base": w2_base, "w2_spline": w2_spline, "w2_scaler": w2_scaler, "b2": b2}

def reference(x, edge_index, w1_base, w1_spline, w1_scaler, b1, w2_base, w2_spline, w2_scaler, b2):
    h = gcn_conv(x, edge_index, w1_base, w1_spline, w1_scaler, b1)
    h = jnp.concatenate([x, h], axis=1)
    out = gcn_conv(h, edge_index, w2_base, w2_spline, w2_scaler, b2)
    return out

if __name__ == "__main__":
    import jax
    _d = setup_inputs()
    print(jax.jit(kernel)(*tuple(_d.values())))

</pallas_src>

<mosaic_0001>
#map = affine_map<(d0, d1) -> (0, 0)>
#map1 = affine_map<(d0, d1) -> (0, 0, 0)>
module attributes {stable_mosaic.version = 14 : i64} {
  func.func @deg(%arg0: i32, %arg1: i32, %arg2: memref<5120x64xi32, #tpu.memory_space<hbm>>, %arg3: memref<64x16xf32, #tpu.memory_space<hbm>>, %arg4: memref<10112x16xf32, #tpu.memory_space<hbm>>, %arg5: memref<2x10112x16xf32, #tpu.memory_space<hbm>>, %arg6: memref<160x64xi32, #tpu.memory_space<vmem>>, %arg7: memref<64x16xf32, #tpu.memory_space<vmem>>, %arg8: memref<10112x16xf32, #tpu.memory_space<vmem_shared>>, %arg9: memref<!tpu.dma_semaphore, #tpu.memory_space<semaphore_mem>>) attributes {dimension_semantics = [#tpu.dimension_semantics<core_parallel>, #tpu.dimension_semantics<subcore_parallel>], iteration_bounds = array<i64: 2, 16>, scalar_prefetch = 0 : i64, scratch_operands = 4 : i64, tpu.core_type = #tpu.core_type<sc_vector_subcore>, window_params = [{transform_indices = #map}, {transform_indices = #map}, {transform_indices = #map}, {transform_indices = #map1}]} {
    %mul3A = arith.constant 2 : i32
    %mul3A_0 = arith.muli %arg1, %mul3A : i32
    %add3A = arith.addi %mul3A_0, %arg0 : i32
    %mul3A_1 = arith.constant 632 : i32
    %mul3A_2 = arith.muli %arg1, %mul3A_1 : i32
    %mul3A_3 = arith.constant 160 : i32
    %mul3A_4 = arith.muli %add3A, %mul3A_3 : i32
    "tpu.region"() ({
      %run_scoped3A = tpu.sem_alloc : memref<!tpu.dma_semaphore, #tpu.memory_space<semaphore_mem>>
      %dma_start3A = arith.constant 0 : i32
      %dma_start3A_17 = tpu.memref_slice %arg2[%mul3A_4, %dma_start3A] : memref<5120x64xi32, #tpu.memory_space<hbm>> -> memref<160x64xi32, #tpu.memory_space<hbm>>
      %dma_start3A_18 = arith.constant 0 : i32
      %dma_start3A_19 = tpu.memref_slice %arg2[%mul3A_4, %dma_start3A_18] : memref<5120x64xi32, #tpu.memory_space<hbm>> -> memref<160x64xi32, #tpu.memory_space<hbm>>
      tpu.enqueue_dma source(%dma_start3A_19 : memref<160x64xi32, #tpu.memory_space<hbm>>) target(%arg6 : memref<160x64xi32, #tpu.memory_space<vmem>>) target_semaphore(%run_scoped3A : memref<!tpu.dma_semaphore, #tpu.memory_space<semaphore_mem>>)
      %dma_wait3A = arith.constant 0 : i32
      %dma_wait3A_20 = tpu.memref_slice %arg2[%mul3A_4, %dma_wait3A] : memref<5120x64xi32, #tpu.memory_space<hbm>> -> memref<160x64xi32, #tpu.memory_space<hbm>>
      %dma_wait3A_21 = arith.constant 0 : i32
      %dma_wait3A_22 = tpu.memref_slice %arg2[%mul3A_4, %dma_wait3A_21] : memref<5120x64xi32, #tpu.memory_space<hbm>> -> memref<160x64xi32, #tpu.memory_space<hbm>>
      tpu.wait_dma2 semaphore(%run_scoped3A : memref<!tpu.dma_semaphore, #tpu.memory_space<semaphore_mem>>) src(%dma_wait3A_22 : memref<160x64xi32, #tpu.memory_space<hbm>>) dst(%arg6 : memref<160x64xi32, #tpu.memory_space<vmem>>)
      tpu.yield
    }) : () -> ()
    "tpu.region"() ({
      %run_scoped3A = tpu.sem_alloc : memref<!tpu.dma_semaphore, #tpu.memory_space<semaphore_mem>>
      tpu.enqueue_dma source(%arg3 : memref<64x16xf32, #tpu.memory_space<hbm>>) target(%arg7 : memref<64x16xf32, #tpu.memory_space<vmem>>) target_semaphore(%run_scoped3A : memref<!tpu.dma_semaphore, #tpu.memory_space<semaphore_mem>>)
      tpu.wait_dma2 semaphore(%run_scoped3A : memref<!tpu.dma_semaphore, #tpu.memory_space<semaphore_mem>>) src(%arg3 : memref<64x16xf32, #tpu.memory_space<hbm>>) dst(%arg7 : memref<64x16xf32, #tpu.memory_space<vmem>>)
      tpu.yield
    }) : () -> ()
    "tpu.region"() ({
      %run_scoped3A = tpu.sem_alloc : memref<!tpu.dma_semaphore, #tpu.memory_space<semaphore_mem>>
      %dma_start3A = arith.constant 0 : i32
      %dma_start3A_17 = tpu.memref_slice %arg8[%mul3A_2, %dma_start3A] : memref<10112x16xf32, #tpu.memory_space<vmem_shared>> -> memref<632x16xf32, #tpu.memory_space<vmem_shared>>
      %dma_start3A_18 = arith.constant 0 : i32
      %dma_start3A_19 = tpu.memref_slice %arg4[%mul3A_2, %dma_start3A_18] : memref<10112x16xf32, #tpu.memory_space<hbm>> -> memref<632x16xf32, #tpu.memory_space<hbm>>
      tpu.enqueue_dma source(%dma_start3A_19 : memref<632x16xf32, #tpu.memory_space<hbm>>) target(%dma_start3A_17 : memref<632x16xf32, #tpu.memory_space<vmem_shared>>) target_semaphore(%run_scoped3A : memref<!tpu.dma_semaphore, #tpu.memory_space<semaphore_mem>>)
      %dma_wait3A = arith.constant 0 : i32
      %dma_wait3A_20 = tpu.memref_slice %arg8[%mul3A_2, %dma_wait3A] : memref<10112x16xf32, #tpu.memory_space<vmem_shared>> -> memref<632x16xf32, #tpu.memory_space<vmem_shared>>
      %dma_wait3A_21 = arith.constant 0 : i32
      %dma_wait3A_22 = tpu.memref_slice %arg4[%mul3A_2, %dma_wait3A_21] : memref<10112x16xf32, #tpu.memory_space<hbm>> -> memref<632x16xf32, #tpu.memory_space<hbm>>
      tpu.wait_dma2 semaphore(%run_scoped3A : memref<!tpu.dma_semaphore, #tpu.memory_space<semaphore_mem>>) src(%dma_wait3A_22 : memref<632x16xf32, #tpu.memory_space<hbm>>) dst(%dma_wait3A_20 : memref<632x16xf32, #tpu.memory_space<vmem_shared>>)
      tpu.yield
    }) : () -> ()
    %barrier3A = arith.constant 0 : index
    tpu.barrier barrier_id(%barrier3A)
    %scan3A = arith.constant 0 : i32
    %scan3A_5 = arith.constant 0 : i32
    %scan3A_6 = arith.constant 160 : i32
    %scan3A_7 = arith.addi %scan3A_5, %scan3A_6 : i32
    %scan3A_8 = arith.constant 1 : i32
    scf.for %scan3A_17 = %scan3A_5 to %scan3A_7 step %scan3A_8  : i32 {
      %ge3A = arith.constant 8 : i32
      %ge3A_18 = arith.cmpi sge, %scan3A_17, %ge3A : i32
      %convert_element_type3A = arith.extui %ge3A_18 : i1 to i32
      %cond3A = arith.constant 0 : i32
      %cond3A_19 = arith.cmpi ne, %convert_element_type3A, %cond3A : i32
      scf.if %cond3A_19 {
        %dma_wait3A = arith.constant 0 : i32
        %dma_wait3A_25 = tpu.memref_slice %arg6[%scan3A_17, %dma_wait3A] : memref<160x64xi32, #tpu.memory_space<vmem>> -> memref<1x64xi32, #tpu.memory_space<vmem>>
        %dma_wait3A_26 = tpu.memref_squeeze %dma_wait3A_25 : memref<1x64xi32, #tpu.memory_space<vmem>> -> memref<64xi32, #tpu.memory_space<vmem>>
        %dma_wait3A_27 = arith.constant 0 : i32
        %dma_wait3A_28 = arith.constant 0 : i32
        %dma_wait3A_29 = tpu.memref_slice %arg8[%dma_wait3A_27, %dma_wait3A_28] : memref<10112x16xf32, #tpu.memory_space<vmem_shared>> -> memref<10112x16xf32, #tpu.memory_space<vmem_shared>>
        tpu.wait_indirect_dma semaphore(%arg9 : memref<!tpu.dma_semaphore, #tpu.memory_space<semaphore_mem>>) src(%arg7 : memref<64x16xf32, #tpu.memory_space<vmem>>) dst(%dma_wait3A_29 : memref<10112x16xf32, #tpu.memory_space<vmem_shared>>)
      } else {
      }
      %dma_start3A = arith.constant 0 : i32
      %dma_start3A_20 = tpu.memref_slice %arg6[%scan3A_17, %dma_start3A] : memref<160x64xi32, #tpu.memory_space<vmem>> -> memref<1x64xi32, #tpu.memory_space<vmem>>
      %dma_start3A_21 = tpu.memref_squeeze %dma_start3A_20 : memref<1x64xi32, #tpu.memory_space<vmem>> -> memref<64xi32, #tpu.memory_space<vmem>>
      %dma_start3A_22 = arith.constant 0 : i32
      %dma_start3A_23 = arith.constant 0 : i32
      %dma_start3A_24 = tpu.memref_slice %arg8[%dma_start3A_22, %dma_start3A_23] : memref<10112x16xf32, #tpu.memory_space<vmem_shared>> -> memref<10112x16xf32, #tpu.memory_space<vmem_shared>>
      tpu.enqueue_indirect_dma source(%arg7 : memref<64x16xf32, #tpu.memory_space<vmem>>) target(%dma_start3A_24 : memref<10112x16xf32, #tpu.memory_space<vmem_shared>>) offsets(%dma_start3A_21 : memref<64xi32, #tpu.memory_space<vmem>>) semaphore(%arg9 : memref<!tpu.dma_semaphore, #tpu.memory_space<semaphore_mem>>) {add = true}
    }
    %scan3A_9 = arith.constant 160 : i32
    %scan3A_10 = arith.constant 0 : i32
    %scan3A_11 = arith.constant 0 : i32
    %scan3A_12 = arith.constant 8 : i32
    %scan3A_13 = arith.addi %scan3A_11, %scan3A_12 : i32
    %scan3A_14 = arith.constant 1 : i32
    scf.for %scan3A_17 = %scan3A_11 to %scan3A_13 step %scan3A_14  : i32 {
      %dma_wait3A = arith.constant 0 : i32
      %dma_wait3A_18 = tpu.memref_slice %arg6[%scan3A_17, %dma_wait3A] : memref<160x64xi32, #tpu.memory_space<vmem>> -> memref<1x64xi32, #tpu.memory_space<vmem>>
      %dma_wait3A_19 = tpu.memref_squeeze %dma_wait3A_18 : memref<1x64xi32, #tpu.memory_space<vmem>> -> memref<64xi32, #tpu.memory_space<vmem>>
      %dma_wait3A_20 = arith.constant 0 : i32
      %dma_wait3A_21 = arith.constant 0 : i32
      %dma_wait3A_22 = tpu.memref_slice %arg8[%dma_wait3A_20, %dma_wait3A_21] : memref<10112x16xf32, #tpu.memory_space<vmem_shared>> -> memref<10112x16xf32, #tpu.memory_space<vmem_shared>>
      tpu.wait_indirect_dma semaphore(%arg9 : memref<!tpu.dma_semaphore, #tpu.memory_space<semaphore_mem>>) src(%arg7 : memref<64x16xf32, #tpu.memory_space<vmem>>) dst(%dma_wait3A_22 : memref<10112x16xf32, #tpu.memory_space<vmem_shared>>)
    }
    %scan3A_15 = arith.constant 8 : i32
    %barrier3A_16 = arith.constant 0 : index
    tpu.barrier barrier_id(%barrier3A_16)
    "tpu.region"() ({
      %run_scoped3A = tpu.sem_alloc : memref<!tpu.dma_semaphore, #tpu.memory_space<semaphore_mem>>
      %dma_start3A = arith.constant 0 : i32
      %dma_start3A_17 = tpu.memref_slice %arg5[%arg0, %mul3A_2, %dma_start3A] : memref<2x10112x16xf32, #tpu.memory_space<hbm>> -> memref<1x632x16xf32, #tpu.memory_space<hbm>>
      %dma_start3A_18 = tpu.memref_squeeze %dma_start3A_17 : memref<1x632x16xf32, #tpu.memory_space<hbm>> -> memref<632x16xf32, #tpu.memory_space<hbm>>
      %dma_start3A_19 = arith.constant 0 : i32
      %dma_start3A_20 = tpu.memref_slice %arg8[%mul3A_2, %dma_start3A_19] : memref<10112x16xf32, #tpu.memory_space<vmem_shared>> -> memref<632x16xf32, #tpu.memory_space<vmem_shared>>
      tpu.enqueue_dma source(%dma_start3A_20 : memref<632x16xf32, #tpu.memory_space<vmem_shared>>) target(%dma_start3A_18 : memref<632x16xf32, #tpu.memory_space<hbm>>) target_semaphore(%run_scoped3A : memref<!tpu.dma_semaphore, #tpu.memory_space<semaphore_mem>>)
      %dma_wait3A = arith.constant 0 : i32
      %dma_wait3A_21 = tpu.memref_slice %arg5[%arg0, %mul3A_2, %dma_wait3A] : memref<2x10112x16xf32, #tpu.memory_space<hbm>> -> memref<1x632x16xf32, #tpu.memory_space<hbm>>
      %dma_wait3A_22 = tpu.memref_squeeze %dma_wait3A_21 : memref<1x632x16xf32, #tpu.memory_space<hbm>> -> memref<632x16xf32, #tpu.memory_space<hbm>>
      %dma_wait3A_23 = arith.constant 0 : i32
      %dma_wait3A_24 = tpu.memref_slice %arg8[%mul3A_2, %dma_wait3A_23] : memref<10112x16xf32, #tpu.memory_space<vmem_shared>> -> memref<632x16xf32, #tpu.memory_space<vmem_shared>>
      tpu.wait_dma2 semaphore(%run_scoped3A : memref<!tpu.dma_semaphore, #tpu.memory_space<semaphore_mem>>) src(%dma_wait3A_24 : memref<632x16xf32, #tpu.memory_space<vmem_shared>>) dst(%dma_wait3A_22 : memref<632x16xf32, #tpu.memory_space<hbm>>)
      tpu.yield
    }) : () -> ()
    return
  }
}

#map = affine_map<(d0, d1) -> (0, 0)>
#map1 = affine_map<(d0, d1) -> (0, 0, 0)>
module attributes {stable_mosaic.version = 14 : i64} {
  func.func @agg(%arg0: i32, %arg1: i32, %arg2: memref<5120x64xi32, #tpu.memory_space<hbm>>, %arg3: memref<5120x64xi32, #tpu.memory_space<hbm>>, %arg4: memref<10000x64xf32, #tpu.memory_space<hbm>>, %arg5: memref<10112x64xf32, #tpu.memory_space<hbm>>, %arg6: memref<2x10112x64xf32, #tpu.memory_space<hbm>>, %arg7: memref<160x64xi32, #tpu.memory_space<vmem>>, %arg8: memref<160x64xi32, #tpu.memory_space<vmem>>, %arg9: memref<64x64xf32, #tpu.memory_space<vmem>>, %arg10: memref<64x64xf32, #tpu.memory_space<vmem>>, %arg11: memref<64x64xf32, #tpu.memory_space<vmem>>, %arg12: memref<64x64xf32, #tpu.memory_space<vmem>>, %arg13: memref<10112x64xf32, #tpu.memory_space<vmem_shared>>, %arg14: memref<!tpu.dma_semaphore, #tpu.memory_space<semaphore_mem>>, %arg15: memref<!tpu.dma_semaphore, #tpu.memory_space<semaphore_mem>>, %arg16: memref<!tpu.dma_semaphore, #tpu.memory_space<semaphore_mem>>, %arg17: memref<!tpu.dma_semaphore, #tpu.memory_space<semaphore_mem>>, %arg18: memref<!tpu.dma_semaphore, #tpu.memory_space<semaphore_mem>>, %arg19: memref<!tpu.dma_semaphore, #tpu.memory_space<semaphore_mem>>, %arg20: memref<!tpu.dma_semaphore, #tpu.memory_space<semaphore_mem>>, %arg21: memref<!tpu.dma_semaphore, #tpu.memory_space<semaphore_mem>>) attributes {dimension_semantics = [#tpu.dimension_semantics<core_parallel>, #tpu.dimension_semantics<subcore_parallel>], iteration_bounds = array<i64: 2, 16>, scalar_prefetch = 0 : i64, scratch_operands = 15 : i64, tpu.core_type = #tpu.core_type<sc_vector_subcore>, window_params = [{transform_indices = #map}, {transform_indices = #map}, {transform_indices = #map}, {transform_indices = #map}, {transform_indices = #map1}]} {
    %mul3A = arith.constant 2 : i32
    %mul3A_0 = arith.muli %arg1, %mul3A : i32
    %add3A = arith.addi %mul3A_0, %arg0 : i32
    %mul3A_1 = arith.constant 632 : i32
    %mul3A_2 = arith.muli %arg1, %mul3A_1 : i32
    %mul3A_3 = arith.constant 160 : i32
    %mul3A_4 = arith.muli %add3A, %mul3A_3 : i32
    "tpu.region"() ({
      %run_scoped3A = tpu.sem_alloc : memref<!tpu.dma_semaphore, #tpu.memory_space<semaphore_mem>>
      %dma_start3A_37 = arith.constant 0 : i32
      %dma_start3A_38 = tpu.memref_slice %arg2[%mul3A_4, %dma_start3A_37] : memref<5120x64xi32, #tpu.memory_space<hbm>> -> memref<160x64xi32, #tpu.memory_space<hbm>>
      %dma_start3A_39 = arith.constant 0 : i32
      %dma_start3A_40 = tpu.memref_slice %arg2[%mul3A_4, %dma_start3A_39] : memref<5120x64xi32, #tpu.memory_space<hbm>> -> memref<160x64xi32, #tpu.memory_space<hbm>>
      tpu.enqueue_dma source(%dma_start3A_40 : memref<160x64xi32, #tpu.memory_space<hbm>>) target(%arg7 : memref<160x64xi32, #tpu.memory_space<vmem>>) target_semaphore(%run_scoped3A : memref<!tpu.dma_semaphore, #tpu.memory_space<semaphore_mem>>)
      %dma_wait3A_41 = arith.constant 0 : i32
      %dma_wait3A_42 = tpu.memref_slice %arg2[%mul3A_4, %dma_wait3A_41] : memref<5120x64xi32, #tpu.memory_space<hbm>> -> memref<160x64xi32, #tpu.memory_space<hbm>>
      %dma_wait3A_43 = arith.constant 0 : i32
      %dma_wait3A_44 = tpu.memref_slice %arg2[%mul3A_4, %dma_wait3A_43] : memref<5120x64xi32, #tpu.memory_space<hbm>> -> memref<160x64xi32, #tpu.memory_space<hbm>>
      tpu.wait_dma2 semaphore(%run_scoped3A : memref<!tpu.dma_semaphore, #tpu.memory_space<semaphore_mem>>) src(%dma_wait3A_44 : memref<160x64xi32, #tpu.memory_space<hbm>>) dst(%arg7 : memref<160x64xi32, #tpu.memory_space<vmem>>)
      tpu.yield
    }) : () -> ()
    "tpu.region"() ({
      %run_scoped3A = tpu.sem_alloc : memref<!tpu.dma_semaphore, #tpu.memory_space<semaphore_mem>>
      %dma_start3A_37 = arith.constant 0 : i32
      %dma_start3A_38 = tpu.memref_slice %arg3[%mul3A_4, %dma_start3A_37] : memref<5120x64xi32, #tpu.memory_space<hbm>> -> memref<160x64xi32, #tpu.memory_space<hbm>>
      %dma_start3A_39 = arith.constant 0 : i32
      %dma_start3A_40 = tpu.memref_slice %arg3[%mul3A_4, %dma_start3A_39] : memref<5120x64xi32, #tpu.memory_space<hbm>> -> memref<160x64xi32, #tpu.memory_space<hbm>>
      tpu.enqueue_dma source(%dma_start3A_40 : memref<160x64xi32, #tpu.memory_space<hbm>>) target(%arg8 : memref<160x64xi32, #tpu.memory_space<vmem>>) target_semaphore(%run_scoped3A : memref<!tpu.dma_semaphore, #tpu.memory_space<semaphore_mem>>)
      %dma_wait3A_41 = arith.constant 0 : i32
      %dma_wait3A_42 = tpu.memref_slice %arg3[%mul3A_4, %dma_wait3A_41] : memref<5120x64xi32, #tpu.memory_space<hbm>> -> memref<160x64xi32, #tpu.memory_space<hbm>>
      %dma_wait3A_43 = arith.constant 0 : i32
      %dma_wait3A_44 = tpu.memref_slice %arg3[%mul3A_4, %dma_wait3A_43] : memref<5120x64xi32, #tpu.memory_space<hbm>> -> memref<160x64xi32, #tpu.memory_space<hbm>>
      tpu.wait_dma2 semaphore(%run_scoped3A : memref<!tpu.dma_semaphore, #tpu.memory_space<semaphore_mem>>) src(%dma_wait3A_44 : memref<160x64xi32, #tpu.memory_space<hbm>>) dst(%arg8 : memref<160x64xi32, #tpu.memory_space<vmem>>)
      tpu.yield
    }) : () -> ()
    "tpu.region"() ({
      %run_scoped3A = tpu.sem_alloc : memref<!tpu.dma_semaphore, #tpu.memory_space<semaphore_mem>>
      %dma_start3A_37 = arith.constant 0 : i32
      %dma_start3A_38 = tpu.memref_slice %arg13[%mul3A_2, %dma_start3A_37] : memref<10112x64xf32, #tpu.memory_space<vmem_shared>> -> memref<632x64xf32, #tpu.memory_space<vmem_shared>>
      %dma_start3A_39 = arith.constant 0 : i32
      %dma_start3A_40 = tpu.memref_slice %arg5[%mul3A_2, %dma_start3A_39] : memref<10112x64xf32, #tpu.memory_space<hbm>> -> memref<632x64xf32, #tpu.memory_space<hbm>>
      tpu.enqueue_dma source(%dma_start3A_40 : memref<632x64xf32, #tpu.memory_space<hbm>>) target(%dma_start3A_38 : memref<632x64xf32, #tpu.memory_space<vmem_shared>>) target_semaphore(%run_scoped3A : memref<!tpu.dma_semaphore, #tpu.memory_space<semaphore_mem>>)
      %dma_wait3A_41 = arith.constant 0 : i32
      %dma_wait3A_42 = tpu.memref_slice %arg13[%mul3A_2, %dma_wait3A_41] : memref<10112x64xf32, #tpu.memory_space<vmem_shared>> -> memref<632x64xf32, #tpu.memory_space<vmem_shared>>
      %dma_wait3A_43 = arith.constant 0 : i32
      %dma_wait3A_44 = tpu.memref_slice %arg5[%mul3A_2, %dma_wait3A_43] : memref<10112x64xf32, #tpu.memory_space<hbm>> -> memref<632x64xf32, #tpu.memory_space<hbm>>
      tpu.wait_dma2 semaphore(%run_scoped3A : memref<!tpu.dma_semaphore, #tpu.memory_space<semaphore_mem>>) src(%dma_wait3A_44 : memref<632x64xf32, #tpu.memory_space<hbm>>) dst(%dma_wait3A_42 : memref<632x64xf32, #tpu.memory_space<vmem_shared>>)
      tpu.yield
    }) : () -> ()
    %barrier3A = arith.constant 0 : index
    tpu.barrier barrier_id(%barrier3A)
    %dma_start3A = arith.constant 0 : i32
    %dma_start3A_5 = arith.constant 0 : i32
    %dma_start3A_6 = tpu.memref_slice %arg7[%dma_start3A, %dma_start3A_5] : memref<160x64xi32, #tpu.memory_space<vmem>> -> memref<1x64xi32, #tpu.memory_space<vmem>>
    %dma_start3A_7 = tpu.memref_squeeze %dma_start3A_6 : memref<1x64xi32, #tpu.memory_space<vmem>> -> memref<64xi32, #tpu.memory_space<vmem>>
    %dma_start3A_8 = arith.constant 0 : i32
    %dma_start3A_9 = arith.constant 0 : i32
    %dma_start3A_10 = tpu.memref_slice %arg4[%dma_start3A_8, %dma_start3A_9] : memref<10000x64xf32, #tpu.memory_space<hbm>> -> memref<10000x64xf32, #tpu.memory_space<hbm>>
    tpu.enqueue_indirect_dma source(%dma_start3A_10 : memref<10000x64xf32, #tpu.memory_space<hbm>>) target(%arg9 : memref<64x64xf32, #tpu.memory_space<vmem>>) offsets(%dma_start3A_7 : memref<64xi32, #tpu.memory_space<vmem>>) semaphore(%arg14 : memref<!tpu.dma_semaphore, #tpu.memory_space<semaphore_mem>>)
    %dma_start3A_11 = arith.constant 1 : i32
    %dma_start3A_12 = arith.constant 0 : i32
    %dma_start3A_13 = tpu.memref_slice %arg7[%dma_start3A_11, %dma_start3A_12] : memref<160x64xi32, #tpu.memory_space<vmem>> -> memref<1x64xi32, #tpu.memory_space<vmem>>
    %dma_start3A_14 = tpu.memref_squeeze %dma_start3A_13 : memref<1x64xi32, #tpu.memory_space<vmem>> -> memref<64xi32, #tpu.memory_space<vmem>>
    %dma_start3A_15 = arith.constant 0 : i32
    %dma_start3A_16 = arith.constant 0 : i32
    %dma_start3A_17 = tpu.memref_slice %arg4[%dma_start3A_15, %dma_start3A_16] : memref<10000x64xf32, #tpu.memory_space<hbm>> -> memref<10000x64xf32, #tpu.memory_space<hbm>>
    tpu.enqueue_indirect_dma source(%dma_start3A_17 : memref<10000x64xf32, #tpu.memory_space<hbm>>) target(%arg10 : memref<64x64xf32, #tpu.memory_space<vmem>>) offsets(%dma_start3A_14 : memref<64xi32, #tpu.memory_space<vmem>>) semaphore(%arg15 : memref<!tpu.dma_semaphore, #tpu.memory_space<semaphore_mem>>)
    %dma_start3A_18 = arith.constant 2 : i32
    %dma_start3A_19 = arith.constant 0 : i32
    %dma_start3A_20 = tpu.memref_slice %arg7[%dma_start3A_18, %dma_start3A_19] : memref<160x64xi32, #tpu.memory_space<vmem>> -> memref<1x64xi32, #tpu.memory_space<vmem>>
    %dma_start3A_21 = tpu.memref_squeeze %dma_start3A_20 : memref<1x64xi32, #tpu.memory_space<vmem>> -> memref<64xi32, #tpu.memory_space<vmem>>
    %dma_start3A_22 = arith.constant 0 : i32
    %dma_start3A_23 = arith.constant 0 : i32
    %dma_start3A_24 = tpu.memref_slice %arg4[%dma_start3A_22, %dma_start3A_23] : memref<10000x64xf32, #tpu.memory_space<hbm>> -> memref<10000x64xf32, #tpu.memory_space<hbm>>
    tpu.enqueue_indirect_dma source(%dma_start3A_24 : memref<10000x64xf32, #tpu.memory_space<hbm>>) target(%arg11 : memref<64x64xf32, #tpu.memory_space<vmem>>) offsets(%dma_start3A_21 : memref<64xi32, #tpu.memory_space<vmem>>) semaphore(%arg16 : memref<!tpu.dma_semaphore, #tpu.memory_space<semaphore_mem>>)
    %scan3A = arith.constant 0 : i32
    %scan3A_25 = arith.constant 0 : i32
    %scan3A_26 = arith.constant 40 : i32
    %scan3A_27 = arith.addi %scan3A_25, %scan3A_26 : i32
    %scan3A_28 = arith.constant 1 : i32
    scf.for %scan3A_37 = %scan3A_25 to %scan3A_27 step %scan3A_28  : i32 {
      %mul3A_38 = arith.constant 4 : i32
      %mul3A_39 = arith.muli %scan3A_37, %mul3A_38 : i32
      %add3A_40 = arith.constant 0 : i32
      %add3A_41 = arith.addi %mul3A_39, %add3A_40 : i32
      %add3A_42 = arith.constant 4 : i32
      %add3A_43 = arith.addi %add3A_41, %add3A_42 : i32
      %sub3A = arith.constant 1 : i32
      %sub3A_44 = arith.subi %add3A_43, %sub3A : i32
      %gt3A = arith.constant 0 : i32
      %gt3A_45 = arith.cmpi sgt, %scan3A_37, %gt3A : i32
      %convert_element_type3A = arith.extui %gt3A_45 : i1 to i32
      %cond3A = arith.constant 0 : i32
      %cond3A_46 = arith.cmpi ne, %convert_element_type3A, %cond3A : i32
      scf.if %cond3A_46 {
        %dma_wait3A_159 = arith.constant 0 : i32
        %dma_wait3A_160 = arith.constant 0 : i32
        %dma_wait3A_161 = tpu.memref_slice %arg8[%dma_wait3A_159, %dma_wait3A_160] : memref<160x64xi32, #tpu.memory_space<vmem>> -> memref<1x64xi32, #tpu.memory_space<vmem>>
        %dma_wait3A_162 = tpu.memref_squeeze %dma_wait3A_161 : memref<1x64xi32, #tpu.memory_space<vmem>> -> memref<64xi32, #tpu.memory_space<vmem>>
        %dma_wait3A_163 = arith.constant 0 : i32
        %dma_wait3A_164 = arith.constant 0 : i32
        %dma_wait3A_165 = tpu.memref_slice %arg13[%dma_wait3A_163, %dma_wait3A_164] : memref<10112x64xf32, #tpu.memory_space<vmem_shared>> -> memref<10112x64xf32, #tpu.memory_space<vmem_shared>>
        tpu.wait_indirect_dma semaphore(%arg21 : memref<!tpu.dma_semaphore, #tpu.memory_space<semaphore_mem>>) src(%arg12 : memref<64x64xf32, #tpu.memory_space<vmem>>) dst(%dma_wait3A_165 : memref<10112x64xf32, #tpu.memory_space<vmem_shared>>)
      } else {
      }
      %lt3A = arith.constant 160 : i32
      %lt3A_47 = arith.cmpi slt, %sub3A_44, %lt3A : i32
      %convert_element_type3A_48 = arith.extui %lt3A_47 : i1 to i32
      %cond3A_49 = arith.constant 0 : i32
      %cond3A_50 = arith.cmpi ne, %convert_element_type3A_48, %cond3A_49 : i32
      scf.if %cond3A_50 {
        %dma_start3A_159 = arith.constant 0 : i32
        %dma_start3A_160 = tpu.memref_slice %arg7[%sub3A_44, %dma_start3A_159] : memref<160x64xi32, #tpu.memory_space<vmem>> -> memref<1x64xi32, #tpu.memory_space<vmem>>
        %dma_start3A_161 = tpu.memref_squeeze %dma_start3A_160 : memref<1x64xi32, #tpu.memory_space<vmem>> -> memref<64xi32, #tpu.memory_space<vmem>>
        %dma_start3A_162 = arith.constant 0 : i32
        %dma_start3A_163 = arith.constant 0 : i32
        %dma_start3A_164 = tpu.memref_slice %arg4[%dma_start3A_162, %dma_start3A_163] : memref<10000x64xf32, #tpu.memory_space<hbm>> -> memref<10000x64xf32, #tpu.memory_space<hbm>>
        tpu.enqueue_indirect_dma source(%dma_start3A_164 : memref<10000x64xf32, #tpu.memory_space<hbm>>) target(%arg12 : memref<64x64xf32, #tpu.memory_space<vmem>>) offsets(%dma_start3A_161 : memref<64xi32, #tpu.memory_space<vmem>>) semaphore(%arg17 : memref<!tpu.dma_semaphore, #tpu.memory_space<semaphore_mem>>)
      } else {
      }
      %dma_wait3A_51 = arith.constant 0 : i32
      %dma_wait3A_52 = tpu.memref_slice %arg7[%add3A_41, %dma_wait3A_51] : memref<160x64xi32, #tpu.memory_space<vmem>> -> memref<1x64xi32, #tpu.memory_space<vmem>>
      %dma_wait3A_53 = tpu.memref_squeeze %dma_wait3A_52 : memref<1x64xi32, #tpu.memory_space<vmem>> -> memref<64xi32, #tpu.memory_space<vmem>>
      %dma_wait3A_54 = arith.constant 0 : i32
      %dma_wait3A_55 = arith.constant 0 : i32
      %dma_wait3A_56 = tpu.memref_slice %arg4[%dma_wait3A_54, %dma_wait3A_55] : memref<10000x64xf32, #tpu.memory_space<hbm>> -> memref<10000x64xf32, #tpu.memory_space<hbm>>
      tpu.wait_indirect_dma semaphore(%arg14 : memref<!tpu.dma_semaphore, #tpu.memory_space<semaphore_mem>>) src(%dma_wait3A_56 : memref<10000x64xf32, #tpu.memory_space<hbm>>) dst(%arg9 : memref<64x64xf32, #tpu.memory_space<vmem>>)
      %dma_start3A_57 = arith.constant 0 : i32
      %dma_start3A_58 = tpu.memref_slice %arg8[%add3A_41, %dma_start3A_57] : memref<160x64xi32, #tpu.memory_space<vmem>> -> memref<1x64xi32, #tpu.memory_space<vmem>>
      %dma_start3A_59 = tpu.memref_squeeze %dma_start3A_58 : memref<1x64xi32, #tpu.memory_space<vmem>> -> memref<64xi32, #tpu.memory_space<vmem>>
      %dma_start3A_60 = arith.constant 0 : i32
      %dma_start3A_61 = arith.constant 0 : i32
      %dma_start3A_62 = tpu.memref_slice %arg13[%dma_start3A_60, %dma_start3A_61] : memref<10112x64xf32, #tpu.memory_space<vmem_shared>> -> memref<10112x64xf32, #tpu.memory_space<vmem_shared>>
      tpu.enqueue_indirect_dma source(%arg9 : memref<64x64xf32, #tpu.memory_space<vmem>>) target(%dma_start3A_62 : memref<10112x64xf32, #tpu.memory_space<vmem_shared>>) offsets(%dma_start3A_59 : memref<64xi32, #tpu.memory_space<vmem>>) semaphore(%arg18 : memref<!tpu.dma_semaphore, #tpu.memory_space<semaphore_mem>>) {add = true}
      %mul3A_63 = arith.constant 4 : i32
      %mul3A_64 = arith.muli %scan3A_37, %mul3A_63 : i32
      %add3A_65 = arith.constant 1 : i32
      %add3A_66 = arith.addi %mul3A_64, %add3A_65 : i32
      %add3A_67 = arith.constant 4 : i32
      %add3A_68 = arith.addi %add3A_66, %add3A_67 : i32
      %sub3A_69 = arith.constant 1 : i32
      %sub3A_70 = arith.subi %add3A_68, %sub3A_69 : i32
      %dma_wait3A_71 = arith.constant 0 : i32
      %dma_wait3A_72 = arith.constant 0 : i32
      %dma_wait3A_73 = tpu.memref_slice %arg8[%dma_wait3A_71, %dma_wait3A_72] : memref<160x64xi32, #tpu.memory_space<vmem>> -> memref<1x64xi32, #tpu.memory_space<vmem>>
      %dma_wait3A_74 = tpu.memref_squeeze %dma_wait3A_73 : memref<1x64xi32, #tpu.memory_space<vmem>> -> memref<64xi32, #tpu.memory_space<vmem>>
      %dma_wait3A_75 = arith.constant 0 : i32
      %dma_wait3A_76 = arith.constant 0 : i32
      %dma_wait3A_77 = tpu.memref_slice %arg13[%dma_wait3A_75, %dma_wait3A_76] : memref<10112x64xf32, #tpu.memory_space<vmem_shared>> -> memref<10112x64xf32, #tpu.memory_space<vmem_shared>>
      tpu.wait_indirect_dma semaphore(%arg18 : memref<!tpu.dma_semaphore, #tpu.memory_space<semaphore_mem>>) src(%arg9 : memref<64x64xf32, #tpu.memory_space<vmem>>) dst(%dma_wait3A_77 : memref<10112x64xf32, #tpu.memory_space<vmem_shared>>)
      %lt3A_78 = arith.constant 160 : i32
      %lt3A_79 = arith.cmpi slt, %sub3A_70, %lt3A_78 : i32
      %convert_element_type3A_80 = arith.extui %lt3A_79 : i1 to i32
      %cond3A_81 = arith.constant 0 : i32
      %cond3A_82 = arith.cmpi ne, %convert_element_type3A_80, %cond3A_81 : i32
      scf.if %cond3A_82 {
        %dma_start3A_159 = arith.constant 0 : i32
        %dma_start3A_160 = tpu.memref_slice %arg7[%sub3A_70, %dma_start3A_159] : memref<160x64xi32, #tpu.memory_space<vmem>> -> memref<1x64xi32, #tpu.memory_space<vmem>>
        %dma_start3A_161 = tpu.memref_squeeze %dma_start3A_160 : memref<1x64xi32, #tpu.memory_space<vmem>> -> memref<64xi32, #tpu.memory_space<vmem>>
        %dma_start3A_162 = arith.constant 0 : i32
        %dma_start3A_163 = arith.constant 0 : i32
        %dma_start3A_164 = tpu.memref_slice %arg4[%dma_start3A_162, %dma_start3A_163] : memref<10000x64xf32, #tpu.memory_space<hbm>> -> memref<10000x64xf32, #tpu.memory_space<hbm>>
        tpu.enqueue_indirect_dma source(%dma_start3A_164 : memref<10000x64xf32, #tpu.memory_space<hbm>>) target(%arg9 : memref<64x64xf32, #tpu.memory_space<vmem>>) offsets(%dma_start3A_161 : memref<64xi32, #tpu.memory_space<vmem>>) semaphore(%arg14 : memref<!tpu.dma_semaphore, #tpu.memory_space<semaphore_mem>>)
      } else {
      }
      %dma_wait3A_83 = arith.constant 0 : i32
      %dma_wait3A_84 = tpu.memref_slice %arg7[%add3A_66, %dma_wait3A_83] : memref<160x64xi32, #tpu.memory_space<vmem>> -> memref<1x64xi32, #tpu.memory_space<vmem>>
      %dma_wait3A_85 = tpu.memref_squeeze %dma_wait3A_84 : memref<1x64xi32, #tpu.memory_space<vmem>> -> memref<64xi32, #tpu.memory_space<vmem>>
      %dma_wait3A_86 = arith.constant 0 : i32
      %dma_wait3A_87 = arith.constant 0 : i32
      %dma_wait3A_88 = tpu.memref_slice %arg4[%dma_wait3A_86, %dma_wait3A_87] : memref<10000x64xf32, #tpu.memory_space<hbm>> -> memref<10000x64xf32, #tpu.memory_space<hbm>>
      tpu.wait_indirect_dma semaphore(%arg15 : memref<!tpu.dma_semaphore, #tpu.memory_space<semaphore_mem>>) src(%dma_wait3A_88 : memref<10000x64xf32, #tpu.memory_space<hbm>>) dst(%arg10 : memref<64x64xf32, #tpu.memory_space<vmem>>)
      %dma_start3A_89 = arith.constant 0 : i32
      %dma_start3A_90 = tpu.memref_slice %arg8[%add3A_66, %dma_start3A_89] : memref<160x64xi32, #tpu.memory_space<vmem>> -> memref<1x64xi32, #tpu.memory_space<vmem>>
      %dma_start3A_91 = tpu.memref_squeeze %dma_start3A_90 : memref<1x64xi32, #tpu.memory_space<vmem>> -> memref<64xi32, #tpu.memory_space<vmem>>
      %dma_start3A_92 = arith.constant 0 : i32
      %dma_start3A_93 = arith.constant 0 : i32
      %dma_start3A_94 = tpu.memref_slice %arg13[%dma_start3A_92, %dma_start3A_93] : memref<10112x64xf32, #tpu.memory_space<vmem_shared>> -> memref<10112x64xf32, #tpu.memory_space<vmem_shared>>
      tpu.enqueue_indirect_dma source(%arg10 : memref<64x64xf32, #tpu.memory_space<vmem>>) target(%dma_start3A_94 : memref<10112x64xf32, #tpu.memory_space<vmem_shared>>) offsets(%dma_start3A_91 : memref<64xi32, #tpu.memory_space<vmem>>) semaphore(%arg19 : memref<!tpu.dma_semaphore, #tpu.memory_space<semaphore_mem>>) {add = true}
      %mul3A_95 = arith.constant 4 : i32
      %mul3A_96 = arith.muli %scan3A_37, %mul3A_95 : i32
      %add3A_97 = arith.constant 2 : i32
      %add3A_98 = arith.addi %mul3A_96, %add3A_97 : i32
      %add3A_99 = arith.constant 4 : i32
      %add3A_100 = arith.addi %add3A_98, %add3A_99 : i32
      %sub3A_101 = arith.constant 1 : i32
      %sub3A_102 = arith.subi %add3A_100, %sub3A_101 : i32
      %dma_wait3A_103 = arith.constant 0 : i32
      %dma_wait3A_104 = arith.constant 0 : i32
      %dma_wait3A_105 = tpu.memref_slice %arg8[%dma_wait3A_103, %dma_wait3A_104] : memref<160x64xi32, #tpu.memory_space<vmem>> -> memref<1x64xi32, #tpu.memory_space<vmem>>
      %dma_wait3A_106 = tpu.memref_squeeze %dma_wait3A_105 : memref<1x64xi32, #tpu.memory_space<vmem>> -> memref<64xi32, #tpu.memory_space<vmem>>
      %dma_wait3A_107 = arith.constant 0 : i32
      %dma_wait3A_108 = arith.constant 0 : i32
      %dma_wait3A_109 = tpu.memref_slice %arg13[%dma_wait3A_107, %dma_wait3A_108] : memref<10112x64xf32, #tpu.memory_space<vmem_shared>> -> memref<10112x64xf32, #tpu.memory_space<vmem_shared>>
      tpu.wait_indirect_dma semaphore(%arg19 : memref<!tpu.dma_semaphore, #tpu.memory_space<semaphore_mem>>) src(%arg10 : memref<64x64xf32, #tpu.memory_space<vmem>>) dst(%dma_wait3A_109 : memref<10112x64xf32, #tpu.memory_space<vmem_shared>>)
      %lt3A_110 = arith.constant 160 : i32
      %lt3A_111 = arith.cmpi slt, %sub3A_102, %lt3A_110 : i32
      %convert_element_type3A_112 = arith.extui %lt3A_111 : i1 to i32
      %cond3A_113 = arith.constant 0 : i32
      %cond3A_114 = arith.cmpi ne, %convert_element_type3A_112, %cond3A_113 : i32
      scf.if %cond3A_114 {
        %dma_start3A_159 = arith.constant 0 : i32
        %dma_start3A_160 = tpu.memref_slice %arg7[%sub3A_102, %dma_start3A_159] : memref<160x64xi32, #tpu.memory_space<vmem>> -> memref<1x64xi32, #tpu.memory_space<vmem>>
        %dma_start3A_161 = tpu.memref_squeeze %dma_start3A_160 : memref<1x64xi32, #tpu.memory_space<vmem>> -> memref<64xi32, #tpu.memory_space<vmem>>
        %dma_start3A_162 = arith.constant 0 : i32
        %dma_start3A_163 = arith.constant 0 : i32
        %dma_start3A_164 = tpu.memref_slice %arg4[%dma_start3A_162, %dma_start3A_163] : memref<10000x64xf32, #tpu.memory_space<hbm>> -> memref<10000x64xf32, #tpu.memory_space<hbm>>
        tpu.enqueue_indirect_dma source(%dma_start3A_164 : memref<10000x64xf32, #tpu.memory_space<hbm>>) target(%arg10 : memref<64x64xf32, #tpu.memory_space<vmem>>) offsets(%dma_start3A_161 : memref<64xi32, #tpu.memory_space<vmem>>) semaphore(%arg15 : memref<!tpu.dma_semaphore, #tpu.memory_space<semaphore_mem>>)
      } else {
      }
      %dma_wait3A_115 = arith.constant 0 : i32
      %dma_wait3A_116 = tpu.memref_slice %arg7[%add3A_98, %dma_wait3A_115] : memref<160x64xi32, #tpu.memory_space<vmem>> -> memref<1x64xi32, #tpu.memory_space<vmem>>
      %dma_wait3A_117 = tpu.memref_squeeze %dma_wait3A_116 : memref<1x64xi32, #tpu.memory_space<vmem>> -> memref<64xi32, #tpu.memory_space<vmem>>
      %dma_wait3A_118 = arith.constant 0 : i32
      %dma_wait3A_119 = arith.constant 0 : i32
      %dma_wait3A_120 = tpu.memref_slice %arg4[%dma_wait3A_118, %dma_wait3A_119] : memref<10000x64xf32, #tpu.memory_space<hbm>> -> memref<10000x64xf32, #tpu.memory_space<hbm>>
      tpu.wait_indirect_dma semaphore(%arg16 : memref<!tpu.dma_semaphore, #tpu.memory_space<semaphore_mem>>) src(%dma_wait3A_120 : memref<10000x64xf32, #tpu.memory_space<hbm>>) dst(%arg11 : memref<64x64xf32, #tpu.memory_space<vmem>>)
      %dma_start3A_121 = arith.constant 0 : i32
      %dma_start3A_122 = tpu.memref_slice %arg8[%add3A_98, %dma_start3A_121] : memref<160x64xi32, #tpu.memory_space<vmem>> -> memref<1x64xi32, #tpu.memory_space<vmem>>
      %dma_start3A_123 = tpu.memref_squeeze %dma_start3A_122 : memref<1x64xi32, #tpu.memory_space<vmem>> -> memref<64xi32, #tpu.memory_space<vmem>>
      %dma_start3A_124 = arith.constant 0 : i32
      %dma_start3A_125 = arith.constant 0 : i32
      %dma_start3A_126 = tpu.memref_slice %arg13[%dma_start3A_124, %dma_start3A_125] : memref<10112x64xf32, #tpu.memory_space<vmem_shared>> -> memref<10112x64xf32, #tpu.memory_space<vmem_shared>>
      tpu.enqueue_indirect_dma source(%arg11 : memref<64x64xf32, #tpu.memory_space<vmem>>) target(%dma_start3A_126 : memref<10112x64xf32, #tpu.memory_space<vmem_shared>>) offsets(%dma_start3A_123 : memref<64xi32, #tpu.memory_space<vmem>>) semaphore(%arg20 : memref<!tpu.dma_semaphore, #tpu.memory_space<semaphore_mem>>) {add = true}
      %mul3A_127 = arith.constant 4 : i32
      %mul3A_128 = arith.muli %scan3A_37, %mul3A_127 : i32
      %add3A_129 = arith.constant 3 : i32
      %add3A_130 = arith.addi %mul3A_128, %add3A_129 : i32
      %add3A_131 = arith.constant 4 : i32
      %add3A_132 = arith.addi %add3A_130, %add3A_131 : i32
      %sub3A_133 = arith.constant 1 : i32
      %sub3A_134 = arith.subi %add3A_132, %sub3A_133 : i32
      %dma_wait3A_135 = arith.constant 0 : i32
      %dma_wait3A_136 = arith.constant 0 : i32
      %dma_wait3A_137 = tpu.memref_slice %arg8[%dma_wait3A_135, %dma_wait3A_136] : memref<160x64xi32, #tpu.memory_space<vmem>> -> memref<1x64xi32, #tpu.memory_space<vmem>>
      %dma_wait3A_138 = tpu.memref_squeeze %dma_wait3A_137 : memref<1x64xi32, #tpu.memory_space<vmem>> -> memref<64xi32, #tpu.memory_space<vmem>>
      %dma_wait3A_139 = arith.constant 0 : i32
      %dma_wait3A_140 = arith.constant 0 : i32
      %dma_wait3A_141 = tpu.memref_slice %arg13[%dma_wait3A_139, %dma_wait3A_140] : memref<10112x64xf32, #tpu.memory_space<vmem_shared>> -> memref<10112x64xf32, #tpu.memory_space<vmem_shared>>
      tpu.wait_indirect_dma semaphore(%arg20 : memref<!tpu.dma_semaphore, #tpu.memory_space<semaphore_mem>>) src(%arg11 : memref<64x64xf32, #tpu.memory_space<vmem>>) dst(%dma_wait3A_141 : memref<10112x64xf32, #tpu.memory_space<vmem_shared>>)
      %lt3A_142 = arith.constant 160 : i32
      %lt3A_143 = arith.cmpi slt, %sub3A_134, %lt3A_142 : i32
      %convert_element_type3A_144 = arith.extui %lt3A_143 : i1 to i32
      %cond3A_145 = arith.constant 0 : i32
      %cond3A_146 = arith.cmpi ne, %convert_element_type3A_144, %cond3A_145 : i32
      scf.if %cond3A_146 {
        %dma_start3A_159 = arith.constant 0 : i32
        %dma_start3A_160 = tpu.memref_slice %arg7[%sub3A_134, %dma_start3A_159] : memref<160x64xi32, #tpu.memory_space<vmem>> -> memref<1x64xi32, #tpu.memory_space<vmem>>
        %dma_start3A_161 = tpu.memref_squeeze %dma_start3A_160 : memref<1x64xi32, #tpu.memory_space<vmem>> -> memref<64xi32, #tpu.memory_space<vmem>>
        %dma_start3A_162 = arith.constant 0 : i32
        %dma_start3A_163 = arith.constant 0 : i32
        %dma_start3A_164 = tpu.memref_slice %arg4[%dma_start3A_162, %dma_start3A_163] : memref<10000x64xf32, #tpu.memory_space<hbm>> -> memref<10000x64xf32, #tpu.memory_space<hbm>>
        tpu.enqueue_indirect_dma source(%dma_start3A_164 : memref<10000x64xf32, #tpu.memory_space<hbm>>) target(%arg11 : memref<64x64xf32, #tpu.memory_space<vmem>>) offsets(%dma_start3A_161 : memref<64xi32, #tpu.memory_space<vmem>>) semaphore(%arg16 : memref<!tpu.dma_semaphore, #tpu.memory_space<semaphore_mem>>)
      } else {
      }
      %dma_wait3A_147 = arith.constant 0 : i32
      %dma_wait3A_148 = tpu.memref_slice %arg7[%add3A_130, %dma_wait3A_147] : memref<160x64xi32, #tpu.memory_space<vmem>> -> memref<1x64xi32, #tpu.memory_space<vmem>>
      %dma_wait3A_149 = tpu.memref_squeeze %dma_wait3A_148 : memref<1x64xi32, #tpu.memory_space<vmem>> -> memref<64xi32, #tpu.memory_space<vmem>>
      %dma_wait3A_150 = arith.constant 0 : i32
      %dma_wait3A_151 = arith.constant 0 : i32
      %dma_wait3A_152 = tpu.memref_slice %arg4[%dma_wait3A_150, %dma_wait3A_151] : memref<10000x64xf32, #tpu.memory_space<hbm>> -> memref<10000x64xf32, #tpu.memory_space<hbm>>
      tpu.wait_indirect_dma semaphore(%arg17 : memref<!tpu.dma_semaphore, #tpu.memory_space<semaphore_mem>>) src(%dma_wait3A_152 : memref<10000x64xf32, #tpu.memory_space<hbm>>) dst(%arg12 : memref<64x64xf32, #tpu.memory_space<vmem>>)
      %dma_start3A_153 = arith.constant 0 : i32
      %dma_start3A_154 = tpu.memref_slice %arg8[%add3A_130, %dma_start3A_153] : memref<160x64xi32, #tpu.memory_space<vmem>> -> memref<1x64xi32, #tpu.memory_space<vmem>>
      %dma_start3A_155 = tpu.memref_squeeze %dma_start3A_154 : memref<1x64xi32, #tpu.memory_space<vmem>> -> memref<64xi32, #tpu.memory_space<vmem>>
      %dma_start3A_156 = arith.constant 0 : i32
      %dma_start3A_157 = arith.constant 0 : i32
      %dma_start3A_158 = tpu.memref_slice %arg13[%dma_start3A_156, %dma_start3A_157] : memref<10112x64xf32, #tpu.memory_space<vmem_shared>> -> memref<10112x64xf32, #tpu.memory_space<vmem_shared>>
      tpu.enqueue_indirect_dma source(%arg12 : memref<64x64xf32, #tpu.memory_space<vmem>>) target(%dma_start3A_158 : memref<10112x64xf32, #tpu.memory_space<vmem_shared>>) offsets(%dma_start3A_155 : memref<64xi32, #tpu.memory_space<vmem>>) semaphore(%arg21 : memref<!tpu.dma_semaphore, #tpu.memory_space<semaphore_mem>>) {add = true}
    }
    %scan3A_29 = arith.constant 40 : i32
    %dma_wait3A = arith.constant 159 : i32
    %dma_wait3A_30 = arith.constant 0 : i32
    %dma_wait3A_31 = tpu.memref_slice %arg8[%dma_wait3A, %dma_wait3A_30] : memref<160x64xi32, #tpu.memory_space<vmem>> -> memref<1x64xi32, #tpu.memory_space<vmem>>
    %dma_wait3A_32 = tpu.memref_squeeze %dma_wait3A_31 : memref<1x64xi32, #tpu.memory_space<vmem>> -> memref<64xi32, #tpu.memory_space<vmem>>
    %dma_wait3A_33 = arith.constant 0 : i32
    %dma_wait3A_34 = arith.constant 0 : i32
    %dma_wait3A_35 = tpu.memref_slice %arg13[%dma_wait3A_33, %dma_wait3A_34] : memref<10112x64xf32, #tpu.memory_space<vmem_shared>> -> memref<10112x64xf32, #tpu.memory_space<vmem_shared>>
    tpu.wait_indirect_dma semaphore(%arg21 : memref<!tpu.dma_semaphore, #tpu.memory_space<semaphore_mem>>) src(%arg12 : memref<64x64xf32, #tpu.memory_space<vmem>>) dst(%dma_wait3A_35 : memref<10112x64xf32, #tpu.memory_space<vmem_shared>>)
    %barrier3A_36 = arith.constant 0 : index
    tpu.barrier barrier_id(%barrier3A_36)
    "tpu.region"() ({
      %run_scoped3A = tpu.sem_alloc : memref<!tpu.dma_semaphore, #tpu.memory_space<semaphore_mem>>
      %dma_start3A_37 = arith.constant 0 : i32
      %dma_start3A_38 = tpu.memref_slice %arg6[%arg0, %mul3A_2, %dma_start3A_37] : memref<2x10112x64xf32, #tpu.memory_space<hbm>> -> memref<1x632x64xf32, #tpu.memory_space<hbm>>
      %dma_start3A_39 = tpu.memref_squeeze %dma_start3A_38 : memref<1x632x64xf32, #tpu.memory_space<hbm>> -> memref<632x64xf32, #tpu.memory_space<hbm>>
      %dma_start3A_40 = arith.constant 0 : i32
      %dma_start3A_41 = tpu.memref_slice %arg13[%mul3A_2, %dma_start3A_40] : memref<10112x64xf32, #tpu.memory_space<vmem_shared>> -> memref<632x64xf32, #tpu.memory_space<vmem_shared>>
      tpu.enqueue_dma source(%dma_start3A_41 : memref<632x64xf32, #tpu.memory_space<vmem_shared>>) target(%dma_start3A_39 : memref<632x64xf32, #tpu.memory_space<hbm>>) target_semaphore(%run_scoped3A : memref<!tpu.dma_semaphore, #tpu.memory_space<semaphore_mem>>)
      %dma_wait3A_42 = arith.constant 0 : i32
      %dma_wait3A_43 = tpu.memref_slice %arg6[%arg0, %mul3A_2, %dma_wait3A_42] : memref<2x10112x64xf32, #tpu.memory_space<hbm>> -> memref<1x632x64xf32, #tpu.memory_space<hbm>>
      %dma_wait3A_44 = tpu.memref_squeeze %dma_wait3A_43 : memref<1x632x64xf32, #tpu.memory_space<hbm>> -> memref<632x64xf32, #tpu.memory_space<hbm>>
      %dma_wait3A_45 = arith.constant 0 : i32
      %dma_wait3A_46 = tpu.memref_slice %arg13[%mul3A_2, %dma_wait3A_45] : memref<10112x64xf32, #tpu.memory_space<vmem_shared>> -> memref<632x64xf32, #tpu.memory_space<vmem_shared>>
      tpu.wait_dma2 semaphore(%run_scoped3A : memref<!tpu.dma_semaphore, #tpu.memory_space<semaphore_mem>>) src(%dma_wait3A_46 : memref<632x64xf32, #tpu.memory_space<vmem_shared>>) dst(%dma_wait3A_44 : memref<632x64xf32, #tpu.memory_space<hbm>>)
      tpu.yield
    }) : () -> ()
    return
  }
}

#map = affine_map<(d0, d1) -> (0, 0)>
#map1 = affine_map<(d0, d1) -> (0, 0, 0)>
module attributes {stable_mosaic.version = 14 : i64} {
  func.func @agg(%arg0: i32, %arg1: i32, %arg2: memref<5120x64xi32, #tpu.memory_space<hbm>>, %arg3: memref<5120x64xi32, #tpu.memory_space<hbm>>, %arg4: memref<10000x128xf32, #tpu.memory_space<hbm>>, %arg5: memref<10112x128xf32, #tpu.memory_space<hbm>>, %arg6: memref<2x10112x128xf32, #tpu.memory_space<hbm>>, %arg7: memref<160x64xi32, #tpu.memory_space<vmem>>, %arg8: memref<160x64xi32, #tpu.memory_space<vmem>>, %arg9: memref<64x128xf32, #tpu.memory_space<vmem>>, %arg10: memref<64x128xf32, #tpu.memory_space<vmem>>, %arg11: memref<64x128xf32, #tpu.memory_space<vmem>>, %arg12: memref<10112x128xf32, #tpu.memory_space<vmem_shared>>, %arg13: memref<!tpu.dma_semaphore, #tpu.memory_space<semaphore_mem>>, %arg14: memref<!tpu.dma_semaphore, #tpu.memory_space<semaphore_mem>>, %arg15: memref<!tpu.dma_semaphore, #tpu.memory_space<semaphore_mem>>, %arg16: memref<!tpu.dma_semaphore, #tpu.memory_space<semaphore_mem>>, %arg17: memref<!tpu.dma_semaphore, #tpu.memory_space<semaphore_mem>>, %arg18: memref<!tpu.dma_semaphore, #tpu.memory_space<semaphore_mem>>) attributes {dimension_semantics = [#tpu.dimension_semantics<core_parallel>, #tpu.dimension_semantics<subcore_parallel>], iteration_bounds = array<i64: 2, 16>, scalar_prefetch = 0 : i64, scratch_operands = 12 : i64, tpu.core_type = #tpu.core_type<sc_vector_subcore>, window_params = [{transform_indices = #map}, {transform_indices = #map}, {transform_indices = #map}, {transform_indices = #map}, {transform_indices = #map1}]} {
    %mul3A = arith.constant 2 : i32
    %mul3A_0 = arith.muli %arg1, %mul3A : i32
    %add3A = arith.addi %mul3A_0, %arg0 : i32
    %mul3A_1 = arith.constant 632 : i32
    %mul3A_2 = arith.muli %arg1, %mul3A_1 : i32
    %mul3A_3 = arith.constant 160 : i32
    %mul3A_4 = arith.muli %add3A, %mul3A_3 : i32
    "tpu.region"() ({
      %run_scoped3A = tpu.sem_alloc : memref<!tpu.dma_semaphore, #tpu.memory_space<semaphore_mem>>
      %dma_start3A_51 = arith.constant 0 : i32
      %dma_start3A_52 = tpu.memref_slice %arg2[%mul3A_4, %dma_start3A_51] : memref<5120x64xi32, #tpu.memory_space<hbm>> -> memref<160x64xi32, #tpu.memory_space<hbm>>
      %dma_start3A_53 = arith.constant 0 : i32
      %dma_start3A_54 = tpu.memref_slice %arg2[%mul3A_4, %dma_start3A_53] : memref<5120x64xi32, #tpu.memory_space<hbm>> -> memref<160x64xi32, #tpu.memory_space<hbm>>
      tpu.enqueue_dma source(%dma_start3A_54 : memref<160x64xi32, #tpu.memory_space<hbm>>) target(%arg7 : memref<160x64xi32, #tpu.memory_space<vmem>>) target_semaphore(%run_scoped3A : memref<!tpu.dma_semaphore, #tpu.memory_space<semaphore_mem>>)
      %dma_wait3A_55 = arith.constant 0 : i32
      %dma_wait3A_56 = tpu.memref_slice %arg2[%mul3A_4, %dma_wait3A_55] : memref<5120x64xi32, #tpu.memory_space<hbm>> -> memref<160x64xi32, #tpu.memory_space<hbm>>
      %dma_wait3A_57 = arith.constant 0 : i32
      %dma_wait3A_58 = tpu.memref_slice %arg2[%mul3A_4, %dma_wait3A_57] : memref<5120x64xi32, #tpu.memory_space<hbm>> -> memref<160x64xi32, #tpu.memory_space<hbm>>
      tpu.wait_dma2 semaphore(%run_scoped3A : memref<!tpu.dma_semaphore, #tpu.memory_space<semaphore_mem>>) src(%dma_wait3A_58 : memref<160x64xi32, #tpu.memory_space<hbm>>) dst(%arg7 : memref<160x64xi32, #tpu.memory_space<vmem>>)
      tpu.yield
    }) : () -> ()
    "tpu.region"() ({
      %run_scoped3A = tpu.sem_alloc : memref<!tpu.dma_semaphore, #tpu.memory_space<semaphore_mem>>
      %dma_start3A_51 = arith.constant 0 : i32
      %dma_start3A_52 = tpu.memref_slice %arg3[%mul3A_4, %dma_start3A_51] : memref<5120x64xi32, #tpu.memory_space<hbm>> -> memref<160x64xi32, #tpu.memory_space<hbm>>
      %dma_start3A_53 = arith.constant 0 : i32
      %dma_start3A_54 = tpu.memref_slice %arg3[%mul3A_4, %dma_start3A_53] : memref<5120x64xi32, #tpu.memory_space<hbm>> -> memref<160x64xi32, #tpu.memory_space<hbm>>
      tpu.enqueue_dma source(%dma_start3A_54 : memref<160x64xi32, #tpu.memory_space<hbm>>) target(%arg8 : memref<160x64xi32, #tpu.memory_space<vmem>>) target_semaphore(%run_scoped3A : memref<!tpu.dma_semaphore, #tpu.memory_space<semaphore_mem>>)
      %dma_wait3A_55 = arith.constant 0 : i32
      %dma_wait3A_56 = tpu.memref_slice %arg3[%mul3A_4, %dma_wait3A_55] : memref<5120x64xi32, #tpu.memory_space<hbm>> -> memref<160x64xi32, #tpu.memory_space<hbm>>
      %dma_wait3A_57 = arith.constant 0 : i32
      %dma_wait3A_58 = tpu.memref_slice %arg3[%mul3A_4, %dma_wait3A_57] : memref<5120x64xi32, #tpu.memory_space<hbm>> -> memref<160x64xi32, #tpu.memory_space<hbm>>
      tpu.wait_dma2 semaphore(%run_scoped3A : memref<!tpu.dma_semaphore, #tpu.memory_space<semaphore_mem>>) src(%dma_wait3A_58 : memref<160x64xi32, #tpu.memory_space<hbm>>) dst(%arg8 : memref<160x64xi32, #tpu.memory_space<vmem>>)
      tpu.yield
    }) : () -> ()
    "tpu.region"() ({
      %run_scoped3A = tpu.sem_alloc : memref<!tpu.dma_semaphore, #tpu.memory_space<semaphore_mem>>
      %dma_start3A_51 = arith.constant 0 : i32
      %dma_start3A_52 = tpu.memref_slice %arg12[%mul3A_2, %dma_start3A_51] : memref<10112x128xf32, #tpu.memory_space<vmem_shared>> -> memref<632x128xf32, #tpu.memory_space<vmem_shared>>
      %dma_start3A_53 = arith.constant 0 : i32
      %dma_start3A_54 = tpu.memref_slice %arg5[%mul3A_2, %dma_start3A_53] : memref<10112x128xf32, #tpu.memory_space<hbm>> -> memref<632x128xf32, #tpu.memory_space<hbm>>
      tpu.enqueue_dma source(%dma_start3A_54 : memref<632x128xf32, #tpu.memory_space<hbm>>) target(%dma_start3A_52 : memref<632x128xf32, #tpu.memory_space<vmem_shared>>) target_semaphore(%run_scoped3A : memref<!tpu.dma_semaphore, #tpu.memory_space<semaphore_mem>>)
      %dma_wait3A_55 = arith.constant 0 : i32
      %dma_wait3A_56 = tpu.memref_slice %arg12[%mul3A_2, %dma_wait3A_55] : memref<10112x128xf32, #tpu.memory_space<vmem_shared>> -> memref<632x128xf32, #tpu.memory_space<vmem_shared>>
      %dma_wait3A_57 = arith.constant 0 : i32
      %dma_wait3A_58 = tpu.memref_slice %arg5[%mul3A_2, %dma_wait3A_57] : memref<10112x128xf32, #tpu.memory_space<hbm>> -> memref<632x128xf32, #tpu.memory_space<hbm>>
      tpu.wait_dma2 semaphore(%run_scoped3A : memref<!tpu.dma_semaphore, #tpu.memory_space<semaphore_mem>>) src(%dma_wait3A_58 : memref<632x128xf32, #tpu.memory_space<hbm>>) dst(%dma_wait3A_56 : memref<632x128xf32, #tpu.memory_space<vmem_shared>>)
      tpu.yield
    }) : () -> ()
    %barrier3A = arith.constant 0 : index
    tpu.barrier barrier_id(%barrier3A)
    %dma_start3A = arith.constant 0 : i32
    %dma_start3A_5 = arith.constant 0 : i32
    %dma_start3A_6 = tpu.memref_slice %arg7[%dma_start3A, %dma_start3A_5] : memref<160x64xi32, #tpu.memory_space<vmem>> -> memref<1x64xi32, #tpu.memory_space<vmem>>
    %dma_start3A_7 = tpu.memref_squeeze %dma_start3A_6 : memref<1x64xi32, #tpu.memory_space<vmem>> -> memref<64xi32, #tpu.memory_space<vmem>>
    %dma_start3A_8 = arith.constant 0 : i32
    %dma_start3A_9 = arith.constant 0 : i32
    %dma_start3A_10 = tpu.memref_slice %arg4[%dma_start3A_8, %dma_start3A_9] : memref<10000x128xf32, #tpu.memory_space<hbm>> -> memref<10000x128xf32, #tpu.memory_space<hbm>>
    tpu.enqueue_indirect_dma source(%dma_start3A_10 : memref<10000x128xf32, #tpu.memory_space<hbm>>) target(%arg9 : memref<64x128xf32, #tpu.memory_space<vmem>>) offsets(%dma_start3A_7 : memref<64xi32, #tpu.memory_space<vmem>>) semaphore(%arg13 : memref<!tpu.dma_semaphore, #tpu.memory_space<semaphore_mem>>)
    %dma_start3A_11 = arith.constant 1 : i32
    %dma_start3A_12 = arith.constant 0 : i32
    %dma_start3A_13 = tpu.memref_slice %arg7[%dma_start3A_11, %dma_start3A_12] : memref<160x64xi32, #tpu.memory_space<vmem>> -> memref<1x64xi32, #tpu.memory_space<vmem>>
    %dma_start3A_14 = tpu.memref_squeeze %dma_start3A_13 : memref<1x64xi32, #tpu.memory_space<vmem>> -> memref<64xi32, #tpu.memory_space<vmem>>
    %dma_start3A_15 = arith.constant 0 : i32
    %dma_start3A_16 = arith.constant 0 : i32
    %dma_start3A_17 = tpu.memref_slice %arg4[%dma_start3A_15, %dma_start3A_16] : memref<10000x128xf32, #tpu.memory_space<hbm>> -> memref<10000x128xf32, #tpu.memory_space<hbm>>
    tpu.enqueue_indirect_dma source(%dma_start3A_17 : memref<10000x128xf32, #tpu.memory_space<hbm>>) target(%arg10 : memref<64x128xf32, #tpu.memory_space<vmem>>) offsets(%dma_start3A_14 : memref<64xi32, #tpu.memory_space<vmem>>) semaphore(%arg14 : memref<!tpu.dma_semaphore, #tpu.memory_space<semaphore_mem>>)
    %scan3A = arith.constant 0 : i32
    %scan3A_18 = arith.constant 0 : i32
    %scan3A_19 = arith.constant 53 : i32
    %scan3A_20 = arith.addi %scan3A_18, %scan3A_19 : i32
    %scan3A_21 = arith.constant 1 : i32
    scf.for %scan3A_51 = %scan3A_18 to %scan3A_20 step %scan3A_21  : i32 {
      %mul3A_52 = arith.constant 3 : i32
      %mul3A_53 = arith.muli %scan3A_51, %mul3A_52 : i32
      %add3A_54 = arith.constant 0 : i32
      %add3A_55 = arith.addi %mul3A_53, %add3A_54 : i32
      %add3A_56 = arith.constant 3 : i32
      %add3A_57 = arith.addi %add3A_55, %add3A_56 : i32
      %sub3A = arith.constant 1 : i32
      %sub3A_58 = arith.subi %add3A_57, %sub3A : i32
      %gt3A = arith.constant 0 : i32
      %gt3A_59 = arith.cmpi sgt, %scan3A_51, %gt3A : i32
      %convert_element_type3A = arith.extui %gt3A_59 : i1 to i32
      %cond3A = arith.constant 0 : i32
      %cond3A_60 = arith.cmpi ne, %convert_element_type3A, %cond3A : i32
      scf.if %cond3A_60 {
        %dma_wait3A_141 = arith.constant 0 : i32
        %dma_wait3A_142 = arith.constant 0 : i32
        %dma_wait3A_143 = tpu.memref_slice %arg8[%dma_wait3A_141, %dma_wait3A_142] : memref<160x64xi32, #tpu.memory_space<vmem>> -> memref<1x64xi32, #tpu.memory_space<vmem>>
        %dma_wait3A_144 = tpu.memref_squeeze %dma_wait3A_143 : memref<1x64xi32, #tpu.memory_space<vmem>> -> memref<64xi32, #tpu.memory_space<vmem>>
        %dma_wait3A_145 = arith.constant 0 : i32
        %dma_wait3A_146 = arith.constant 0 : i32
        %dma_wait3A_147 = tpu.memref_slice %arg12[%dma_wait3A_145, %dma_wait3A_146] : memref<10112x128xf32, #tpu.memory_space<vmem_shared>> -> memref<10112x128xf32, #tpu.memory_space<vmem_shared>>
        tpu.wait_indirect_dma semaphore(%arg18 : memref<!tpu.dma_semaphore, #tpu.memory_space<semaphore_mem>>) src(%arg11 : memref<64x128xf32, #tpu.memory_space<vmem>>) dst(%dma_wait3A_147 : memref<10112x128xf32, #tpu.memory_space<vmem_shared>>)
      } else {
      }
      %lt3A = arith.constant 160 : i32
      %lt3A_61 = arith.cmpi slt, %sub3A_58, %lt3A : i32
      %convert_element_type3A_62 = arith.extui %lt3A_61 : i1 to i32
      %cond3A_63 = arith.constant 0 : i32
      %cond3A_64 = arith.cmpi ne, %convert_element_type3A_62, %cond3A_63 : i32
      scf.if %cond3A_64 {
        %dma_start3A_141 = arith.constant 0 : i32
        %dma_start3A_142 = tpu.memref_slice %arg7[%sub3A_58, %dma_start3A_141] : memref<160x64xi32, #tpu.memory_space<vmem>> -> memref<1x64xi32, #tpu.memory_space<vmem>>
        %dma_start3A_143 = tpu.memref_squeeze %dma_start3A_142 : memref<1x64xi32, #tpu.memory_space<vmem>> -> memref<64xi32, #tpu.memory_space<vmem>>
        %dma_start3A_144 = arith.constant 0 : i32
        %dma_start3A_145 = arith.constant 0 : i32
        %dma_start3A_146 = tpu.memref_slice %arg4[%dma_start3A_144, %dma_start3A_145] : memref<10000x128xf32, #tpu.memory_space<hbm>> -> memref<10000x128xf32, #tpu.memory_space<hbm>>
        tpu.enqueue_indirect_dma source(%dma_start3A_146 : memref<10000x128xf32, #tpu.memory_space<hbm>>) target(%arg11 : memref<64x128xf32, #tpu.memory_space<vmem>>) offsets(%dma_start3A_143 : memref<64xi32, #tpu.memory_space<vmem>>) semaphore(%arg15 : memref<!tpu.dma_semaphore, #tpu.memory_space<semaphore_mem>>)
      } else {
      }
      %dma_wait3A_65 = arith.constant 0 : i32
      %dma_wait3A_66 = tpu.memref_slice %arg7[%add3A_55, %dma_wait3A_65] : memref<160x64xi32, #tpu.memory_space<vmem>> -> memref<1x64xi32, #tpu.memory_space<vmem>>
      %dma_wait3A_67 = tpu.memref_squeeze %dma_wait3A_66 : memref<1x64xi32, #tpu.memory_space<vmem>> -> memref<64xi32, #tpu.memory_space<vmem>>
      %dma_wait3A_68 = arith.constant 0 : i32
      %dma_wait3A_69 = arith.constant 0 : i32
      %dma_wait3A_70 = tpu.memref_slice %arg4[%dma_wait3A_68, %dma_wait3A_69] : memref<10000x128xf32, #tpu.memory_space<hbm>> -> memref<10000x128xf32, #tpu.memory_space<hbm>>
      tpu.wait_indirect_dma semaphore(%arg13 : memref<!tpu.dma_semaphore, #tpu.memory_space<semaphore_mem>>) src(%dma_wait3A_70 : memref<10000x128xf32, #tpu.memory_space<hbm>>) dst(%arg9 : memref<64x128xf32, #tpu.memory_space<vmem>>)
      %dma_start3A_71 = arith.constant 0 : i32
      %dma_start3A_72 = tpu.memref_slice %arg8[%add3A_55, %dma_start3A_71] : memref<160x64xi32, #tpu.memory_space<vmem>> -> memref<1x64xi32, #tpu.memory_space<vmem>>
      %dma_start3A_73 = tpu.memref_squeeze %dma_start3A_72 : memref<1x64xi32, #tpu.memory_space<vmem>> -> memref<64xi32, #tpu.memory_space<vmem>>
      %dma_start3A_74 = arith.constant 0 : i32
      %dma_start3A_75 = arith.constant 0 : i32
      %dma_start3A_76 = tpu.memref_slice %arg12[%dma_start3A_74, %dma_start3A_75] : memref<10112x128xf32, #tpu.memory_space<vmem_shared>> -> memref<10112x128xf32, #tpu.memory_space<vmem_shared>>
      tpu.enqueue_indirect_dma source(%arg9 : memref<64x128xf32, #tpu.memory_space<vmem>>) target(%dma_start3A_76 : memref<10112x128xf32, #tpu.memory_space<vmem_shared>>) offsets(%dma_start3A_73 : memref<64xi32, #tpu.memory_space<vmem>>) semaphore(%arg16 : memref<!tpu.dma_semaphore, #tpu.memory_space<semaphore_mem>>) {add = true}
      %mul3A_77 = arith.constant 3 : i32
      %mul3A_78 = arith.muli %scan3A_51, %mul3A_77 : i32
      %add3A_79 = arith.constant 1 : i32
      %add3A_80 = arith.addi %mul3A_78, %add3A_79 : i32
      %add3A_81 = arith.constant 3 : i32
      %add3A_82 = arith.addi %add3A_80, %add3A_81 : i32
      %sub3A_83 = arith.constant 1 : i32
      %sub3A_84 = arith.subi %add3A_82, %sub3A_83 : i32
      %dma_wait3A_85 = arith.constant 0 : i32
      %dma_wait3A_86 = arith.constant 0 : i32
      %dma_wait3A_87 = tpu.memref_slice %arg8[%dma_wait3A_85, %dma_wait3A_86] : memref<160x64xi32, #tpu.memory_space<vmem>> -> memref<1x64xi32, #tpu.memory_space<vmem>>
      %dma_wait3A_88 = tpu.memref_squeeze %dma_wait3A_87 : memref<1x64xi32, #tpu.memory_space<vmem>> -> memref<64xi32, #tpu.memory_space<vmem>>
      %dma_wait3A_89 = arith.constant 0 : i32
      %dma_wait3A_90 = arith.constant 0 : i32
      %dma_wait3A_91 = tpu.memref_slice %arg12[%dma_wait3A_89, %dma_wait3A_90] : memref<10112x128xf32, #tpu.memory_space<vmem_shared>> -> memref<10112x128xf32, #tpu.memory_space<vmem_shared>>
      tpu.wait_indirect_dma semaphore(%arg16 : memref<!tpu.dma_semaphore, #tpu.memory_space<semaphore_mem>>) src(%arg9 : memref<64x128xf32, #tpu.memory_space<vmem>>) dst(%dma_wait3A_91 : memref<10112x128xf32, #tpu.memory_space<vmem_shared>>)
      %lt3A_92 = arith.constant 160 : i32
      %lt3A_93 = arith.cmpi slt, %sub3A_84, %lt3A_92 : i32
      %convert_element_type3A_94 = arith.extui %lt3A_93 : i1 to i32
      %cond3A_95 = arith.constant 0 : i32
      %cond3A_96 = arith.cmpi ne, %convert_element_type3A_94, %cond3A_95 : i32
      scf.if %cond3A_96 {
        %dma_start3A_141 = arith.constant 0 : i32
        %dma_start3A_142 = tpu.memref_slice %arg7[%sub3A_84, %dma_start3A_141] : memref<160x64xi32, #tpu.memory_space<vmem>> -> memref<1x64xi32, #tpu.memory_space<vmem>>
        %dma_start3A_143 = tpu.memref_squeeze %dma_start3A_142 : memref<1x64xi32, #tpu.memory_space<vmem>> -> memref<64xi32, #tpu.memory_space<vmem>>
        %dma_start3A_144 = arith.constant 0 : i32
        %dma_start3A_145 = arith.constant 0 : i32
        %dma_start3A_146 = tpu.memref_slice %arg4[%dma_start3A_144, %dma_start3A_145] : memref<10000x128xf32, #tpu.memory_space<hbm>> -> memref<10000x128xf32, #tpu.memory_space<hbm>>
        tpu.enqueue_indirect_dma source(%dma_start3A_146 : memref<10000x128xf32, #tpu.memory_space<hbm>>) target(%arg9 : memref<64x128xf32, #tpu.memory_space<vmem>>) offsets(%dma_start3A_143 : memref<64xi32, #tpu.memory_space<vmem>>) semaphore(%arg13 : memref<!tpu.dma_semaphore, #tpu.memory_space<semaphore_mem>>)
      } else {
      }
      %dma_wait3A_97 = arith.constant 0 : i32
      %dma_wait3A_98 = tpu.memref_slice %arg7[%add3A_80, %dma_wait3A_97] : memref<160x64xi32, #tpu.memory_space<vmem>> -> memref<1x64xi32, #tpu.memory_space<vmem>>
      %dma_wait3A_99 = tpu.memref_squeeze %dma_wait3A_98 : memref<1x64xi32, #tpu.memory_space<vmem>> -> memref<64xi32, #tpu.memory_space<vmem>>
      %dma_wait3A_100 = arith.constant 0 : i32
      %dma_wait3A_101 = arith.constant 0 : i32
      %dma_wait3A_102 = tpu.memref_slice %arg4[%dma_wait3A_100, %dma_wait3A_101] : memref<10000x128xf32, #tpu.memory_space<hbm>> -> memref<10000x128xf32, #tpu.memory_space<hbm>>
      tpu.wait_indirect_dma semaphore(%arg14 : memref<!tpu.dma_semaphore, #tpu.memory_space<semaphore_mem>>) src(%dma_wait3A_102 : memref<10000x128xf32, #tpu.memory_space<hbm>>) dst(%arg10 : memref<64x128xf32, #tpu.memory_space<vmem>>)
      %dma_start3A_103 = arith.constant 0 : i32
      %dma_start3A_104 = tpu.memref_slice %arg8[%add3A_80, %dma_start3A_103] : memref<160x64xi32, #tpu.memory_space<vmem>> -> memref<1x64xi32, #tpu.memory_space<vmem>>
      %dma_start3A_105 = tpu.memref_squeeze %dma_start3A_104 : memref<1x64xi32, #tpu.memory_space<vmem>> -> memref<64xi32, #tpu.memory_space<vmem>>
      %dma_start3A_106 = arith.constant 0 : i32
      %dma_start3A_107 = arith.constant 0 : i32
      %dma_start3A_108 = tpu.memref_slice %arg12[%dma_start3A_106, %dma_start3A_107] : memref<10112x128xf32, #tpu.memory_space<vmem_shared>> -> memref<10112x128xf32, #tpu.memory_space<vmem_shared>>
      tpu.enqueue_indirect_dma source(%arg10 : memref<64x128xf32, #tpu.memory_space<vmem>>) target(%dma_start3A_108 : memref<10112x128xf32, #tpu.memory_space<vmem_shared>>) offsets(%dma_start3A_105 : memref<64xi32, #tpu.memory_space<vmem>>) semaphore(%arg17 : memref<!tpu.dma_semaphore, #tpu.memory_space<semaphore_mem>>) {add = true}
      %mul3A_109 = arith.constant 3 : i32
      %mul3A_110 = arith.muli %scan3A_51, %mul3A_109 : i32
      %add3A_111 = arith.constant 2 : i32
      %add3A_112 = arith.addi %mul3A_110, %add3A_111 : i32
      %add3A_113 = arith.constant 3 : i32
      %add3A_114 = arith.addi %add3A_112, %add3A_113 : i32
      %sub3A_115 = arith.constant 1 : i32
      %sub3A_116 = arith.subi %add3A_114, %sub3A_115 : i32
      %dma_wait3A_117 = arith.constant 0 : i32
      %dma_wait3A_118 = arith.constant 0 : i32
      %dma_wait3A_119 = tpu.memref_slice %arg8[%dma_wait3A_117, %dma_wait3A_118] : memref<160x64xi32, #tpu.memory_space<vmem>> -> memref<1x64xi32, #tpu.memory_space<vmem>>
      %dma_wait3A_120 = tpu.memref_squeeze %dma_wait3A_119 : memref<1x64xi32, #tpu.memory_space<vmem>> -> memref<64xi32, #tpu.memory_space<vmem>>
      %dma_wait3A_121 = arith.constant 0 : i32
      %dma_wait3A_122 = arith.constant 0 : i32
      %dma_wait3A_123 = tpu.memref_slice %arg12[%dma_wait3A_121, %dma_wait3A_122] : memref<10112x128xf32, #tpu.memory_space<vmem_shared>> -> memref<10112x128xf32, #tpu.memory_space<vmem_shared>>
      tpu.wait_indirect_dma semaphore(%arg17 : memref<!tpu.dma_semaphore, #tpu.memory_space<semaphore_mem>>) src(%arg10 : memref<64x128xf32, #tpu.memory_space<vmem>>) dst(%dma_wait3A_123 : memref<10112x128xf32, #tpu.memory_space<vmem_shared>>)
      %lt3A_124 = arith.constant 160 : i32
      %lt3A_125 = arith.cmpi slt, %sub3A_116, %lt3A_124 : i32
      %convert_element_type3A_126 = arith.extui %lt3A_125 : i1 to i32
      %cond3A_127 = arith.constant 0 : i32
      %cond3A_128 = arith.cmpi ne, %convert_element_type3A_126, %cond3A_127 : i32
      scf.if %cond3A_128 {
        %dma_start3A_141 = arith.constant 0 : i32
        %dma_start3A_142 = tpu.memref_slice %arg7[%sub3A_116, %dma_start3A_141] : memref<160x64xi32, #tpu.memory_space<vmem>> -> memref<1x64xi32, #tpu.memory_space<vmem>>
        %dma_start3A_143 = tpu.memref_squeeze %dma_start3A_142 : memref<1x64xi32, #tpu.memory_space<vmem>> -> memref<64xi32, #tpu.memory_space<vmem>>
        %dma_start3A_144 = arith.constant 0 : i32
        %dma_start3A_145 = arith.constant 0 : i32
        %dma_start3A_146 = tpu.memref_slice %arg4[%dma_start3A_144, %dma_start3A_145] : memref<10000x128xf32, #tpu.memory_space<hbm>> -> memref<10000x128xf32, #tpu.memory_space<hbm>>
        tpu.enqueue_indirect_dma source(%dma_start3A_146 : memref<10000x128xf32, #tpu.memory_space<hbm>>) target(%arg10 : memref<64x128xf32, #tpu.memory_space<vmem>>) offsets(%dma_start3A_143 : memref<64xi32, #tpu.memory_space<vmem>>) semaphore(%arg14 : memref<!tpu.dma_semaphore, #tpu.memory_space<semaphore_mem>>)
      } else {
      }
      %dma_wait3A_129 = arith.constant 0 : i32
      %dma_wait3A_130 = tpu.memref_slice %arg7[%add3A_112, %dma_wait3A_129] : memref<160x64xi32, #tpu.memory_space<vmem>> -> memref<1x64xi32, #tpu.memory_space<vmem>>
      %dma_wait3A_131 = tpu.memref_squeeze %dma_wait3A_130 : memref<1x64xi32, #tpu.memory_space<vmem>> -> memref<64xi32, #tpu.memory_space<vmem>>
      %dma_wait3A_132 = arith.constant 0 : i32
      %dma_wait3A_133 = arith.constant 0 : i32
      %dma_wait3A_134 = tpu.memref_slice %arg4[%dma_wait3A_132, %dma_wait3A_133] : memref<10000x128xf32, #tpu.memory_space<hbm>> -> memref<10000x128xf32, #tpu.memory_space<hbm>>
      tpu.wait_indirect_dma semaphore(%arg15 : memref<!tpu.dma_semaphore, #tpu.memory_space<semaphore_mem>>) src(%dma_wait3A_134 : memref<10000x128xf32, #tpu.memory_space<hbm>>) dst(%arg11 : memref<64x128xf32, #tpu.memory_space<vmem>>)
      %dma_start3A_135 = arith.constant 0 : i32
      %dma_start3A_136 = tpu.memref_slice %arg8[%add3A_112, %dma_start3A_135] : memref<160x64xi32, #tpu.memory_space<vmem>> -> memref<1x64xi32, #tpu.memory_space<vmem>>
      %dma_start3A_137 = tpu.memref_squeeze %dma_start3A_136 : memref<1x64xi32, #tpu.memory_space<vmem>> -> memref<64xi32, #tpu.memory_space<vmem>>
      %dma_start3A_138 = arith.constant 0 : i32
      %dma_start3A_139 = arith.constant 0 : i32
      %dma_start3A_140 = tpu.memref_slice %arg12[%dma_start3A_138, %dma_start3A_139] : memref<10112x128xf32, #tpu.memory_space<vmem_shared>> -> memref<10112x128xf32, #tpu.memory_space<vmem_shared>>
      tpu.enqueue_indirect_dma source(%arg11 : memref<64x128xf32, #tpu.memory_space<vmem>>) target(%dma_start3A_140 : memref<10112x128xf32, #tpu.memory_space<vmem_shared>>) offsets(%dma_start3A_137 : memref<64xi32, #tpu.memory_space<vmem>>) semaphore(%arg18 : memref<!tpu.dma_semaphore, #tpu.memory_space<semaphore_mem>>) {add = true}
    }
    %scan3A_22 = arith.constant 53 : i32
    %dma_wait3A = arith.constant 159 : i32
    %dma_wait3A_23 = arith.constant 0 : i32
    %dma_wait3A_24 = tpu.memref_slice %arg7[%dma_wait3A, %dma_wait3A_23] : memref<160x64xi32, #tpu.memory_space<vmem>> -> memref<1x64xi32, #tpu.memory_space<vmem>>
    %dma_wait3A_25 = tpu.memref_squeeze %dma_wait3A_24 : memref<1x64xi32, #tpu.memory_space<vmem>> -> memref<64xi32, #tpu.memory_space<vmem>>
    %dma_wait3A_26 = arith.constant 0 : i32
    %dma_wait3A_27 = arith.constant 0 : i32
    %dma_wait3A_28 = tpu.memref_slice %arg4[%dma_wait3A_26, %dma_wait3A_27] : memref<10000x128xf32, #tpu.memory_space<hbm>> -> memref<10000x128xf32, #tpu.memory_space<hbm>>
    tpu.wait_indirect_dma semaphore(%arg13 : memref<!tpu.dma_semaphore, #tpu.memory_space<semaphore_mem>>) src(%dma_wait3A_28 : memref<10000x128xf32, #tpu.memory_space<hbm>>) dst(%arg9 : memref<64x128xf32, #tpu.memory_space<vmem>>)
    %dma_start3A_29 = arith.constant 159 : i32
    %dma_start3A_30 = arith.constant 0 : i32
    %dma_start3A_31 = tpu.memref_slice %arg8[%dma_start3A_29, %dma_start3A_30] : memref<160x64xi32, #tpu.memory_space<vmem>> -> memref<1x64xi32, #tpu.memory_space<vmem>>
    %dma_start3A_32 = tpu.memref_squeeze %dma_start3A_31 : memref<1x64xi32, #tpu.memory_space<vmem>> -> memref<64xi32, #tpu.memory_space<vmem>>
    %dma_start3A_33 = arith.constant 0 : i32
    %dma_start3A_34 = arith.constant 0 : i32
    %dma_start3A_35 = tpu.memref_slice %arg12[%dma_start3A_33, %dma_start3A_34] : memref<10112x128xf32, #tpu.memory_space<vmem_shared>> -> memref<10112x128xf32, #tpu.memory_space<vmem_shared>>
    tpu.enqueue_indirect_dma source(%arg9 : memref<64x128xf32, #tpu.memory_space<vmem>>) target(%dma_start3A_35 : memref<10112x128xf32, #tpu.memory_space<vmem_shared>>) offsets(%dma_start3A_32 : memref<64xi32, #tpu.memory_space<vmem>>) semaphore(%arg16 : memref<!tpu.dma_semaphore, #tpu.memory_space<semaphore_mem>>) {add = true}
    %dma_wait3A_36 = arith.constant 158 : i32
    %dma_wait3A_37 = arith.constant 0 : i32
    %dma_wait3A_38 = tpu.memref_slice %arg8[%dma_wait3A_36, %dma_wait3A_37] : memref<160x64xi32, #tpu.memory_space<vmem>> -> memref<1x64xi32, #tpu.memory_space<vmem>>
    %dma_wait3A_39 = tpu.memref_squeeze %dma_wait3A_38 : memref<1x64xi32, #tpu.memory_space<vmem>> -> memref<64xi32, #tpu.memory_space<vmem>>
    %dma_wait3A_40 = arith.constant 0 : i32
    %dma_wait3A_41 = arith.constant 0 : i32
    %dma_wait3A_42 = tpu.memref_slice %arg12[%dma_wait3A_40, %dma_wait3A_41] : memref<10112x128xf32, #tpu.memory_space<vmem_shared>> -> memref<10112x128xf32, #tpu.memory_space<vmem_shared>>
    tpu.wait_indirect_dma semaphore(%arg18 : memref<!tpu.dma_semaphore, #tpu.memory_space<semaphore_mem>>) src(%arg11 : memref<64x128xf32, #tpu.memory_space<vmem>>) dst(%dma_wait3A_42 : memref<10112x128xf32, #tpu.memory_space<vmem_shared>>)
    %dma_wait3A_43 = arith.constant 159 : i32
    %dma_wait3A_44 = arith.constant 0 : i32
    %dma_wait3A_45 = tpu.memref_slice %arg8[%dma_wait3A_43, %dma_wait3A_44] : memref<160x64xi32, #tpu.memory_space<vmem>> -> memref<1x64xi32, #tpu.memory_space<vmem>>
    %dma_wait3A_46 = tpu.memref_squeeze %dma_wait3A_45 : memref<1x64xi32, #tpu.memory_space<vmem>> -> memref<64xi32, #tpu.memory_space<vmem>>
    %dma_wait3A_47 = arith.constant 0 : i32
    %dma_wait3A_48 = arith.constant 0 : i32
    %dma_wait3A_49 = tpu.memref_slice %arg12[%dma_wait3A_47, %dma_wait3A_48] : memref<10112x128xf32, #tpu.memory_space<vmem_shared>> -> memref<10112x128xf32, #tpu.memory_space<vmem_shared>>
    tpu.wait_indirect_dma semaphore(%arg16 : memref<!tpu.dma_semaphore, #tpu.memory_space<semaphore_mem>>) src(%arg9 : memref<64x128xf32, #tpu.memory_space<vmem>>) dst(%dma_wait3A_49 : memref<10112x128xf32, #tpu.memory_space<vmem_shared>>)
    %barrier3A_50 = arith.constant 0 : index
    tpu.barrier barrier_id(%barrier3A_50)
    "tpu.region"() ({
      %run_scoped3A = tpu.sem_alloc : memref<!tpu.dma_semaphore, #tpu.memory_space<semaphore_mem>>
      %dma_start3A_51 = arith.constant 0 : i32
      %dma_start3A_52 = tpu.memref_slice %arg6[%arg0, %mul3A_2, %dma_start3A_51] : memref<2x10112x128xf32, #tpu.memory_space<hbm>> -> memref<1x632x128xf32, #tpu.memory_space<hbm>>
      %dma_start3A_53 = tpu.memref_squeeze %dma_start3A_52 : memref<1x632x128xf32, #tpu.memory_space<hbm>> -> memref<632x128xf32, #tpu.memory_space<hbm>>
      %dma_start3A_54 = arith.constant 0 : i32
      %dma_start3A_55 = tpu.memref_slice %arg12[%mul3A_2, %dma_start3A_54] : memref<10112x128xf32, #tpu.memory_space<vmem_shared>> -> memref<632x128xf32, #tpu.memory_space<vmem_shared>>
      tpu.enqueue_dma source(%dma_start3A_55 : memref<632x128xf32, #tpu.memory_space<vmem_shared>>) target(%dma_start3A_53 : memref<632x128xf32, #tpu.memory_space<hbm>>) target_semaphore(%run_scoped3A : memref<!tpu.dma_semaphore, #tpu.memory_space<semaphore_mem>>)
      %dma_wait3A_56 = arith.constant 0 : i32
      %dma_wait3A_57 = tpu.memref_slice %arg6[%arg0, %mul3A_2, %dma_wait3A_56] : memref<2x10112x128xf32, #tpu.memory_space<hbm>> -> memref<1x632x128xf32, #tpu.memory_space<hbm>>
      %dma_wait3A_58 = tpu.memref_squeeze %dma_wait3A_57 : memref<1x632x128xf32, #tpu.memory_space<hbm>> -> memref<632x128xf32, #tpu.memory_space<hbm>>
      %dma_wait3A_59 = arith.constant 0 : i32
      %dma_wait3A_60 = tpu.memref_slice %arg12[%mul3A_2, %dma_wait3A_59] : memref<10112x128xf32, #tpu.memory_space<vmem_shared>> -> memref<632x128xf32, #tpu.memory_space<vmem_shared>>
      tpu.wait_dma2 semaphore(%run_scoped3A : memref<!tpu.dma_semaphore, #tpu.memory_space<semaphore_mem>>) src(%dma_wait3A_60 : memref<632x128xf32, #tpu.memory_space<vmem_shared>>) dst(%dma_wait3A_58 : memref<632x128xf32, #tpu.memory_space<hbm>>)
      tpu.yield
    }) : () -> ()
    return
  }
}

module attributes {stable_mosaic.version = 14 : i64} {
  func.func @_kan1_body(%arg0: i32, %arg1: memref<2000x128xf32, #tpu.memory_space<vmem>>, %arg2: memref<2x2000x16xf32, #tpu.memory_space<vmem>>, %arg3: memref<128x128xf32, #tpu.memory_space<vmem>>, %arg4: memref<7x128x128xf32, #tpu.memory_space<vmem>>, %arg5: memref<128x64xf32, #tpu.memory_space<vmem>>, %arg6: memref<7x128x64xf32, #tpu.memory_space<vmem>>, %arg7: memref<2000x128xf32, #tpu.memory_space<vmem>>, %arg8: memref<2000x64xf32, #tpu.memory_space<vmem>>) attributes {dimension_semantics = [#tpu.dimension_semantics<arbitrary>], iteration_bounds = array<i64: 5>, scalar_prefetch = 0 : i64, scratch_operands = 0 : i64, tpu.core_type = #tpu.core_type<tc>, window_params = [{transform_indices = @transform_0, window_bounds = array<i64: 2000, 128>}, {transform_indices = @transform_1, window_bounds = array<i64: 2, 2000, 16>}, {pipeline_mode = #tpu.pipeline_mode<synchronous>, transform_indices = @transform_2, window_bounds = array<i64: 128, 128>}, {pipeline_mode = #tpu.pipeline_mode<synchronous>, transform_indices = @transform_3, window_bounds = array<i64: 7, 128, 128>}, {pipeline_mode = #tpu.pipeline_mode<synchronous>, transform_indices = @transform_4, window_bounds = array<i64: 128, 64>}, {pipeline_mode = #tpu.pipeline_mode<synchronous>, transform_indices = @transform_5, window_bounds = array<i64: 7, 128, 64>}, {transform_indices = @transform_6, window_bounds = array<i64: 2000, 128>}, {transform_indices = @transform_7, window_bounds = array<i64: 2000, 64>}]} {
    %get3A = arith.constant 0 : index
    %get3A_0 = arith.constant 0 : index
    %get3A_1 = vector.load %arg1[%get3A, %get3A_0] : memref<2000x128xf32, #tpu.memory_space<vmem>>, vector<2000x128xf32>
    %get3A_2 = arith.constant 0 : index
    %get3A_3 = arith.constant 0 : index
    %get3A_4 = arith.constant 0 : index
    %get3A_5 = vector.load %arg2[%get3A_2, %get3A_3, %get3A_4] : memref<2x2000x16xf32, #tpu.memory_space<vmem>>, vector<2x2000x16xf32>
    %slice3A = vector.extract_strided_slice %get3A_5 {offsets = [0, 0, 0], sizes = [1, 2000, 16], strides = [1, 1, 1]} : vector<2x2000x16xf32> to vector<1x2000x16xf32>
    %squeeze3A = vector.shape_cast %slice3A : vector<1x2000x16xf32> to vector<2000x16xf32>
    %slice3A_6 = vector.extract_strided_slice %get3A_5 {offsets = [1, 0, 0], sizes = [1, 2000, 16], strides = [1, 1, 1]} : vector<2x2000x16xf32> to vector<1x2000x16xf32>
    %squeeze3A_7 = vector.shape_cast %slice3A_6 : vector<1x2000x16xf32> to vector<2000x16xf32>
    %add3A = arith.addf %squeeze3A, %squeeze3A_7 : vector<2000x16xf32>
    %add3A_8 = arith.constant 1.000000e+00 : f32
    %add3A_9 = vector.broadcast %add3A_8 : f32 to vector<2000x16xf32>
    %add3A_10 = arith.addf %add3A, %add3A_9 : vector<2000x16xf32>
    %rsqrt3A = math.rsqrt %add3A_10 : vector<2000x16xf32>
    %slice3A_11 = vector.extract_strided_slice %rsqrt3A {offsets = [0, 0], sizes = [2000, 1], strides = [1, 1]} : vector<2000x16xf32> to vector<2000x1xf32>
    %neg3A = arith.constant 0.000000e+00 : f32
    %neg3A_12 = vector.broadcast %neg3A : f32 to vector<2000x128xf32>
    %neg3A_13 = arith.subf %neg3A_12, %get3A_1 : vector<2000x128xf32>
    %exp3A = math.exp %neg3A_13 : vector<2000x128xf32>
    %add3A_14 = arith.constant 1.000000e+00 : f32
    %add3A_15 = vector.broadcast %add3A_14 : f32 to vector<2000x128xf32>
    %add3A_16 = arith.addf %add3A_15, %exp3A : vector<2000x128xf32>
    %div3A = arith.constant 1.000000e+00 : f32
    %div3A_17 = vector.broadcast %div3A : f32 to vector<2000x128xf32>
    %div3A_18 = arith.divf %div3A_17, %add3A_16 : vector<2000x128xf32>
    %mul3A = arith.mulf %get3A_1, %div3A_18 : vector<2000x128xf32>
    %sub3A = arith.constant -2.500000e+00 : f32
    %sub3A_19 = vector.broadcast %sub3A : f32 to vector<2000x128xf32>
    %sub3A_20 = arith.subf %get3A_1, %sub3A_19 : vector<2000x128xf32>
    %sub3A_21 = arith.constant -2.000000e+00 : f32
    %sub3A_22 = vector.broadcast %sub3A_21 : f32 to vector<2000x128xf32>
    %sub3A_23 = arith.subf %get3A_1, %sub3A_22 : vector<2000x128xf32>
    %sub3A_24 = arith.constant -1.500000e+00 : f32
    %sub3A_25 = vector.broadcast %sub3A_24 : f32 to vector<2000x128xf32>
    %sub3A_26 = arith.subf %get3A_1, %sub3A_25 : vector<2000x128xf32>
    %sub3A_27 = arith.constant -1.000000e+00 : f32
    %sub3A_28 = vector.broadcast %sub3A_27 : f32 to vector<2000x128xf32>
    %sub3A_29 = arith.subf %get3A_1, %sub3A_28 : vector<2000x128xf32>
    %sub3A_30 = arith.constant -5.000000e-01 : f32
    %sub3A_31 = vector.broadcast %sub3A_30 : f32 to vector<2000x128xf32>
    %sub3A_32 = arith.subf %get3A_1, %sub3A_31 : vector<2000x128xf32>
    %sub3A_33 = arith.constant 0.000000e+00 : f32
    %sub3A_34 = vector.broadcast %sub3A_33 : f32 to vector<2000x128xf32>
    %sub3A_35 = arith.subf %get3A_1, %sub3A_34 : vector<2000x128xf32>
    %sub3A_36 = arith.constant 5.000000e-01 : f32
    %sub3A_37 = vector.broadcast %sub3A_36 : f32 to vector<2000x128xf32>
    %sub3A_38 = arith.subf %get3A_1, %sub3A_37 : vector<2000x128xf32>
    %sub3A_39 = arith.constant 1.000000e+00 : f32
    %sub3A_40 = vector.broadcast %sub3A_39 : f32 to vector<2000x128xf32>
    %sub3A_41 = arith.subf %get3A_1, %sub3A_40 : vector<2000x128xf32>
    %sub3A_42 = arith.constant 1.500000e+00 : f32
    %sub3A_43 = vector.broadcast %sub3A_42 : f32 to vector<2000x128xf32>
    %sub3A_44 = arith.subf %get3A_1, %sub3A_43 : vector<2000x128xf32>
    %sub3A_45 = arith.constant 2.000000e+00 : f32
    %sub3A_46 = vector.broadcast %sub3A_45 : f32 to vector<2000x128xf32>
    %sub3A_47 = arith.subf %get3A_1, %sub3A_46 : vector<2000x128xf32>
    %sub3A_48 = arith.constant 2.500000e+00 : f32
    %sub3A_49 = vector.broadcast %sub3A_48 : f32 to vector<2000x128xf32>
    %sub3A_50 = arith.subf %get3A_1, %sub3A_49 : vector<2000x128xf32>
    %ge3A = arith.constant -2.500000e+00 : f32
    %ge3A_51 = vector.broadcast %ge3A : f32 to vector<2000x128xf32>
    %ge3A_52 = arith.cmpf oge, %get3A_1, %ge3A_51 : vector<2000x128xf32>
    %lt3A = arith.constant -2.000000e+00 : f32
    %lt3A_53 = vector.broadcast %lt3A : f32 to vector<2000x128xf32>
    %lt3A_54 = arith.cmpf olt, %get3A_1, %lt3A_53 : vector<2000x128xf32>
    %and3A = arith.andi %ge3A_52, %lt3A_54 : vector<2000x128xi1>
    %jit3A = arith.constant 1.000000e+00 : f32
    %jit3A_55 = arith.constant 0.000000e+00 : f32
    %broadcast_in_dim3A = vector.broadcast %jit3A : f32 to vector<2000x128xf32>
    %broadcast_in_dim3A_56 = vector.broadcast %jit3A_55 : f32 to vector<2000x128xf32>
    %select_n3A = arith.select %and3A, %broadcast_in_dim3A, %broadcast_in_dim3A_56 : vector<2000x128xi1>, vector<2000x128xf32>
    %ge3A_57 = arith.constant -2.000000e+00 : f32
    %ge3A_58 = vector.broadcast %ge3A_57 : f32 to vector<2000x128xf32>
    %ge3A_59 = arith.cmpf oge, %get3A_1, %ge3A_58 : vector<2000x128xf32>
    %lt3A_60 = arith.constant -1.500000e+00 : f32
    %lt3A_61 = vector.broadcast %lt3A_60 : f32 to vector<2000x128xf32>
    %lt3A_62 = arith.cmpf olt, %get3A_1, %lt3A_61 : vector<2000x128xf32>
    %and3A_63 = arith.andi %ge3A_59, %lt3A_62 : vector<2000x128xi1>
    %jit3A_64 = arith.constant 1.000000e+00 : f32
    %jit3A_65 = arith.constant 0.000000e+00 : f32
    %broadcast_in_dim3A_66 = vector.broadcast %jit3A_64 : f32 to vector<2000x128xf32>
    %broadcast_in_dim3A_67 = vector.broadcast %jit3A_65 : f32 to vector<2000x128xf32>
    %select_n3A_68 = arith.select %and3A_63, %broadcast_in_dim3A_66, %broadcast_in_dim3A_67 : vector<2000x128xi1>, vector<2000x128xf32>
    %ge3A_69 = arith.constant -1.500000e+00 : f32
    %ge3A_70 = vector.broadcast %ge3A_69 : f32 to vector<2000x128xf32>
    %ge3A_71 = arith.cmpf oge, %get3A_1, %ge3A_70 : vector<2000x128xf32>
    %lt3A_72 = arith.constant -1.000000e+00 : f32
    %lt3A_73 = vector.broadcast %lt3A_72 : f32 to vector<2000x128xf32>
    %lt3A_74 = arith.cmpf olt, %get3A_1, %lt3A_73 : vector<2000x128xf32>
    %and3A_75 = arith.andi %ge3A_71, %lt3A_74 : vector<2000x128xi1>
    %jit3A_76 = arith.constant 1.000000e+00 : f32
    %jit3A_77 = arith.constant 0.000000e+00 : f32
    %broadcast_in_dim3A_78 = vector.broadcast %jit3A_76 : f32 to vector<2000x128xf32>
    %broadcast_in_dim3A_79 = vector.broadcast %jit3A_77 : f32 to vector<2000x128xf32>
    %select_n3A_80 = arith.select %and3A_75, %broadcast_in_dim3A_78, %broadcast_in_dim3A_79 : vector<2000x128xi1>, vector<2000x128xf32>
    %ge3A_81 = arith.constant -1.000000e+00 : f32
    %ge3A_82 = vector.broadcast %ge3A_81 : f32 to vector<2000x128xf32>
    %ge3A_83 = arith.cmpf oge, %get3A_1, %ge3A_82 : vector<2000x128xf32>
    %lt3A_84 = arith.constant -5.000000e-01 : f32
    %lt3A_85 = vector.broadcast %lt3A_84 : f32 to vector<2000x128xf32>
    %lt3A_86 = arith.cmpf olt, %get3A_1, %lt3A_85 : vector<2000x128xf32>
    %and3A_87 = arith.andi %ge3A_83, %lt3A_86 : vector<2000x128xi1>
    %jit3A_88 = arith.constant 1.000000e+00 : f32
    %jit3A_89 = arith.constant 0.000000e+00 : f32
    %broadcast_in_dim3A_90 = vector.broadcast %jit3A_88 : f32 to vector<2000x128xf32>
    %broadcast_in_dim3A_91 = vector.broadcast %jit3A_89 : f32 to vector<2000x128xf32>
    %select_n3A_92 = arith.select %and3A_87, %broadcast_in_dim3A_90, %broadcast_in_dim3A_91 : vector<2000x128xi1>, vector<2000x128xf32>
    %ge3A_93 = arith.constant -5.000000e-01 : f32
    %ge3A_94 = vector.broadcast %ge3A_93 : f32 to vector<2000x128xf32>
    %ge3A_95 = arith.cmpf oge, %get3A_1, %ge3A_94 : vector<2000x128xf32>
    %lt3A_96 = arith.constant 0.000000e+00 : f32
    %lt3A_97 = vector.broadcast %lt3A_96 : f32 to vector<2000x128xf32>
    %lt3A_98 = arith.cmpf olt, %get3A_1, %lt3A_97 : vector<2000x128xf32>
    %and3A_99 = arith.andi %ge3A_95, %lt3A_98 : vector<2000x128xi1>
    %jit3A_100 = arith.constant 1.000000e+00 : f32
    %jit3A_101 = arith.constant 0.000000e+00 : f32
    %broadcast_in_dim3A_102 = vector.broadcast %jit3A_100 : f32 to vector<2000x128xf32>
    %broadcast_in_dim3A_103 = vector.broadcast %jit3A_101 : f32 to vector<2000x128xf32>
    %select_n3A_104 = arith.select %and3A_99, %broadcast_in_dim3A_102, %broadcast_in_dim3A_103 : vector<2000x128xi1>, vector<2000x128xf32>
    %ge3A_105 = arith.constant 0.000000e+00 : f32
    %ge3A_106 = vector.broadcast %ge3A_105 : f32 to vector<2000x128xf32>
    %ge3A_107 = arith.cmpf oge, %get3A_1, %ge3A_106 : vector<2000x128xf32>
    %lt3A_108 = arith.constant 5.000000e-01 : f32
    %lt3A_109 = vector.broadcast %lt3A_108 : f32 to vector<2000x128xf32>
    %lt3A_110 = arith.cmpf olt, %get3A_1, %lt3A_109 : vector<2000x128xf32>
    %and3A_111 = arith.andi %ge3A_107, %lt3A_110 : vector<2000x128xi1>
    %jit3A_112 = arith.constant 1.000000e+00 : f32
    %jit3A_113 = arith.constant 0.000000e+00 : f32
    %broadcast_in_dim3A_114 = vector.broadcast %jit3A_112 : f32 to vector<2000x128xf32>
    %broadcast_in_dim3A_115 = vector.broadcast %jit3A_113 : f32 to vector<2000x128xf32>
    %select_n3A_116 = arith.select %and3A_111, %broadcast_in_dim3A_114, %broadcast_in_dim3A_115 : vector<2000x128xi1>, vector<2000x128xf32>
    %ge3A_117 = arith.constant 5.000000e-01 : f32
    %ge3A_118 = vector.broadcast %ge3A_117 : f32 to vector<2000x128xf32>
    %ge3A_119 = arith.cmpf oge, %get3A_1, %ge3A_118 : vector<2000x128xf32>
    %lt3A_120 = arith.constant 1.000000e+00 : f32
    %lt3A_121 = vector.broadcast %lt3A_120 : f32 to vector<2000x128xf32>
    %lt3A_122 = arith.cmpf olt, %get3A_1, %lt3A_121 : vector<2000x128xf32>
    %and3A_123 = arith.andi %ge3A_119, %lt3A_122 : vector<2000x128xi1>
    %jit3A_124 = arith.constant 1.000000e+00 : f32
    %jit3A_125 = arith.constant 0.000000e+00 : f32
    %broadcast_in_dim3A_126 = vector.broadcast %jit3A_124 : f32 to vector<2000x128xf32>
    %broadcast_in_dim3A_127 = vector.broadcast %jit3A_125 : f32 to vector<2000x128xf32>
    %select_n3A_128 = arith.select %and3A_123, %broadcast_in_dim3A_126, %broadcast_in_dim3A_127 : vector<2000x128xi1>, vector<2000x128xf32>
    %ge3A_129 = arith.constant 1.000000e+00 : f32
    %ge3A_130 = vector.broadcast %ge3A_129 : f32 to vector<2000x128xf32>
    %ge3A_131 = arith.cmpf oge, %get3A_1, %ge3A_130 : vector<2000x128xf32>
    %lt3A_132 = arith.constant 1.500000e+00 : f32
    %lt3A_133 = vector.broadcast %lt3A_132 : f32 to vector<2000x128xf32>
    %lt3A_134 = arith.cmpf olt, %get3A_1, %lt3A_133 : vector<2000x128xf32>
    %and3A_135 = arith.andi %ge3A_131, %lt3A_134 : vector<2000x128xi1>
    %jit3A_136 = arith.constant 1.000000e+00 : f32
    %jit3A_137 = arith.constant 0.000000e+00 : f32
    %broadcast_in_dim3A_138 = vector.broadcast %jit3A_136 : f32 to vector<2000x128xf32>
    %broadcast_in_dim3A_139 = vector.broadcast %jit3A_137 : f32 to vector<2000x128xf32>
    %select_n3A_140 = arith.select %and3A_135, %broadcast_in_dim3A_138, %broadcast_in_dim3A_139 : vector<2000x128xi1>, vector<2000x128xf32>
    %ge3A_141 = arith.constant 1.500000e+00 : f32
    %ge3A_142 = vector.broadcast %ge3A_141 : f32 to vector<2000x128xf32>
    %ge3A_143 = arith.cmpf oge, %get3A_1, %ge3A_142 : vector<2000x128xf32>
    %lt3A_144 = arith.constant 2.000000e+00 : f32
    %lt3A_145 = vector.broadcast %lt3A_144 : f32 to vector<2000x128xf32>
    %lt3A_146 = arith.cmpf olt, %get3A_1, %lt3A_145 : vector<2000x128xf32>
    %and3A_147 = arith.andi %ge3A_143, %lt3A_146 : vector<2000x128xi1>
    %jit3A_148 = arith.constant 1.000000e+00 : f32
    %jit3A_149 = arith.constant 0.000000e+00 : f32
    %broadcast_in_dim3A_150 = vector.broadcast %jit3A_148 : f32 to vector<2000x128xf32>
    %broadcast_in_dim3A_151 = vector.broadcast %jit3A_149 : f32 to vector<2000x128xf32>
    %select_n3A_152 = arith.select %and3A_147, %broadcast_in_dim3A_150, %broadcast_in_dim3A_151 : vector<2000x128xi1>, vector<2000x128xf32>
    %ge3A_153 = arith.constant 2.000000e+00 : f32
    %ge3A_154 = vector.broadcast %ge3A_153 : f32 to vector<2000x128xf32>
    %ge3A_155 = arith.cmpf oge, %get3A_1, %ge3A_154 : vector<2000x128xf32>
    %lt3A_156 = arith.constant 2.500000e+00 : f32
    %lt3A_157 = vector.broadcast %lt3A_156 : f32 to vector<2000x128xf32>
    %lt3A_158 = arith.cmpf olt, %get3A_1, %lt3A_157 : vector<2000x128xf32>
    %and3A_159 = arith.andi %ge3A_155, %lt3A_158 : vector<2000x128xi1>
    %jit3A_160 = arith.constant 1.000000e+00 : f32
    %jit3A_161 = arith.constant 0.000000e+00 : f32
    %broadcast_in_dim3A_162 = vector.broadcast %jit3A_160 : f32 to vector<2000x128xf32>
    %broadcast_in_dim3A_163 = vector.broadcast %jit3A_161 : f32 to vector<2000x128xf32>
    %select_n3A_164 = arith.select %and3A_159, %broadcast_in_dim3A_162, %broadcast_in_dim3A_163 : vector<2000x128xi1>, vector<2000x128xf32>
    %mul3A_165 = arith.constant 2.000000e+00 : f32
    %mul3A_166 = vector.broadcast %mul3A_165 : f32 to vector<2000x128xf32>
    %mul3A_167 = arith.mulf %sub3A_20, %mul3A_166 : vector<2000x128xf32>
    %mul3A_168 = arith.mulf %mul3A_167, %select_n3A : vector<2000x128xf32>
    %mul3A_169 = arith.constant -2.000000e+00 : f32
    %mul3A_170 = vector.broadcast %mul3A_169 : f32 to vector<2000x128xf32>
    %mul3A_171 = arith.mulf %sub3A_26, %mul3A_170 : vector<2000x128xf32>
    %mul3A_172 = arith.mulf %mul3A_171, %select_n3A_68 : vector<2000x128xf32>
    %add3A_173 = arith.addf %mul3A_168, %mul3A_172 : vector<2000x128xf32>
    %mul3A_174 = arith.constant 2.000000e+00 : f32
    %mul3A_175 = vector.broadcast %mul3A_174 : f32 to vector<2000x128xf32>
    %mul3A_176 = arith.mulf %sub3A_23, %mul3A_175 : vector<2000x128xf32>
    %mul3A_177 = arith.mulf %mul3A_176, %select_n3A_68 : vector<2000x128xf32>
    %mul3A_178 = arith.constant -2.000000e+00 : f32
    %mul3A_179 = vector.broadcast %mul3A_178 : f32 to vector<2000x128xf32>
    %mul3A_180 = arith.mulf %sub3A_29, %mul3A_179 : vector<2000x128xf32>
    %mul3A_181 = arith.mulf %mul3A_180, %select_n3A_80 : vector<2000x128xf32>
    %add3A_182 = arith.addf %mul3A_177, %mul3A_181 : vector<2000x128xf32>
    %mul3A_183 = arith.constant 2.000000e+00 : f32
    %mul3A_184 = vector.broadcast %mul3A_183 : f32 to vector<2000x128xf32>
    %mul3A_185 = arith.mulf %sub3A_26, %mul3A_184 : vector<2000x128xf32>
    %mul3A_186 = arith.mulf %mul3A_185, %select_n3A_80 : vector<2000x128xf32>
    %mul3A_187 = arith.constant -2.000000e+00 : f32
    %mul3A_188 = vector.broadcast %mul3A_187 : f32 to vector<2000x128xf32>
    %mul3A_189 = arith.mulf %sub3A_32, %mul3A_188 : vector<2000x128xf32>
    %mul3A_190 = arith.mulf %mul3A_189, %select_n3A_92 : vector<2000x128xf32>
    %add3A_191 = arith.addf %mul3A_186, %mul3A_190 : vector<2000x128xf32>
    %mul3A_192 = arith.constant 2.000000e+00 : f32
    %mul3A_193 = vector.broadcast %mul3A_192 : f32 to vector<2000x128xf32>
    %mul3A_194 = arith.mulf %sub3A_29, %mul3A_193 : vector<2000x128xf32>
    %mul3A_195 = arith.mulf %mul3A_194, %select_n3A_92 : vector<2000x128xf32>
    %mul3A_196 = arith.constant -2.000000e+00 : f32
    %mul3A_197 = vector.broadcast %mul3A_196 : f32 to vector<2000x128xf32>
    %mul3A_198 = arith.mulf %sub3A_35, %mul3A_197 : vector<2000x128xf32>
    %mul3A_199 = arith.mulf %mul3A_198, %select_n3A_104 : vector<2000x128xf32>
    %add3A_200 = arith.addf %mul3A_195, %mul3A_199 : vector<2000x128xf32>
    %mul3A_201 = arith.constant 2.000000e+00 : f32
    %mul3A_202 = vector.broadcast %mul3A_201 : f32 to vector<2000x128xf32>
    %mul3A_203 = arith.mulf %sub3A_32, %mul3A_202 : vector<2000x128xf32>
    %mul3A_204 = arith.mulf %mul3A_203, %select_n3A_104 : vector<2000x128xf32>
    %mul3A_205 = arith.constant -2.000000e+00 : f32
    %mul3A_206 = vector.broadcast %mul3A_205 : f32 to vector<2000x128xf32>
    %mul3A_207 = arith.mulf %sub3A_38, %mul3A_206 : vector<2000x128xf32>
    %mul3A_208 = arith.mulf %mul3A_207, %select_n3A_116 : vector<2000x128xf32>
    %add3A_209 = arith.addf %mul3A_204, %mul3A_208 : vector<2000x128xf32>
    %mul3A_210 = arith.constant 2.000000e+00 : f32
    %mul3A_211 = vector.broadcast %mul3A_210 : f32 to vector<2000x128xf32>
    %mul3A_212 = arith.mulf %sub3A_35, %mul3A_211 : vector<2000x128xf32>
    %mul3A_213 = arith.mulf %mul3A_212, %select_n3A_116 : vector<2000x128xf32>
    %mul3A_214 = arith.constant -2.000000e+00 : f32
    %mul3A_215 = vector.broadcast %mul3A_214 : f32 to vector<2000x128xf32>
    %mul3A_216 = arith.mulf %sub3A_41, %mul3A_215 : vector<2000x128xf32>
    %mul3A_217 = arith.mulf %mul3A_216, %select_n3A_128 : vector<2000x128xf32>
    %add3A_218 = arith.addf %mul3A_213, %mul3A_217 : vector<2000x128xf32>
    %mul3A_219 = arith.constant 2.000000e+00 : f32
    %mul3A_220 = vector.broadcast %mul3A_219 : f32 to vector<2000x128xf32>
    %mul3A_221 = arith.mulf %sub3A_38, %mul3A_220 : vector<2000x128xf32>
    %mul3A_222 = arith.mulf %mul3A_221, %select_n3A_128 : vector<2000x128xf32>
    %mul3A_223 = arith.constant -2.000000e+00 : f32
    %mul3A_224 = vector.broadcast %mul3A_223 : f32 to vector<2000x128xf32>
    %mul3A_225 = arith.mulf %sub3A_44, %mul3A_224 : vector<2000x128xf32>
    %mul3A_226 = arith.mulf %mul3A_225, %select_n3A_140 : vector<2000x128xf32>
    %add3A_227 = arith.addf %mul3A_222, %mul3A_226 : vector<2000x128xf32>
    %mul3A_228 = arith.constant 2.000000e+00 : f32
    %mul3A_229 = vector.broadcast %mul3A_228 : f32 to vector<2000x128xf32>
    %mul3A_230 = arith.mulf %sub3A_41, %mul3A_229 : vector<2000x128xf32>
    %mul3A_231 = arith.mulf %mul3A_230, %select_n3A_140 : vector<2000x128xf32>
    %mul3A_232 = arith.constant -2.000000e+00 : f32
    %mul3A_233 = vector.broadcast %mul3A_232 : f32 to vector<2000x128xf32>
    %mul3A_234 = arith.mulf %sub3A_47, %mul3A_233 : vector<2000x128xf32>
    %mul3A_235 = arith.mulf %mul3A_234, %select_n3A_152 : vector<2000x128xf32>
    %add3A_236 = arith.addf %mul3A_231, %mul3A_235 : vector<2000x128xf32>
    %mul3A_237 = arith.constant 2.000000e+00 : f32
    %mul3A_238 = vector.broadcast %mul3A_237 : f32 to vector<2000x128xf32>
    %mul3A_239 = arith.mulf %sub3A_44, %mul3A_238 : vector<2000x128xf32>
    %mul3A_240 = arith.mulf %mul3A_239, %select_n3A_152 : vector<2000x128xf32>
    %mul3A_241 = arith.constant -2.000000e+00 : f32
    %mul3A_242 = vector.broadcast %mul3A_241 : f32 to vector<2000x128xf32>
    %mul3A_243 = arith.mulf %sub3A_50, %mul3A_242 : vector<2000x128xf32>
    %mul3A_244 = arith.mulf %mul3A_243, %select_n3A_164 : vector<2000x128xf32>
    %add3A_245 = arith.addf %mul3A_240, %mul3A_244 : vector<2000x128xf32>
    %mul3A_246 = arith.constant 1.000000e+00 : f32
    %mul3A_247 = vector.broadcast %mul3A_246 : f32 to vector<2000x128xf32>
    %mul3A_248 = arith.mulf %sub3A_20, %mul3A_247 : vector<2000x128xf32>
    %mul3A_249 = arith.mulf %mul3A_248, %add3A_173 : vector<2000x128xf32>
    %mul3A_250 = arith.constant -1.000000e+00 : f32
    %mul3A_251 = vector.broadcast %mul3A_250 : f32 to vector<2000x128xf32>
    %mul3A_252 = arith.mulf %sub3A_29, %mul3A_251 : vector<2000x128xf32>
    %mul3A_253 = arith.mulf %mul3A_252, %add3A_182 : vector<2000x128xf32>
    %add3A_254 = arith.addf %mul3A_249, %mul3A_253 : vector<2000x128xf32>
    %mul3A_255 = arith.constant 1.000000e+00 : f32
    %mul3A_256 = vector.broadcast %mul3A_255 : f32 to vector<2000x128xf32>
    %mul3A_257 = arith.mulf %sub3A_23, %mul3A_256 : vector<2000x128xf32>
    %mul3A_258 = arith.mulf %mul3A_257, %add3A_182 : vector<2000x128xf32>
    %mul3A_259 = arith.constant -1.000000e+00 : f32
    %mul3A_260 = vector.broadcast %mul3A_259 : f32 to vector<2000x128xf32>
    %mul3A_261 = arith.mulf %sub3A_32, %mul3A_260 : vector<2000x128xf32>
    %mul3A_262 = arith.mulf %mul3A_261, %add3A_191 : vector<2000x128xf32>
    %add3A_263 = arith.addf %mul3A_258, %mul3A_262 : vector<2000x128xf32>
    %mul3A_264 = arith.constant 1.000000e+00 : f32
    %mul3A_265 = vector.broadcast %mul3A_264 : f32 to vector<2000x128xf32>
    %mul3A_266 = arith.mulf %sub3A_26, %mul3A_265 : vector<2000x128xf32>
    %mul3A_267 = arith.mulf %mul3A_266, %add3A_191 : vector<2000x128xf32>
    %mul3A_268 = arith.constant -1.000000e+00 : f32
    %mul3A_269 = vector.broadcast %mul3A_268 : f32 to vector<2000x128xf32>
    %mul3A_270 = arith.mulf %sub3A_35, %mul3A_269 : vector<2000x128xf32>
    %mul3A_271 = arith.mulf %mul3A_270, %add3A_200 : vector<2000x128xf32>
    %add3A_272 = arith.addf %mul3A_267, %mul3A_271 : vector<2000x128xf32>
    %mul3A_273 = arith.constant 1.000000e+00 : f32
    %mul3A_274 = vector.broadcast %mul3A_273 : f32 to vector<2000x128xf32>
    %mul3A_275 = arith.mulf %sub3A_29, %mul3A_274 : vector<2000x128xf32>
    %mul3A_276 = arith.mulf %mul3A_275, %add3A_200 : vector<2000x128xf32>
    %mul3A_277 = arith.constant -1.000000e+00 : f32
    %mul3A_278 = vector.broadcast %mul3A_277 : f32 to vector<2000x128xf32>
    %mul3A_279 = arith.mulf %sub3A_38, %mul3A_278 : vector<2000x128xf32>
    %mul3A_280 = arith.mulf %mul3A_279, %add3A_209 : vector<2000x128xf32>
    %add3A_281 = arith.addf %mul3A_276, %mul3A_280 : vector<2000x128xf32>
    %mul3A_282 = arith.constant 1.000000e+00 : f32
    %mul3A_283 = vector.broadcast %mul3A_282 : f32 to vector<2000x128xf32>
    %mul3A_284 = arith.mulf %sub3A_32, %mul3A_283 : vector<2000x128xf32>
    %mul3A_285 = arith.mulf %mul3A_284, %add3A_209 : vector<2000x128xf32>
    %mul3A_286 = arith.constant -1.000000e+00 : f32
    %mul3A_287 = vector.broadcast %mul3A_286 : f32 to vector<2000x128xf32>
    %mul3A_288 = arith.mulf %sub3A_41, %mul3A_287 : vector<2000x128xf32>
    %mul3A_289 = arith.mulf %mul3A_288, %add3A_218 : vector<2000x128xf32>
    %add3A_290 = arith.addf %mul3A_285, %mul3A_289 : vector<2000x128xf32>
    %mul3A_291 = arith.constant 1.000000e+00 : f32
    %mul3A_292 = vector.broadcast %mul3A_291 : f32 to vector<2000x128xf32>
    %mul3A_293 = arith.mulf %sub3A_35, %mul3A_292 : vector<2000x128xf32>
    %mul3A_294 = arith.mulf %mul3A_293, %add3A_218 : vector<2000x128xf32>
    %mul3A_295 = arith.constant -1.000000e+00 : f32
    %mul3A_296 = vector.broadcast %mul3A_295 : f32 to vector<2000x128xf32>
    %mul3A_297 = arith.mulf %sub3A_44, %mul3A_296 : vector<2000x128xf32>
    %mul3A_298 = arith.mulf %mul3A_297, %add3A_227 : vector<2000x128xf32>
    %add3A_299 = arith.addf %mul3A_294, %mul3A_298 : vector<2000x128xf32>
    %mul3A_300 = arith.constant 1.000000e+00 : f32
    %mul3A_301 = vector.broadcast %mul3A_300 : f32 to vector<2000x128xf32>
    %mul3A_302 = arith.mulf %sub3A_38, %mul3A_301 : vector<2000x128xf32>
    %mul3A_303 = arith.mulf %mul3A_302, %add3A_227 : vector<2000x128xf32>
    %mul3A_304 = arith.constant -1.000000e+00 : f32
    %mul3A_305 = vector.broadcast %mul3A_304 : f32 to vector<2000x128xf32>
    %mul3A_306 = arith.mulf %sub3A_47, %mul3A_305 : vector<2000x128xf32>
    %mul3A_307 = arith.mulf %mul3A_306, %add3A_236 : vector<2000x128xf32>
    %add3A_308 = arith.addf %mul3A_303, %mul3A_307 : vector<2000x128xf32>
    %mul3A_309 = arith.constant 1.000000e+00 : f32
    %mul3A_310 = vector.broadcast %mul3A_309 : f32 to vector<2000x128xf32>
    %mul3A_311 = arith.mulf %sub3A_41, %mul3A_310 : vector<2000x128xf32>
    %mul3A_312 = arith.mulf %mul3A_311, %add3A_236 : vector<2000x128xf32>
    %mul3A_313 = arith.constant -1.000000e+00 : f32
    %mul3A_314 = vector.broadcast %mul3A_313 : f32 to vector<2000x128xf32>
    %mul3A_315 = arith.mulf %sub3A_50, %mul3A_314 : vector<2000x128xf32>
    %mul3A_316 = arith.mulf %mul3A_315, %add3A_245 : vector<2000x128xf32>
    %add3A_317 = arith.addf %mul3A_312, %mul3A_316 : vector<2000x128xf32>
    %mul3A_318 = arith.constant 0.666666686 : f32
    %mul3A_319 = vector.broadcast %mul3A_318 : f32 to vector<2000x128xf32>
    %mul3A_320 = arith.mulf %sub3A_20, %mul3A_319 : vector<2000x128xf32>
    %mul3A_321 = arith.mulf %mul3A_320, %add3A_254 : vector<2000x128xf32>
    %mul3A_322 = arith.constant -0.666666686 : f32
    %mul3A_323 = vector.broadcast %mul3A_322 : f32 to vector<2000x128xf32>
    %mul3A_324 = arith.mulf %sub3A_32, %mul3A_323 : vector<2000x128xf32>
    %mul3A_325 = arith.mulf %mul3A_324, %add3A_263 : vector<2000x128xf32>
    %add3A_326 = arith.addf %mul3A_321, %mul3A_325 : vector<2000x128xf32>
    %mul3A_327 = arith.constant 0.666666686 : f32
    %mul3A_328 = vector.broadcast %mul3A_327 : f32 to vector<2000x128xf32>
    %mul3A_329 = arith.mulf %sub3A_23, %mul3A_328 : vector<2000x128xf32>
    %mul3A_330 = arith.mulf %mul3A_329, %add3A_263 : vector<2000x128xf32>
    %mul3A_331 = arith.constant -0.666666686 : f32
    %mul3A_332 = vector.broadcast %mul3A_331 : f32 to vector<2000x128xf32>
    %mul3A_333 = arith.mulf %sub3A_35, %mul3A_332 : vector<2000x128xf32>
    %mul3A_334 = arith.mulf %mul3A_333, %add3A_272 : vector<2000x128xf32>
    %add3A_335 = arith.addf %mul3A_330, %mul3A_334 : vector<2000x128xf32>
    %mul3A_336 = arith.constant 0.666666686 : f32
    %mul3A_337 = vector.broadcast %mul3A_336 : f32 to vector<2000x128xf32>
    %mul3A_338 = arith.mulf %sub3A_26, %mul3A_337 : vector<2000x128xf32>
    %mul3A_339 = arith.mulf %mul3A_338, %add3A_272 : vector<2000x128xf32>
    %mul3A_340 = arith.constant -0.666666686 : f32
    %mul3A_341 = vector.broadcast %mul3A_340 : f32 to vector<2000x128xf32>
    %mul3A_342 = arith.mulf %sub3A_38, %mul3A_341 : vector<2000x128xf32>
    %mul3A_343 = arith.mulf %mul3A_342, %add3A_281 : vector<2000x128xf32>
    %add3A_344 = arith.addf %mul3A_339, %mul3A_343 : vector<2000x128xf32>
    %mul3A_345 = arith.constant 0.666666686 : f32
    %mul3A_346 = vector.broadcast %mul3A_345 : f32 to vector<2000x128xf32>
    %mul3A_347 = arith.mulf %sub3A_29, %mul3A_346 : vector<2000x128xf32>
    %mul3A_348 = arith.mulf %mul3A_347, %add3A_281 : vector<2000x128xf32>
    %mul3A_349 = arith.constant -0.666666686 : f32
    %mul3A_350 = vector.broadcast %mul3A_349 : f32 to vector<2000x128xf32>
    %mul3A_351 = arith.mulf %sub3A_41, %mul3A_350 : vector<2000x128xf32>
    %mul3A_352 = arith.mulf %mul3A_351, %add3A_290 : vector<2000x128xf32>
    %add3A_353 = arith.addf %mul3A_348, %mul3A_352 : vector<2000x128xf32>
    %mul3A_354 = arith.constant 0.666666686 : f32
    %mul3A_355 = vector.broadcast %mul3A_354 : f32 to vector<2000x128xf32>
    %mul3A_356 = arith.mulf %sub3A_32, %mul3A_355 : vector<2000x128xf32>
    %mul3A_357 = arith.mulf %mul3A_356, %add3A_290 : vector<2000x128xf32>
    %mul3A_358 = arith.constant -0.666666686 : f32
    %mul3A_359 = vector.broadcast %mul3A_358 : f32 to vector<2000x128xf32>
    %mul3A_360 = arith.mulf %sub3A_44, %mul3A_359 : vector<2000x128xf32>
    %mul3A_361 = arith.mulf %mul3A_360, %add3A_299 : vector<2000x128xf32>
    %add3A_362 = arith.addf %mul3A_357, %mul3A_361 : vector<2000x128xf32>
    %mul3A_363 = arith.constant 0.666666686 : f32
    %mul3A_364 = vector.broadcast %mul3A_363 : f32 to vector<2000x128xf32>
    %mul3A_365 = arith.mulf %sub3A_35, %mul3A_364 : vector<2000x128xf32>
    %mul3A_366 = arith.mulf %mul3A_365, %add3A_299 : vector<2000x128xf32>
    %mul3A_367 = arith.constant -0.666666686 : f32
    %mul3A_368 = vector.broadcast %mul3A_367 : f32 to vector<2000x128xf32>
    %mul3A_369 = arith.mulf %sub3A_47, %mul3A_368 : vector<2000x128xf32>
    %mul3A_370 = arith.mulf %mul3A_369, %add3A_308 : vector<2000x128xf32>
    %add3A_371 = arith.addf %mul3A_366, %mul3A_370 : vector<2000x128xf32>
    %mul3A_372 = arith.constant 0.666666686 : f32
    %mul3A_373 = vector.broadcast %mul3A_372 : f32 to vector<2000x128xf32>
    %mul3A_374 = arith.mulf %sub3A_38, %mul3A_373 : vector<2000x128xf32>
    %mul3A_375 = arith.mulf %mul3A_374, %add3A_308 : vector<2000x128xf32>
    %mul3A_376 = arith.constant -0.666666686 : f32
    %mul3A_377 = vector.broadcast %mul3A_376 : f32 to vector<2000x128xf32>
    %mul3A_378 = arith.mulf %sub3A_50, %mul3A_377 : vector<2000x128xf32>
    %mul3A_379 = arith.mulf %mul3A_378, %add3A_317 : vector<2000x128xf32>
    %add3A_380 = arith.addf %mul3A_375, %mul3A_379 : vector<2000x128xf32>
    %get3A_381 = arith.constant 0 : index
    %get3A_382 = arith.constant 0 : index
    %get3A_383 = vector.load %arg3[%get3A_381, %get3A_382] : memref<128x128xf32, #tpu.memory_space<vmem>>, vector<128x128xf32>
    %dot_general3A = arith.constant dense<0.000000e+00> : vector<2000x128xf32>
    %dot_general3A_384 = tpu.matmul %mul3A, %get3A_383, %dot_general3A {dimension_numbers = #tpu.dot_dimension_numbers<[1], [0], [0], [1], [0, 0, 1, 1], [], []>, transpose_lhs_hint = false} : vector<2000x128xf32>, vector<128x128xf32>, vector<2000x128xf32> -> vector<2000x128xf32>
    %get3A_385 = arith.constant 0 : index
    %get3A_386 = arith.constant 0 : index
    %get3A_387 = vector.load %arg5[%get3A_385, %get3A_386] : memref<128x64xf32, #tpu.memory_space<vmem>>, vector<128x64xf32>
    %dot_general3A_388 = arith.constant dense<0.000000e+00> : vector<2000x64xf32>
    %dot_general3A_389 = tpu.matmul %mul3A, %get3A_387, %dot_general3A_388 {dimension_numbers = #tpu.dot_dimension_numbers<[1], [0], [0], [1], [0, 0, 1, 1], [], []>, transpose_lhs_hint = false} : vector<2000x128xf32>, vector<128x64xf32>, vector<2000x64xf32> -> vector<2000x64xf32>
    %get3A_390 = arith.constant 0 : index
    %get3A_391 = arith.constant 0 : index
    %get3A_392 = arith.constant 0 : index
    %get3A_393 = vector.load %arg4[%get3A_390, %get3A_391, %get3A_392] : memref<7x128x128xf32, #tpu.memory_space<vmem>>, vector<1x128x128xf32>
    %get3A_394 = vector.shape_cast %get3A_393 : vector<1x128x128xf32> to vector<128x128xf32>
    %dot_general3A_395 = arith.constant dense<0.000000e+00> : vector<2000x128xf32>
    %dot_general3A_396 = tpu.matmul %add3A_326, %get3A_394, %dot_general3A_395 {dimension_numbers = #tpu.dot_dimension_numbers<[1], [0], [0], [1], [0, 0, 1, 1], [], []>, transpose_lhs_hint = false} : vector<2000x128xf32>, vector<128x128xf32>, vector<2000x128xf32> -> vector<2000x128xf32>
    %add3A_397 = arith.addf %dot_general3A_384, %dot_general3A_396 : vector<2000x128xf32>
    %get3A_398 = arith.constant 0 : index
    %get3A_399 = arith.constant 0 : index
    %get3A_400 = arith.constant 0 : index
    %get3A_401 = vector.load %arg6[%get3A_398, %get3A_399, %get3A_400] : memref<7x128x64xf32, #tpu.memory_space<vmem>>, vector<1x128x64xf32>
    %get3A_402 = vector.shape_cast %get3A_401 : vector<1x128x64xf32> to vector<128x64xf32>
    %dot_general3A_403 = arith.constant dense<0.000000e+00> : vector<2000x64xf32>
    %dot_general3A_404 = tpu.matmul %add3A_326, %get3A_402, %dot_general3A_403 {dimension_numbers = #tpu.dot_dimension_numbers<[1], [0], [0], [1], [0, 0, 1, 1], [], []>, transpose_lhs_hint = false} : vector<2000x128xf32>, vector<128x64xf32>, vector<2000x64xf32> -> vector<2000x64xf32>
    %add3A_405 = arith.addf %dot_general3A_389, %dot_general3A_404 : vector<2000x64xf32>
    %get3A_406 = arith.constant 1 : index
    %get3A_407 = arith.constant 0 : index
    %get3A_408 = arith.constant 0 : index
    %get3A_409 = vector.load %arg4[%get3A_406, %get3A_407, %get3A_408] : memref<7x128x128xf32, #tpu.memory_space<vmem>>, vector<1x128x128xf32>
    %get3A_410 = vector.shape_cast %get3A_409 : vector<1x128x128xf32> to vector<128x128xf32>
    %dot_general3A_411 = arith.constant dense<0.000000e+00> : vector<2000x128xf32>
    %dot_general3A_412 = tpu.matmul %add3A_335, %get3A_410, %dot_general3A_411 {dimension_numbers = #tpu.dot_dimension_numbers<[1], [0], [0], [1], [0, 0, 1, 1], [], []>, transpose_lhs_hint = false} : vector<2000x128xf32>, vector<128x128xf32>, vector<2000x128xf32> -> vector<2000x128xf32>
    %add3A_413 = arith.addf %add3A_397, %dot_general3A_412 : vector<2000x128xf32>
    %get3A_414 = arith.constant 1 : index
    %get3A_415 = arith.constant 0 : index
    %get3A_416 = arith.constant 0 : index
    %get3A_417 = vector.load %arg6[%get3A_414, %get3A_415, %get3A_416] : memref<7x128x64xf32, #tpu.memory_space<vmem>>, vector<1x128x64xf32>
    %get3A_418 = vector.shape_cast %get3A_417 : vector<1x128x64xf32> to vector<128x64xf32>
    %dot_general3A_419 = arith.constant dense<0.000000e+00> : vector<2000x64xf32>
    %dot_general3A_420 = tpu.matmul %add3A_335, %get3A_418, %dot_general3A_419 {dimension_numbers = #tpu.dot_dimension_numbers<[1], [0], [0], [1], [0, 0, 1, 1], [], []>, transpose_lhs_hint = false} : vector<2000x128xf32>, vector<128x64xf32>, vector<2000x64xf32> -> vector<2000x64xf32>
    %add3A_421 = arith.addf %add3A_405, %dot_general3A_420 : vector<2000x64xf32>
    %get3A_422 = arith.constant 2 : index
    %get3A_423 = arith.constant 0 : index
    %get3A_424 = arith.constant 0 : index
    %get3A_425 = vector.load %arg4[%get3A_422, %get3A_423, %get3A_424] : memref<7x128x128xf32, #tpu.memory_space<vmem>>, vector<1x128x128xf32>
    %get3A_426 = vector.shape_cast %get3A_425 : vector<1x128x128xf32> to vector<128x128xf32>
    %dot_general3A_427 = arith.constant dense<0.000000e+00> : vector<2000x128xf32>
    %dot_general3A_428 = tpu.matmul %add3A_344, %get3A_426, %dot_general3A_427 {dimension_numbers = #tpu.dot_dimension_numbers<[1], [0], [0], [1], [0, 0, 1, 1], [], []>, transpose_lhs_hint = false} : vector<2000x128xf32>, vector<128x128xf32>, vector<2000x128xf32> -> vector<2000x128xf32>
    %add3A_429 = arith.addf %add3A_413, %dot_general3A_428 : vector<2000x128xf32>
    %get3A_430 = arith.constant 2 : index
    %get3A_431 = arith.constant 0 : index
    %get3A_432 = arith.constant 0 : index
    %get3A_433 = vector.load %arg6[%get3A_430, %get3A_431, %get3A_432] : memref<7x128x64xf32, #tpu.memory_space<vmem>>, vector<1x128x64xf32>
    %get3A_434 = vector.shape_cast %get3A_433 : vector<1x128x64xf32> to vector<128x64xf32>
    %dot_general3A_435 = arith.constant dense<0.000000e+00> : vector<2000x64xf32>
    %dot_general3A_436 = tpu.matmul %add3A_344, %get3A_434, %dot_general3A_435 {dimension_numbers = #tpu.dot_dimension_numbers<[1], [0], [0], [1], [0, 0, 1, 1], [], []>, transpose_lhs_hint = false} : vector<2000x128xf32>, vector<128x64xf32>, vector<2000x64xf32> -> vector<2000x64xf32>
    %add3A_437 = arith.addf %add3A_421, %dot_general3A_436 : vector<2000x64xf32>
    %get3A_438 = arith.constant 3 : index
    %get3A_439 = arith.constant 0 : index
    %get3A_440 = arith.constant 0 : index
    %get3A_441 = vector.load %arg4[%get3A_438, %get3A_439, %get3A_440] : memref<7x128x128xf32, #tpu.memory_space<vmem>>, vector<1x128x128xf32>
    %get3A_442 = vector.shape_cast %get3A_441 : vector<1x128x128xf32> to vector<128x128xf32>
    %dot_general3A_443 = arith.constant dense<0.000000e+00> : vector<2000x128xf32>
    %dot_general3A_444 = tpu.matmul %add3A_353, %get3A_442, %dot_general3A_443 {dimension_numbers = #tpu.dot_dimension_numbers<[1], [0], [0], [1], [0, 0, 1, 1], [], []>, transpose_lhs_hint = false} : vector<2000x128xf32>, vector<128x128xf32>, vector<2000x128xf32> -> vector<2000x128xf32>
    %add3A_445 = arith.addf %add3A_429, %dot_general3A_444 : vector<2000x128xf32>
    %get3A_446 = arith.constant 3 : index
    %get3A_447 = arith.constant 0 : index
    %get3A_448 = arith.constant 0 : index
    %get3A_449 = vector.load %arg6[%get3A_446, %get3A_447, %get3A_448] : memref<7x128x64xf32, #tpu.memory_space<vmem>>, vector<1x128x64xf32>
    %get3A_450 = vector.shape_cast %get3A_449 : vector<1x128x64xf32> to vector<128x64xf32>
    %dot_general3A_451 = arith.constant dense<0.000000e+00> : vector<2000x64xf32>
    %dot_general3A_452 = tpu.matmul %add3A_353, %get3A_450, %dot_general3A_451 {dimension_numbers = #tpu.dot_dimension_numbers<[1], [0], [0], [1], [0, 0, 1, 1], [], []>, transpose_lhs_hint = false} : vector<2000x128xf32>, vector<128x64xf32>, vector<2000x64xf32> -> vector<2000x64xf32>
    %add3A_453 = arith.addf %add3A_437, %dot_general3A_452 : vector<2000x64xf32>
    %get3A_454 = arith.constant 4 : index
    %get3A_455 = arith.constant 0 : index
    %get3A_456 = arith.constant 0 : index
    %get3A_457 = vector.load %arg4[%get3A_454, %get3A_455, %get3A_456] : memref<7x128x128xf32, #tpu.memory_space<vmem>>, vector<1x128x128xf32>
    %get3A_458 = vector.shape_cast %get3A_457 : vector<1x128x128xf32> to vector<128x128xf32>
    %dot_general3A_459 = arith.constant dense<0.000000e+00> : vector<2000x128xf32>
    %dot_general3A_460 = tpu.matmul %add3A_362, %get3A_458, %dot_general3A_459 {dimension_numbers = #tpu.dot_dimension_numbers<[1], [0], [0], [1], [0, 0, 1, 1], [], []>, transpose_lhs_hint = false} : vector<2000x128xf32>, vector<128x128xf32>, vector<2000x128xf32> -> vector<2000x128xf32>
    %add3A_461 = arith.addf %add3A_445, %dot_general3A_460 : vector<2000x128xf32>
    %get3A_462 = arith.constant 4 : index
    %get3A_463 = arith.constant 0 : index
    %get3A_464 = arith.constant 0 : index
    %get3A_465 = vector.load %arg6[%get3A_462, %get3A_463, %get3A_464] : memref<7x128x64xf32, #tpu.memory_space<vmem>>, vector<1x128x64xf32>
    %get3A_466 = vector.shape_cast %get3A_465 : vector<1x128x64xf32> to vector<128x64xf32>
    %dot_general3A_467 = arith.constant dense<0.000000e+00> : vector<2000x64xf32>
    %dot_general3A_468 = tpu.matmul %add3A_362, %get3A_466, %dot_general3A_467 {dimension_numbers = #tpu.dot_dimension_numbers<[1], [0], [0], [1], [0, 0, 1, 1], [], []>, transpose_lhs_hint = false} : vector<2000x128xf32>, vector<128x64xf32>, vector<2000x64xf32> -> vector<2000x64xf32>
    %add3A_469 = arith.addf %add3A_453, %dot_general3A_468 : vector<2000x64xf32>
    %get3A_470 = arith.constant 5 : index
    %get3A_471 = arith.constant 0 : index
    %get3A_472 = arith.constant 0 : index
    %get3A_473 = vector.load %arg4[%get3A_470, %get3A_471, %get3A_472] : memref<7x128x128xf32, #tpu.memory_space<vmem>>, vector<1x128x128xf32>
    %get3A_474 = vector.shape_cast %get3A_473 : vector<1x128x128xf32> to vector<128x128xf32>
    %dot_general3A_475 = arith.constant dense<0.000000e+00> : vector<2000x128xf32>
    %dot_general3A_476 = tpu.matmul %add3A_371, %get3A_474, %dot_general3A_475 {dimension_numbers = #tpu.dot_dimension_numbers<[1], [0], [0], [1], [0, 0, 1, 1], [], []>, transpose_lhs_hint = false} : vector<2000x128xf32>, vector<128x128xf32>, vector<2000x128xf32> -> vector<2000x128xf32>
    %add3A_477 = arith.addf %add3A_461, %dot_general3A_476 : vector<2000x128xf32>
    %get3A_478 = arith.constant 5 : index
    %get3A_479 = arith.constant 0 : index
    %get3A_480 = arith.constant 0 : index
    %get3A_481 = vector.load %arg6[%get3A_478, %get3A_479, %get3A_480] : memref<7x128x64xf32, #tpu.memory_space<vmem>>, vector<1x128x64xf32>
    %get3A_482 = vector.shape_cast %get3A_481 : vector<1x128x64xf32> to vector<128x64xf32>
    %dot_general3A_483 = arith.constant dense<0.000000e+00> : vector<2000x64xf32>
    %dot_general3A_484 = tpu.matmul %add3A_371, %get3A_482, %dot_general3A_483 {dimension_numbers = #tpu.dot_dimension_numbers<[1], [0], [0], [1], [0, 0, 1, 1], [], []>, transpose_lhs_hint = false} : vector<2000x128xf32>, vector<128x64xf32>, vector<2000x64xf32> -> vector<2000x64xf32>
    %add3A_485 = arith.addf %add3A_469, %dot_general3A_484 : vector<2000x64xf32>
    %get3A_486 = arith.constant 6 : index
    %get3A_487 = arith.constant 0 : index
    %get3A_488 = arith.constant 0 : index
    %get3A_489 = vector.load %arg4[%get3A_486, %get3A_487, %get3A_488] : memref<7x128x128xf32, #tpu.memory_space<vmem>>, vector<1x128x128xf32>
    %get3A_490 = vector.shape_cast %get3A_489 : vector<1x128x128xf32> to vector<128x128xf32>
    %dot_general3A_491 = arith.constant dense<0.000000e+00> : vector<2000x128xf32>
    %dot_general3A_492 = tpu.matmul %add3A_380, %get3A_490, %dot_general3A_491 {dimension_numbers = #tpu.dot_dimension_numbers<[1], [0], [0], [1], [0, 0, 1, 1], [], []>, transpose_lhs_hint = false} : vector<2000x128xf32>, vector<128x128xf32>, vector<2000x128xf32> -> vector<2000x128xf32>
    %add3A_493 = arith.addf %add3A_477, %dot_general3A_492 : vector<2000x128xf32>
    %get3A_494 = arith.constant 6 : index
    %get3A_495 = arith.constant 0 : index
    %get3A_496 = arith.constant 0 : index
    %get3A_497 = vector.load %arg6[%get3A_494, %get3A_495, %get3A_496] : memref<7x128x64xf32, #tpu.memory_space<vmem>>, vector<1x128x64xf32>
    %get3A_498 = vector.shape_cast %get3A_497 : vector<1x128x64xf32> to vector<128x64xf32>
    %dot_general3A_499 = arith.constant dense<0.000000e+00> : vector<2000x64xf32>
    %dot_general3A_500 = tpu.matmul %add3A_380, %get3A_498, %dot_general3A_499 {dimension_numbers = #tpu.dot_dimension_numbers<[1], [0], [0], [1], [0, 0, 1, 1], [], []>, transpose_lhs_hint = false} : vector<2000x128xf32>, vector<128x64xf32>, vector<2000x64xf32> -> vector<2000x64xf32>
    %add3A_501 = arith.addf %add3A_485, %dot_general3A_500 : vector<2000x64xf32>
    %mul3A_502 = vector.broadcast %slice3A_11 : vector<2000x1xf32> to vector<2000x128xf32>
    %mul3A_503 = arith.mulf %add3A_493, %mul3A_502 : vector<2000x128xf32>
    %swap3A = arith.constant 0 : index
    %swap3A_504 = arith.constant 0 : index
    %swap3A_505 = vector.load %arg7[%swap3A, %swap3A_504] : memref<2000x128xf32, #tpu.memory_space<vmem>>, vector<2000x128xf32>
    tpu.vector_store %arg7[%swap3A, %swap3A_504], %mul3A_503 {strides = array<i32>} : memref<2000x128xf32, #tpu.memory_space<vmem>>, vector<2000x128xf32>,
    %swap3A_506 = arith.constant 0 : index
    %swap3A_507 = arith.constant 0 : index
    %swap3A_508 = vector.load %arg8[%swap3A_506, %swap3A_507] : memref<2000x64xf32, #tpu.memory_space<vmem>>, vector<2000x64xf32>
    tpu.vector_store %arg8[%swap3A_506, %swap3A_507], %add3A_501 {strides = array<i32>} : memref<2000x64xf32, #tpu.memory_space<vmem>>, vector<2000x64xf32>,
    return
  }
  func.func @transform_0(%arg0: i32) -> (i32, i32) {
    %c0_i32 = arith.constant 0 : i32
    %c0_i32_0 = arith.constant 0 : i32
    return %arg0, %c0_i32 : i32, i32
  }
  func.func @transform_1(%arg0: i32) -> (i32, i32, i32) {
    %c0_i32 = arith.constant 0 : i32
    %c0_i32_0 = arith.constant 0 : i32
    %c0_i32_1 = arith.constant 0 : i32
    return %c0_i32, %arg0, %c0_i32_0 : i32, i32, i32
  }
  func.func @transform_2(%arg0: i32) -> (i32, i32) {
    %c0_i32 = arith.constant 0 : i32
    %c0_i32_0 = arith.constant 0 : i32
    %c0_i32_1 = arith.constant 0 : i32
    return %c0_i32, %c0_i32_0 : i32, i32
  }
  func.func @transform_3(%arg0: i32) -> (i32, i32, i32) {
    %c0_i32 = arith.constant 0 : i32
    %c0_i32_0 = arith.constant 0 : i32
    %c0_i32_1 = arith.constant 0 : i32
    %c0_i32_2 = arith.constant 0 : i32
    return %c0_i32, %c0_i32_0, %c0_i32_1 : i32, i32, i32
  }
  func.func @transform_4(%arg0: i32) -> (i32, i32) {
    %c0_i32 = arith.constant 0 : i32
    %c0_i32_0 = arith.constant 0 : i32
    %c0_i32_1 = arith.constant 0 : i32
    return %c0_i32, %c0_i32_0 : i32, i32
  }
  func.func @transform_5(%arg0: i32) -> (i32, i32, i32) {
    %c0_i32 = arith.constant 0 : i32
    %c0_i32_0 = arith.constant 0 : i32
    %c0_i32_1 = arith.constant 0 : i32
    %c0_i32_2 = arith.constant 0 : i32
    return %c0_i32, %c0_i32_0, %c0_i32_1 : i32, i32, i32
  }
  func.func @transform_6(%arg0: i32) -> (i32, i32) {
    %c0_i32 = arith.constant 0 : i32
    %c0_i32_0 = arith.constant 0 : i32
    return %arg0, %c0_i32 : i32, i32
  }
  func.func @transform_7(%arg0: i32) -> (i32, i32) {
    %c0_i32 = arith.constant 0 : i32
    %c0_i32_0 = arith.constant 0 : i32
    return %arg0, %c0_i32 : i32, i32
  }
}

module attributes {stable_mosaic.version = 14 : i64} {
  func.func @_kan2_body(%arg0: i32, %arg1: memref<2000x128xf32, #tpu.memory_space<vmem>>, %arg2: memref<2x2000x128xf32, #tpu.memory_space<vmem>>, %arg3: memref<2000x64xf32, #tpu.memory_space<vmem>>, %arg4: memref<2x2000x16xf32, #tpu.memory_space<vmem>>, %arg5: memref<1x128xf32, #tpu.memory_space<vmem>>, %arg6: memref<128x64xf32, #tpu.memory_space<vmem>>, %arg7: memref<7x128x64xf32, #tpu.memory_space<vmem>>, %arg8: memref<2000x64xf32, #tpu.memory_space<vmem>>) attributes {dimension_semantics = [#tpu.dimension_semantics<arbitrary>], iteration_bounds = array<i64: 5>, scalar_prefetch = 0 : i64, scratch_operands = 0 : i64, tpu.core_type = #tpu.core_type<tc>, window_params = [{transform_indices = @transform_0, window_bounds = array<i64: 2000, 128>}, {transform_indices = @transform_1, window_bounds = array<i64: 2, 2000, 128>}, {transform_indices = @transform_2, window_bounds = array<i64: 2000, 64>}, {transform_indices = @transform_3, window_bounds = array<i64: 2, 2000, 16>}, {pipeline_mode = #tpu.pipeline_mode<synchronous>, transform_indices = @transform_4, window_bounds = array<i64: 1, 128>}, {pipeline_mode = #tpu.pipeline_mode<synchronous>, transform_indices = @transform_5, window_bounds = array<i64: 128, 64>}, {pipeline_mode = #tpu.pipeline_mode<synchronous>, transform_indices = @transform_6, window_bounds = array<i64: 7, 128, 64>}, {transform_indices = @transform_7, window_bounds = array<i64: 2000, 64>}]} {
    %get3A = arith.constant 0 : index
    %get3A_0 = arith.constant 0 : index
    %get3A_1 = arith.constant 0 : index
    %get3A_2 = vector.load %arg4[%get3A, %get3A_0, %get3A_1] : memref<2x2000x16xf32, #tpu.memory_space<vmem>>, vector<2x2000x16xf32>
    %slice3A = vector.extract_strided_slice %get3A_2 {offsets = [0, 0, 0], sizes = [1, 2000, 16], strides = [1, 1, 1]} : vector<2x2000x16xf32> to vector<1x2000x16xf32>
    %squeeze3A = vector.shape_cast %slice3A : vector<1x2000x16xf32> to vector<2000x16xf32>
    %slice3A_3 = vector.extract_strided_slice %get3A_2 {offsets = [1, 0, 0], sizes = [1, 2000, 16], strides = [1, 1, 1]} : vector<2x2000x16xf32> to vector<1x2000x16xf32>
    %squeeze3A_4 = vector.shape_cast %slice3A_3 : vector<1x2000x16xf32> to vector<2000x16xf32>
    %add3A = arith.addf %squeeze3A, %squeeze3A_4 : vector<2000x16xf32>
    %add3A_5 = arith.constant 1.000000e+00 : f32
    %add3A_6 = vector.broadcast %add3A_5 : f32 to vector<2000x16xf32>
    %add3A_7 = arith.addf %add3A, %add3A_6 : vector<2000x16xf32>
    %rsqrt3A = math.rsqrt %add3A_7 : vector<2000x16xf32>
    %slice3A_8 = vector.extract_strided_slice %rsqrt3A {offsets = [0, 0], sizes = [2000, 1], strides = [1, 1]} : vector<2000x16xf32> to vector<2000x1xf32>
    %get3A_9 = arith.constant 0 : index
    %get3A_10 = arith.constant 0 : index
    %get3A_11 = arith.constant 0 : index
    %get3A_12 = vector.load %arg2[%get3A_9, %get3A_10, %get3A_11] : memref<2x2000x128xf32, #tpu.memory_space<vmem>>, vector<1x2000x128xf32>
    %get3A_13 = vector.shape_cast %get3A_12 : vector<1x2000x128xf32> to vector<2000x128xf32>
    %get3A_14 = arith.constant 1 : index
    %get3A_15 = arith.constant 0 : index
    %get3A_16 = arith.constant 0 : index
    %get3A_17 = vector.load %arg2[%get3A_14, %get3A_15, %get3A_16] : memref<2x2000x128xf32, #tpu.memory_space<vmem>>, vector<1x2000x128xf32>
    %get3A_18 = vector.shape_cast %get3A_17 : vector<1x2000x128xf32> to vector<2000x128xf32>
    %add3A_19 = arith.addf %get3A_13, %get3A_18 : vector<2000x128xf32>
    %get3A_20 = arith.constant 0 : index
    %get3A_21 = arith.constant 0 : index
    %get3A_22 = vector.load %arg1[%get3A_20, %get3A_21] : memref<2000x128xf32, #tpu.memory_space<vmem>>, vector<2000x128xf32>
    %add3A_23 = arith.addf %add3A_19, %get3A_22 : vector<2000x128xf32>
    %mul3A = vector.broadcast %slice3A_8 : vector<2000x1xf32> to vector<2000x128xf32>
    %mul3A_24 = arith.mulf %mul3A, %add3A_23 : vector<2000x128xf32>
    %get3A_25 = arith.constant 0 : index
    %get3A_26 = arith.constant 0 : index
    %get3A_27 = vector.load %arg5[%get3A_25, %get3A_26] : memref<1x128xf32, #tpu.memory_space<vmem>>, vector<1x128xf32>
    %add3A_28 = vector.broadcast %get3A_27 : vector<1x128xf32> to vector<2000x128xf32>
    %add3A_29 = arith.addf %mul3A_24, %add3A_28 : vector<2000x128xf32>
    %neg3A = arith.constant 0.000000e+00 : f32
    %neg3A_30 = vector.broadcast %neg3A : f32 to vector<2000x128xf32>
    %neg3A_31 = arith.subf %neg3A_30, %add3A_29 : vector<2000x128xf32>
    %exp3A = math.exp %neg3A_31 : vector<2000x128xf32>
    %add3A_32 = arith.constant 1.000000e+00 : f32
    %add3A_33 = vector.broadcast %add3A_32 : f32 to vector<2000x128xf32>
    %add3A_34 = arith.addf %add3A_33, %exp3A : vector<2000x128xf32>
    %div3A = arith.constant 1.000000e+00 : f32
    %div3A_35 = vector.broadcast %div3A : f32 to vector<2000x128xf32>
    %div3A_36 = arith.divf %div3A_35, %add3A_34 : vector<2000x128xf32>
    %mul3A_37 = arith.mulf %add3A_29, %div3A_36 : vector<2000x128xf32>
    %sub3A = arith.constant -2.500000e+00 : f32
    %sub3A_38 = vector.broadcast %sub3A : f32 to vector<2000x128xf32>
    %sub3A_39 = arith.subf %add3A_29, %sub3A_38 : vector<2000x128xf32>
    %sub3A_40 = arith.constant -2.000000e+00 : f32
    %sub3A_41 = vector.broadcast %sub3A_40 : f32 to vector<2000x128xf32>
    %sub3A_42 = arith.subf %add3A_29, %sub3A_41 : vector<2000x128xf32>
    %sub3A_43 = arith.constant -1.500000e+00 : f32
    %sub3A_44 = vector.broadcast %sub3A_43 : f32 to vector<2000x128xf32>
    %sub3A_45 = arith.subf %add3A_29, %sub3A_44 : vector<2000x128xf32>
    %sub3A_46 = arith.constant -1.000000e+00 : f32
    %sub3A_47 = vector.broadcast %sub3A_46 : f32 to vector<2000x128xf32>
    %sub3A_48 = arith.subf %add3A_29, %sub3A_47 : vector<2000x128xf32>
    %sub3A_49 = arith.constant -5.000000e-01 : f32
    %sub3A_50 = vector.broadcast %sub3A_49 : f32 to vector<2000x128xf32>
    %sub3A_51 = arith.subf %add3A_29, %sub3A_50 : vector<2000x128xf32>
    %sub3A_52 = arith.constant 0.000000e+00 : f32
    %sub3A_53 = vector.broadcast %sub3A_52 : f32 to vector<2000x128xf32>
    %sub3A_54 = arith.subf %add3A_29, %sub3A_53 : vector<2000x128xf32>
    %sub3A_55 = arith.constant 5.000000e-01 : f32
    %sub3A_56 = vector.broadcast %sub3A_55 : f32 to vector<2000x128xf32>
    %sub3A_57 = arith.subf %add3A_29, %sub3A_56 : vector<2000x128xf32>
    %sub3A_58 = arith.constant 1.000000e+00 : f32
    %sub3A_59 = vector.broadcast %sub3A_58 : f32 to vector<2000x128xf32>
    %sub3A_60 = arith.subf %add3A_29, %sub3A_59 : vector<2000x128xf32>
    %sub3A_61 = arith.constant 1.500000e+00 : f32
    %sub3A_62 = vector.broadcast %sub3A_61 : f32 to vector<2000x128xf32>
    %sub3A_63 = arith.subf %add3A_29, %sub3A_62 : vector<2000x128xf32>
    %sub3A_64 = arith.constant 2.000000e+00 : f32
    %sub3A_65 = vector.broadcast %sub3A_64 : f32 to vector<2000x128xf32>
    %sub3A_66 = arith.subf %add3A_29, %sub3A_65 : vector<2000x128xf32>
    %sub3A_67 = arith.constant 2.500000e+00 : f32
    %sub3A_68 = vector.broadcast %sub3A_67 : f32 to vector<2000x128xf32>
    %sub3A_69 = arith.subf %add3A_29, %sub3A_68 : vector<2000x128xf32>
    %ge3A = arith.constant -2.500000e+00 : f32
    %ge3A_70 = vector.broadcast %ge3A : f32 to vector<2000x128xf32>
    %ge3A_71 = arith.cmpf oge, %add3A_29, %ge3A_70 : vector<2000x128xf32>
    %lt3A = arith.constant -2.000000e+00 : f32
    %lt3A_72 = vector.broadcast %lt3A : f32 to vector<2000x128xf32>
    %lt3A_73 = arith.cmpf olt, %add3A_29, %lt3A_72 : vector<2000x128xf32>
    %and3A = arith.andi %ge3A_71, %lt3A_73 : vector<2000x128xi1>
    %jit3A = arith.constant 1.000000e+00 : f32
    %jit3A_74 = arith.constant 0.000000e+00 : f32
    %broadcast_in_dim3A = vector.broadcast %jit3A : f32 to vector<2000x128xf32>
    %broadcast_in_dim3A_75 = vector.broadcast %jit3A_74 : f32 to vector<2000x128xf32>
    %select_n3A = arith.select %and3A, %broadcast_in_dim3A, %broadcast_in_dim3A_75 : vector<2000x128xi1>, vector<2000x128xf32>
    %ge3A_76 = arith.constant -2.000000e+00 : f32
    %ge3A_77 = vector.broadcast %ge3A_76 : f32 to vector<2000x128xf32>
    %ge3A_78 = arith.cmpf oge, %add3A_29, %ge3A_77 : vector<2000x128xf32>
    %lt3A_79 = arith.constant -1.500000e+00 : f32
    %lt3A_80 = vector.broadcast %lt3A_79 : f32 to vector<2000x128xf32>
    %lt3A_81 = arith.cmpf olt, %add3A_29, %lt3A_80 : vector<2000x128xf32>
    %and3A_82 = arith.andi %ge3A_78, %lt3A_81 : vector<2000x128xi1>
    %jit3A_83 = arith.constant 1.000000e+00 : f32
    %jit3A_84 = arith.constant 0.000000e+00 : f32
    %broadcast_in_dim3A_85 = vector.broadcast %jit3A_83 : f32 to vector<2000x128xf32>
    %broadcast_in_dim3A_86 = vector.broadcast %jit3A_84 : f32 to vector<2000x128xf32>
    %select_n3A_87 = arith.select %and3A_82, %broadcast_in_dim3A_85, %broadcast_in_dim3A_86 : vector<2000x128xi1>, vector<2000x128xf32>
    %ge3A_88 = arith.constant -1.500000e+00 : f32
    %ge3A_89 = vector.broadcast %ge3A_88 : f32 to vector<2000x128xf32>
    %ge3A_90 = arith.cmpf oge, %add3A_29, %ge3A_89 : vector<2000x128xf32>
    %lt3A_91 = arith.constant -1.000000e+00 : f32
    %lt3A_92 = vector.broadcast %lt3A_91 : f32 to vector<2000x128xf32>
    %lt3A_93 = arith.cmpf olt, %add3A_29, %lt3A_92 : vector<2000x128xf32>
    %and3A_94 = arith.andi %ge3A_90, %lt3A_93 : vector<2000x128xi1>
    %jit3A_95 = arith.constant 1.000000e+00 : f32
    %jit3A_96 = arith.constant 0.000000e+00 : f32
    %broadcast_in_dim3A_97 = vector.broadcast %jit3A_95 : f32 to vector<2000x128xf32>
    %broadcast_in_dim3A_98 = vector.broadcast %jit3A_96 : f32 to vector<2000x128xf32>
    %select_n3A_99 = arith.select %and3A_94, %broadcast_in_dim3A_97, %broadcast_in_dim3A_98 : vector<2000x128xi1>, vector<2000x128xf32>
    %ge3A_100 = arith.constant -1.000000e+00 : f32
    %ge3A_101 = vector.broadcast %ge3A_100 : f32 to vector<2000x128xf32>
    %ge3A_102 = arith.cmpf oge, %add3A_29, %ge3A_101 : vector<2000x128xf32>
    %lt3A_103 = arith.constant -5.000000e-01 : f32
    %lt3A_104 = vector.broadcast %lt3A_103 : f32 to vector<2000x128xf32>
    %lt3A_105 = arith.cmpf olt, %add3A_29, %lt3A_104 : vector<2000x128xf32>
    %and3A_106 = arith.andi %ge3A_102, %lt3A_105 : vector<2000x128xi1>
    %jit3A_107 = arith.constant 1.000000e+00 : f32
    %jit3A_108 = arith.constant 0.000000e+00 : f32
    %broadcast_in_dim3A_109 = vector.broadcast %jit3A_107 : f32 to vector<2000x128xf32>
    %broadcast_in_dim3A_110 = vector.broadcast %jit3A_108 : f32 to vector<2000x128xf32>
    %select_n3A_111 = arith.select %and3A_106, %broadcast_in_dim3A_109, %broadcast_in_dim3A_110 : vector<2000x128xi1>, vector<2000x128xf32>
    %ge3A_112 = arith.constant -5.000000e-01 : f32
    %ge3A_113 = vector.broadcast %ge3A_112 : f32 to vector<2000x128xf32>
    %ge3A_114 = arith.cmpf oge, %add3A_29, %ge3A_113 : vector<2000x128xf32>
    %lt3A_115 = arith.constant 0.000000e+00 : f32
    %lt3A_116 = vector.broadcast %lt3A_115 : f32 to vector<2000x128xf32>
    %lt3A_117 = arith.cmpf olt, %add3A_29, %lt3A_116 : vector<2000x128xf32>
    %and3A_118 = arith.andi %ge3A_114, %lt3A_117 : vector<2000x128xi1>
    %jit3A_119 = arith.constant 1.000000e+00 : f32
    %jit3A_120 = arith.constant 0.000000e+00 : f32
    %broadcast_in_dim3A_121 = vector.broadcast %jit3A_119 : f32 to vector<2000x128xf32>
    %broadcast_in_dim3A_122 = vector.broadcast %jit3A_120 : f32 to vector<2000x128xf32>
    %select_n3A_123 = arith.select %and3A_118, %broadcast_in_dim3A_121, %broadcast_in_dim3A_122 : vector<2000x128xi1>, vector<2000x128xf32>
    %ge3A_124 = arith.constant 0.000000e+00 : f32
    %ge3A_125 = vector.broadcast %ge3A_124 : f32 to vector<2000x128xf32>
    %ge3A_126 = arith.cmpf oge, %add3A_29, %ge3A_125 : vector<2000x128xf32>
    %lt3A_127 = arith.constant 5.000000e-01 : f32
    %lt3A_128 = vector.broadcast %lt3A_127 : f32 to vector<2000x128xf32>
    %lt3A_129 = arith.cmpf olt, %add3A_29, %lt3A_128 : vector<2000x128xf32>
    %and3A_130 = arith.andi %ge3A_126, %lt3A_129 : vector<2000x128xi1>
    %jit3A_131 = arith.constant 1.000000e+00 : f32
    %jit3A_132 = arith.constant 0.000000e+00 : f32
    %broadcast_in_dim3A_133 = vector.broadcast %jit3A_131 : f32 to vector<2000x128xf32>
    %broadcast_in_dim3A_134 = vector.broadcast %jit3A_132 : f32 to vector<2000x128xf32>
    %select_n3A_135 = arith.select %and3A_130, %broadcast_in_dim3A_133, %broadcast_in_dim3A_134 : vector<2000x128xi1>, vector<2000x128xf32>
    %ge3A_136 = arith.constant 5.000000e-01 : f32
    %ge3A_137 = vector.broadcast %ge3A_136 : f32 to vector<2000x128xf32>
    %ge3A_138 = arith.cmpf oge, %add3A_29, %ge3A_137 : vector<2000x128xf32>
    %lt3A_139 = arith.constant 1.000000e+00 : f32
    %lt3A_140 = vector.broadcast %lt3A_139 : f32 to vector<2000x128xf32>
    %lt3A_141 = arith.cmpf olt, %add3A_29, %lt3A_140 : vector<2000x128xf32>
    %and3A_142 = arith.andi %ge3A_138, %lt3A_141 : vector<2000x128xi1>
    %jit3A_143 = arith.constant 1.000000e+00 : f32
    %jit3A_144 = arith.constant 0.000000e+00 : f32
    %broadcast_in_dim3A_145 = vector.broadcast %jit3A_143 : f32 to vector<2000x128xf32>
    %broadcast_in_dim3A_146 = vector.broadcast %jit3A_144 : f32 to vector<2000x128xf32>
    %select_n3A_147 = arith.select %and3A_142, %broadcast_in_dim3A_145, %broadcast_in_dim3A_146 : vector<2000x128xi1>, vector<2000x128xf32>
    %ge3A_148 = arith.constant 1.000000e+00 : f32
    %ge3A_149 = vector.broadcast %ge3A_148 : f32 to vector<2000x128xf32>
    %ge3A_150 = arith.cmpf oge, %add3A_29, %ge3A_149 : vector<2000x128xf32>
    %lt3A_151 = arith.constant 1.500000e+00 : f32
    %lt3A_152 = vector.broadcast %lt3A_151 : f32 to vector<2000x128xf32>
    %lt3A_153 = arith.cmpf olt, %add3A_29, %lt3A_152 : vector<2000x128xf32>
    %and3A_154 = arith.andi %ge3A_150, %lt3A_153 : vector<2000x128xi1>
    %jit3A_155 = arith.constant 1.000000e+00 : f32
    %jit3A_156 = arith.constant 0.000000e+00 : f32
    %broadcast_in_dim3A_157 = vector.broadcast %jit3A_155 : f32 to vector<2000x128xf32>
    %broadcast_in_dim3A_158 = vector.broadcast %jit3A_156 : f32 to vector<2000x128xf32>
    %select_n3A_159 = arith.select %and3A_154, %broadcast_in_dim3A_157, %broadcast_in_dim3A_158 : vector<2000x128xi1>, vector<2000x128xf32>
    %ge3A_160 = arith.constant 1.500000e+00 : f32
    %ge3A_161 = vector.broadcast %ge3A_160 : f32 to vector<2000x128xf32>
    %ge3A_162 = arith.cmpf oge, %add3A_29, %ge3A_161 : vector<2000x128xf32>
    %lt3A_163 = arith.constant 2.000000e+00 : f32
    %lt3A_164 = vector.broadcast %lt3A_163 : f32 to vector<2000x128xf32>
    %lt3A_165 = arith.cmpf olt, %add3A_29, %lt3A_164 : vector<2000x128xf32>
    %and3A_166 = arith.andi %ge3A_162, %lt3A_165 : vector<2000x128xi1>
    %jit3A_167 = arith.constant 1.000000e+00 : f32
    %jit3A_168 = arith.constant 0.000000e+00 : f32
    %broadcast_in_dim3A_169 = vector.broadcast %jit3A_167 : f32 to vector<2000x128xf32>
    %broadcast_in_dim3A_170 = vector.broadcast %jit3A_168 : f32 to vector<2000x128xf32>
    %select_n3A_171 = arith.select %and3A_166, %broadcast_in_dim3A_169, %broadcast_in_dim3A_170 : vector<2000x128xi1>, vector<2000x128xf32>
    %ge3A_172 = arith.constant 2.000000e+00 : f32
    %ge3A_173 = vector.broadcast %ge3A_172 : f32 to vector<2000x128xf32>
    %ge3A_174 = arith.cmpf oge, %add3A_29, %ge3A_173 : vector<2000x128xf32>
    %lt3A_175 = arith.constant 2.500000e+00 : f32
    %lt3A_176 = vector.broadcast %lt3A_175 : f32 to vector<2000x128xf32>
    %lt3A_177 = arith.cmpf olt, %add3A_29, %lt3A_176 : vector<2000x128xf32>
    %and3A_178 = arith.andi %ge3A_174, %lt3A_177 : vector<2000x128xi1>
    %jit3A_179 = arith.constant 1.000000e+00 : f32
    %jit3A_180 = arith.constant 0.000000e+00 : f32
    %broadcast_in_dim3A_181 = vector.broadcast %jit3A_179 : f32 to vector<2000x128xf32>
    %broadcast_in_dim3A_182 = vector.broadcast %jit3A_180 : f32 to vector<2000x128xf32>
    %select_n3A_183 = arith.select %and3A_178, %broadcast_in_dim3A_181, %broadcast_in_dim3A_182 : vector<2000x128xi1>, vector<2000x128xf32>
    %mul3A_184 = arith.constant 2.000000e+00 : f32
    %mul3A_185 = vector.broadcast %mul3A_184 : f32 to vector<2000x128xf32>
    %mul3A_186 = arith.mulf %sub3A_39, %mul3A_185 : vector<2000x128xf32>
    %mul3A_187 = arith.mulf %mul3A_186, %select_n3A : vector<2000x128xf32>
    %mul3A_188 = arith.constant -2.000000e+00 : f32
    %mul3A_189 = vector.broadcast %mul3A_188 : f32 to vector<2000x128xf32>
    %mul3A_190 = arith.mulf %sub3A_45, %mul3A_189 : vector<2000x128xf32>
    %mul3A_191 = arith.mulf %mul3A_190, %select_n3A_87 : vector<2000x128xf32>
    %add3A_192 = arith.addf %mul3A_187, %mul3A_191 : vector<2000x128xf32>
    %mul3A_193 = arith.constant 2.000000e+00 : f32
    %mul3A_194 = vector.broadcast %mul3A_193 : f32 to vector<2000x128xf32>
    %mul3A_195 = arith.mulf %sub3A_42, %mul3A_194 : vector<2000x128xf32>
    %mul3A_196 = arith.mulf %mul3A_195, %select_n3A_87 : vector<2000x128xf32>
    %mul3A_197 = arith.constant -2.000000e+00 : f32
    %mul3A_198 = vector.broadcast %mul3A_197 : f32 to vector<2000x128xf32>
    %mul3A_199 = arith.mulf %sub3A_48, %mul3A_198 : vector<2000x128xf32>
    %mul3A_200 = arith.mulf %mul3A_199, %select_n3A_99 : vector<2000x128xf32>
    %add3A_201 = arith.addf %mul3A_196, %mul3A_200 : vector<2000x128xf32>
    %mul3A_202 = arith.constant 2.000000e+00 : f32
    %mul3A_203 = vector.broadcast %mul3A_202 : f32 to vector<2000x128xf32>
    %mul3A_204 = arith.mulf %sub3A_45, %mul3A_203 : vector<2000x128xf32>
    %mul3A_205 = arith.mulf %mul3A_204, %select_n3A_99 : vector<2000x128xf32>
    %mul3A_206 = arith.constant -2.000000e+00 : f32
    %mul3A_207 = vector.broadcast %mul3A_206 : f32 to vector<2000x128xf32>
    %mul3A_208 = arith.mulf %sub3A_51, %mul3A_207 : vector<2000x128xf32>
    %mul3A_209 = arith.mulf %mul3A_208, %select_n3A_111 : vector<2000x128xf32>
    %add3A_210 = arith.addf %mul3A_205, %mul3A_209 : vector<2000x128xf32>
    %mul3A_211 = arith.constant 2.000000e+00 : f32
    %mul3A_212 = vector.broadcast %mul3A_211 : f32 to vector<2000x128xf32>
    %mul3A_213 = arith.mulf %sub3A_48, %mul3A_212 : vector<2000x128xf32>
    %mul3A_214 = arith.mulf %mul3A_213, %select_n3A_111 : vector<2000x128xf32>
    %mul3A_215 = arith.constant -2.000000e+00 : f32
    %mul3A_216 = vector.broadcast %mul3A_215 : f32 to vector<2000x128xf32>
    %mul3A_217 = arith.mulf %sub3A_54, %mul3A_216 : vector<2000x128xf32>
    %mul3A_218 = arith.mulf %mul3A_217, %select_n3A_123 : vector<2000x128xf32>
    %add3A_219 = arith.addf %mul3A_214, %mul3A_218 : vector<2000x128xf32>
    %mul3A_220 = arith.constant 2.000000e+00 : f32
    %mul3A_221 = vector.broadcast %mul3A_220 : f32 to vector<2000x128xf32>
    %mul3A_222 = arith.mulf %sub3A_51, %mul3A_221 : vector<2000x128xf32>
    %mul3A_223 = arith.mulf %mul3A_222, %select_n3A_123 : vector<2000x128xf32>
    %mul3A_224 = arith.constant -2.000000e+00 : f32
    %mul3A_225 = vector.broadcast %mul3A_224 : f32 to vector<2000x128xf32>
    %mul3A_226 = arith.mulf %sub3A_57, %mul3A_225 : vector<2000x128xf32>
    %mul3A_227 = arith.mulf %mul3A_226, %select_n3A_135 : vector<2000x128xf32>
    %add3A_228 = arith.addf %mul3A_223, %mul3A_227 : vector<2000x128xf32>
    %mul3A_229 = arith.constant 2.000000e+00 : f32
    %mul3A_230 = vector.broadcast %mul3A_229 : f32 to vector<2000x128xf32>
    %mul3A_231 = arith.mulf %sub3A_54, %mul3A_230 : vector<2000x128xf32>
    %mul3A_232 = arith.mulf %mul3A_231, %select_n3A_135 : vector<2000x128xf32>
    %mul3A_233 = arith.constant -2.000000e+00 : f32
    %mul3A_234 = vector.broadcast %mul3A_233 : f32 to vector<2000x128xf32>
    %mul3A_235 = arith.mulf %sub3A_60, %mul3A_234 : vector<2000x128xf32>
    %mul3A_236 = arith.mulf %mul3A_235, %select_n3A_147 : vector<2000x128xf32>
    %add3A_237 = arith.addf %mul3A_232, %mul3A_236 : vector<2000x128xf32>
    %mul3A_238 = arith.constant 2.000000e+00 : f32
    %mul3A_239 = vector.broadcast %mul3A_238 : f32 to vector<2000x128xf32>
    %mul3A_240 = arith.mulf %sub3A_57, %mul3A_239 : vector<2000x128xf32>
    %mul3A_241 = arith.mulf %mul3A_240, %select_n3A_147 : vector<2000x128xf32>
    %mul3A_242 = arith.constant -2.000000e+00 : f32
    %mul3A_243 = vector.broadcast %mul3A_242 : f32 to vector<2000x128xf32>
    %mul3A_244 = arith.mulf %sub3A_63, %mul3A_243 : vector<2000x128xf32>
    %mul3A_245 = arith.mulf %mul3A_244, %select_n3A_159 : vector<2000x128xf32>
    %add3A_246 = arith.addf %mul3A_241, %mul3A_245 : vector<2000x128xf32>
    %mul3A_247 = arith.constant 2.000000e+00 : f32
    %mul3A_248 = vector.broadcast %mul3A_247 : f32 to vector<2000x128xf32>
    %mul3A_249 = arith.mulf %sub3A_60, %mul3A_248 : vector<2000x128xf32>
    %mul3A_250 = arith.mulf %mul3A_249, %select_n3A_159 : vector<2000x128xf32>
    %mul3A_251 = arith.constant -2.000000e+00 : f32
    %mul3A_252 = vector.broadcast %mul3A_251 : f32 to vector<2000x128xf32>
    %mul3A_253 = arith.mulf %sub3A_66, %mul3A_252 : vector<2000x128xf32>
    %mul3A_254 = arith.mulf %mul3A_253, %select_n3A_171 : vector<2000x128xf32>
    %add3A_255 = arith.addf %mul3A_250, %mul3A_254 : vector<2000x128xf32>
    %mul3A_256 = arith.constant 2.000000e+00 : f32
    %mul3A_257 = vector.broadcast %mul3A_256 : f32 to vector<2000x128xf32>
    %mul3A_258 = arith.mulf %sub3A_63, %mul3A_257 : vector<2000x128xf32>
    %mul3A_259 = arith.mulf %mul3A_258, %select_n3A_171 : vector<2000x128xf32>
    %mul3A_260 = arith.constant -2.000000e+00 : f32
    %mul3A_261 = vector.broadcast %mul3A_260 : f32 to vector<2000x128xf32>
    %mul3A_262 = arith.mulf %sub3A_69, %mul3A_261 : vector<2000x128xf32>
    %mul3A_263 = arith.mulf %mul3A_262, %select_n3A_183 : vector<2000x128xf32>
    %add3A_264 = arith.addf %mul3A_259, %mul3A_263 : vector<2000x128xf32>
    %mul3A_265 = arith.constant 1.000000e+00 : f32
    %mul3A_266 = vector.broadcast %mul3A_265 : f32 to vector<2000x128xf32>
    %mul3A_267 = arith.mulf %sub3A_39, %mul3A_266 : vector<2000x128xf32>
    %mul3A_268 = arith.mulf %mul3A_267, %add3A_192 : vector<2000x128xf32>
    %mul3A_269 = arith.constant -1.000000e+00 : f32
    %mul3A_270 = vector.broadcast %mul3A_269 : f32 to vector<2000x128xf32>
    %mul3A_271 = arith.mulf %sub3A_48, %mul3A_270 : vector<2000x128xf32>
    %mul3A_272 = arith.mulf %mul3A_271, %add3A_201 : vector<2000x128xf32>
    %add3A_273 = arith.addf %mul3A_268, %mul3A_272 : vector<2000x128xf32>
    %mul3A_274 = arith.constant 1.000000e+00 : f32
    %mul3A_275 = vector.broadcast %mul3A_274 : f32 to vector<2000x128xf32>
    %mul3A_276 = arith.mulf %sub3A_42, %mul3A_275 : vector<2000x128xf32>
    %mul3A_277 = arith.mulf %mul3A_276, %add3A_201 : vector<2000x128xf32>
    %mul3A_278 = arith.constant -1.000000e+00 : f32
    %mul3A_279 = vector.broadcast %mul3A_278 : f32 to vector<2000x128xf32>
    %mul3A_280 = arith.mulf %sub3A_51, %mul3A_279 : vector<2000x128xf32>
    %mul3A_281 = arith.mulf %mul3A_280, %add3A_210 : vector<2000x128xf32>
    %add3A_282 = arith.addf %mul3A_277, %mul3A_281 : vector<2000x128xf32>
    %mul3A_283 = arith.constant 1.000000e+00 : f32
    %mul3A_284 = vector.broadcast %mul3A_283 : f32 to vector<2000x128xf32>
    %mul3A_285 = arith.mulf %sub3A_45, %mul3A_284 : vector<2000x128xf32>
    %mul3A_286 = arith.mulf %mul3A_285, %add3A_210 : vector<2000x128xf32>
    %mul3A_287 = arith.constant -1.000000e+00 : f32
    %mul3A_288 = vector.broadcast %mul3A_287 : f32 to vector<2000x128xf32>
    %mul3A_289 = arith.mulf %sub3A_54, %mul3A_288 : vector<2000x128xf32>
    %mul3A_290 = arith.mulf %mul3A_289, %add3A_219 : vector<2000x128xf32>
    %add3A_291 = arith.addf %mul3A_286, %mul3A_290 : vector<2000x128xf32>
    %mul3A_292 = arith.constant 1.000000e+00 : f32
    %mul3A_293 = vector.broadcast %mul3A_292 : f32 to vector<2000x128xf32>
    %mul3A_294 = arith.mulf %sub3A_48, %mul3A_293 : vector<2000x128xf32>
    %mul3A_295 = arith.mulf %mul3A_294, %add3A_219 : vector<2000x128xf32>
    %mul3A_296 = arith.constant -1.000000e+00 : f32
    %mul3A_297 = vector.broadcast %mul3A_296 : f32 to vector<2000x128xf32>
    %mul3A_298 = arith.mulf %sub3A_57, %mul3A_297 : vector<2000x128xf32>
    %mul3A_299 = arith.mulf %mul3A_298, %add3A_228 : vector<2000x128xf32>
    %add3A_300 = arith.addf %mul3A_295, %mul3A_299 : vector<2000x128xf32>
    %mul3A_301 = arith.constant 1.000000e+00 : f32
    %mul3A_302 = vector.broadcast %mul3A_301 : f32 to vector<2000x128xf32>
    %mul3A_303 = arith.mulf %sub3A_51, %mul3A_302 : vector<2000x128xf32>
    %mul3A_304 = arith.mulf %mul3A_303, %add3A_228 : vector<2000x128xf32>
    %mul3A_305 = arith.constant -1.000000e+00 : f32
    %mul3A_306 = vector.broadcast %mul3A_305 : f32 to vector<2000x128xf32>
    %mul3A_307 = arith.mulf %sub3A_60, %mul3A_306 : vector<2000x128xf32>
    %mul3A_308 = arith.mulf %mul3A_307, %add3A_237 : vector<2000x128xf32>
    %add3A_309 = arith.addf %mul3A_304, %mul3A_308 : vector<2000x128xf32>
    %mul3A_310 = arith.constant 1.000000e+00 : f32
    %mul3A_311 = vector.broadcast %mul3A_310 : f32 to vector<2000x128xf32>
    %mul3A_312 = arith.mulf %sub3A_54, %mul3A_311 : vector<2000x128xf32>
    %mul3A_313 = arith.mulf %mul3A_312, %add3A_237 : vector<2000x128xf32>
    %mul3A_314 = arith.constant -1.000000e+00 : f32
    %mul3A_315 = vector.broadcast %mul3A_314 : f32 to vector<2000x128xf32>
    %mul3A_316 = arith.mulf %sub3A_63, %mul3A_315 : vector<2000x128xf32>
    %mul3A_317 = arith.mulf %mul3A_316, %add3A_246 : vector<2000x128xf32>
    %add3A_318 = arith.addf %mul3A_313, %mul3A_317 : vector<2000x128xf32>
    %mul3A_319 = arith.constant 1.000000e+00 : f32
    %mul3A_320 = vector.broadcast %mul3A_319 : f32 to vector<2000x128xf32>
    %mul3A_321 = arith.mulf %sub3A_57, %mul3A_320 : vector<2000x128xf32>
    %mul3A_322 = arith.mulf %mul3A_321, %add3A_246 : vector<2000x128xf32>
    %mul3A_323 = arith.constant -1.000000e+00 : f32
    %mul3A_324 = vector.broadcast %mul3A_323 : f32 to vector<2000x128xf32>
    %mul3A_325 = arith.mulf %sub3A_66, %mul3A_324 : vector<2000x128xf32>
    %mul3A_326 = arith.mulf %mul3A_325, %add3A_255 : vector<2000x128xf32>
    %add3A_327 = arith.addf %mul3A_322, %mul3A_326 : vector<2000x128xf32>
    %mul3A_328 = arith.constant 1.000000e+00 : f32
    %mul3A_329 = vector.broadcast %mul3A_328 : f32 to vector<2000x128xf32>
    %mul3A_330 = arith.mulf %sub3A_60, %mul3A_329 : vector<2000x128xf32>
    %mul3A_331 = arith.mulf %mul3A_330, %add3A_255 : vector<2000x128xf32>
    %mul3A_332 = arith.constant -1.000000e+00 : f32
    %mul3A_333 = vector.broadcast %mul3A_332 : f32 to vector<2000x128xf32>
    %mul3A_334 = arith.mulf %sub3A_69, %mul3A_333 : vector<2000x128xf32>
    %mul3A_335 = arith.mulf %mul3A_334, %add3A_264 : vector<2000x128xf32>
    %add3A_336 = arith.addf %mul3A_331, %mul3A_335 : vector<2000x128xf32>
    %mul3A_337 = arith.constant 0.666666686 : f32
    %mul3A_338 = vector.broadcast %mul3A_337 : f32 to vector<2000x128xf32>
    %mul3A_339 = arith.mulf %sub3A_39, %mul3A_338 : vector<2000x128xf32>
    %mul3A_340 = arith.mulf %mul3A_339, %add3A_273 : vector<2000x128xf32>
    %mul3A_341 = arith.constant -0.666666686 : f32
    %mul3A_342 = vector.broadcast %mul3A_341 : f32 to vector<2000x128xf32>
    %mul3A_343 = arith.mulf %sub3A_51, %mul3A_342 : vector<2000x128xf32>
    %mul3A_344 = arith.mulf %mul3A_343, %add3A_282 : vector<2000x128xf32>
    %add3A_345 = arith.addf %mul3A_340, %mul3A_344 : vector<2000x128xf32>
    %mul3A_346 = arith.constant 0.666666686 : f32
    %mul3A_347 = vector.broadcast %mul3A_346 : f32 to vector<2000x128xf32>
    %mul3A_348 = arith.mulf %sub3A_42, %mul3A_347 : vector<2000x128xf32>
    %mul3A_349 = arith.mulf %mul3A_348, %add3A_282 : vector<2000x128xf32>
    %mul3A_350 = arith.constant -0.666666686 : f32
    %mul3A_351 = vector.broadcast %mul3A_350 : f32 to vector<2000x128xf32>
    %mul3A_352 = arith.mulf %sub3A_54, %mul3A_351 : vector<2000x128xf32>
    %mul3A_353 = arith.mulf %mul3A_352, %add3A_291 : vector<2000x128xf32>
    %add3A_354 = arith.addf %mul3A_349, %mul3A_353 : vector<2000x128xf32>
    %mul3A_355 = arith.constant 0.666666686 : f32
    %mul3A_356 = vector.broadcast %mul3A_355 : f32 to vector<2000x128xf32>
    %mul3A_357 = arith.mulf %sub3A_45, %mul3A_356 : vector<2000x128xf32>
    %mul3A_358 = arith.mulf %mul3A_357, %add3A_291 : vector<2000x128xf32>
    %mul3A_359 = arith.constant -0.666666686 : f32
    %mul3A_360 = vector.broadcast %mul3A_359 : f32 to vector<2000x128xf32>
    %mul3A_361 = arith.mulf %sub3A_57, %mul3A_360 : vector<2000x128xf32>
    %mul3A_362 = arith.mulf %mul3A_361, %add3A_300 : vector<2000x128xf32>
    %add3A_363 = arith.addf %mul3A_358, %mul3A_362 : vector<2000x128xf32>
    %mul3A_364 = arith.constant 0.666666686 : f32
    %mul3A_365 = vector.broadcast %mul3A_364 : f32 to vector<2000x128xf32>
    %mul3A_366 = arith.mulf %sub3A_48, %mul3A_365 : vector<2000x128xf32>
    %mul3A_367 = arith.mulf %mul3A_366, %add3A_300 : vector<2000x128xf32>
    %mul3A_368 = arith.constant -0.666666686 : f32
    %mul3A_369 = vector.broadcast %mul3A_368 : f32 to vector<2000x128xf32>
    %mul3A_370 = arith.mulf %sub3A_60, %mul3A_369 : vector<2000x128xf32>
    %mul3A_371 = arith.mulf %mul3A_370, %add3A_309 : vector<2000x128xf32>
    %add3A_372 = arith.addf %mul3A_367, %mul3A_371 : vector<2000x128xf32>
    %mul3A_373 = arith.constant 0.666666686 : f32
    %mul3A_374 = vector.broadcast %mul3A_373 : f32 to vector<2000x128xf32>
    %mul3A_375 = arith.mulf %sub3A_51, %mul3A_374 : vector<2000x128xf32>
    %mul3A_376 = arith.mulf %mul3A_375, %add3A_309 : vector<2000x128xf32>
    %mul3A_377 = arith.constant -0.666666686 : f32
    %mul3A_378 = vector.broadcast %mul3A_377 : f32 to vector<2000x128xf32>
    %mul3A_379 = arith.mulf %sub3A_63, %mul3A_378 : vector<2000x128xf32>
    %mul3A_380 = arith.mulf %mul3A_379, %add3A_318 : vector<2000x128xf32>
    %add3A_381 = arith.addf %mul3A_376, %mul3A_380 : vector<2000x128xf32>
    %mul3A_382 = arith.constant 0.666666686 : f32
    %mul3A_383 = vector.broadcast %mul3A_382 : f32 to vector<2000x128xf32>
    %mul3A_384 = arith.mulf %sub3A_54, %mul3A_383 : vector<2000x128xf32>
    %mul3A_385 = arith.mulf %mul3A_384, %add3A_318 : vector<2000x128xf32>
    %mul3A_386 = arith.constant -0.666666686 : f32
    %mul3A_387 = vector.broadcast %mul3A_386 : f32 to vector<2000x128xf32>
    %mul3A_388 = arith.mulf %sub3A_66, %mul3A_387 : vector<2000x128xf32>
    %mul3A_389 = arith.mulf %mul3A_388, %add3A_327 : vector<2000x128xf32>
    %add3A_390 = arith.addf %mul3A_385, %mul3A_389 : vector<2000x128xf32>
    %mul3A_391 = arith.constant 0.666666686 : f32
    %mul3A_392 = vector.broadcast %mul3A_391 : f32 to vector<2000x128xf32>
    %mul3A_393 = arith.mulf %sub3A_57, %mul3A_392 : vector<2000x128xf32>
    %mul3A_394 = arith.mulf %mul3A_393, %add3A_327 : vector<2000x128xf32>
    %mul3A_395 = arith.constant -0.666666686 : f32
    %mul3A_396 = vector.broadcast %mul3A_395 : f32 to vector<2000x128xf32>
    %mul3A_397 = arith.mulf %sub3A_69, %mul3A_396 : vector<2000x128xf32>
    %mul3A_398 = arith.mulf %mul3A_397, %add3A_336 : vector<2000x128xf32>
    %add3A_399 = arith.addf %mul3A_394, %mul3A_398 : vector<2000x128xf32>
    %get3A_400 = arith.constant 0 : index
    %get3A_401 = arith.constant 0 : index
    %get3A_402 = vector.load %arg3[%get3A_400, %get3A_401] : memref<2000x64xf32, #tpu.memory_space<vmem>>, vector<2000x64xf32>
    %get3A_403 = arith.constant 0 : index
    %get3A_404 = arith.constant 0 : index
    %get3A_405 = vector.load %arg6[%get3A_403, %get3A_404] : memref<128x64xf32, #tpu.memory_space<vmem>>, vector<128x64xf32>
    %dot_general3A = arith.constant dense<0.000000e+00> : vector<2000x64xf32>
    %dot_general3A_406 = tpu.matmul %mul3A_37, %get3A_405, %dot_general3A {dimension_numbers = #tpu.dot_dimension_numbers<[1], [0], [0], [1], [0, 0, 1, 1], [], []>, transpose_lhs_hint = false} : vector<2000x128xf32>, vector<128x64xf32>, vector<2000x64xf32> -> vector<2000x64xf32>
    %add3A_407 = arith.addf %get3A_402, %dot_general3A_406 : vector<2000x64xf32>
    %get3A_408 = arith.constant 0 : index
    %get3A_409 = arith.constant 0 : index
    %get3A_410 = arith.constant 0 : index
    %get3A_411 = vector.load %arg7[%get3A_408, %get3A_409, %get3A_410] : memref<7x128x64xf32, #tpu.memory_space<vmem>>, vector<1x128x64xf32>
    %get3A_412 = vector.shape_cast %get3A_411 : vector<1x128x64xf32> to vector<128x64xf32>
    %dot_general3A_413 = arith.constant dense<0.000000e+00> : vector<2000x64xf32>
    %dot_general3A_414 = tpu.matmul %add3A_345, %get3A_412, %dot_general3A_413 {dimension_numbers = #tpu.dot_dimension_numbers<[1], [0], [0], [1], [0, 0, 1, 1], [], []>, transpose_lhs_hint = false} : vector<2000x128xf32>, vector<128x64xf32>, vector<2000x64xf32> -> vector<2000x64xf32>
    %add3A_415 = arith.addf %add3A_407, %dot_general3A_414 : vector<2000x64xf32>
    %get3A_416 = arith.constant 1 : index
    %get3A_417 = arith.constant 0 : index
    %get3A_418 = arith.constant 0 : index
    %get3A_419 = vector.load %arg7[%get3A_416, %get3A_417, %get3A_418] : memref<7x128x64xf32, #tpu.memory_space<vmem>>, vector<1x128x64xf32>
    %get3A_420 = vector.shape_cast %get3A_419 : vector<1x128x64xf32> to vector<128x64xf32>
    %dot_general3A_421 = arith.constant dense<0.000000e+00> : vector<2000x64xf32>
    %dot_general3A_422 = tpu.matmul %add3A_354, %get3A_420, %dot_general3A_421 {dimension_numbers = #tpu.dot_dimension_numbers<[1], [0], [0], [1], [0, 0, 1, 1], [], []>, transpose_lhs_hint = false} : vector<2000x128xf32>, vector<128x64xf32>, vector<2000x64xf32> -> vector<2000x64xf32>
    %add3A_423 = arith.addf %add3A_415, %dot_general3A_422 : vector<2000x64xf32>
    %get3A_424 = arith.constant 2 : index
    %get3A_425 = arith.constant 0 : index
    %get3A_426 = arith.constant 0 : index
    %get3A_427 = vector.load %arg7[%get3A_424, %get3A_425, %get3A_426] : memref<7x128x64xf32, #tpu.memory_space<vmem>>, vector<1x128x64xf32>
    %get3A_428 = vector.shape_cast %get3A_427 : vector<1x128x64xf32> to vector<128x64xf32>
    %dot_general3A_429 = arith.constant dense<0.000000e+00> : vector<2000x64xf32>
    %dot_general3A_430 = tpu.matmul %add3A_363, %get3A_428, %dot_general3A_429 {dimension_numbers = #tpu.dot_dimension_numbers<[1], [0], [0], [1], [0, 0, 1, 1], [], []>, transpose_lhs_hint = false} : vector<2000x128xf32>, vector<128x64xf32>, vector<2000x64xf32> -> vector<2000x64xf32>
    %add3A_431 = arith.addf %add3A_423, %dot_general3A_430 : vector<2000x64xf32>
    %get3A_432 = arith.constant 3 : index
    %get3A_433 = arith.constant 0 : index
    %get3A_434 = arith.constant 0 : index
    %get3A_435 = vector.load %arg7[%get3A_432, %get3A_433, %get3A_434] : memref<7x128x64xf32, #tpu.memory_space<vmem>>, vector<1x128x64xf32>
    %get3A_436 = vector.shape_cast %get3A_435 : vector<1x128x64xf32> to vector<128x64xf32>
    %dot_general3A_437 = arith.constant dense<0.000000e+00> : vector<2000x64xf32>
    %dot_general3A_438 = tpu.matmul %add3A_372, %get3A_436, %dot_general3A_437 {dimension_numbers = #tpu.dot_dimension_numbers<[1], [0], [0], [1], [0, 0, 1, 1], [], []>, transpose_lhs_hint = false} : vector<2000x128xf32>, vector<128x64xf32>, vector<2000x64xf32> -> vector<2000x64xf32>
    %add3A_439 = arith.addf %add3A_431, %dot_general3A_438 : vector<2000x64xf32>
    %get3A_440 = arith.constant 4 : index
    %get3A_441 = arith.constant 0 : index
    %get3A_442 = arith.constant 0 : index
    %get3A_443 = vector.load %arg7[%get3A_440, %get3A_441, %get3A_442] : memref<7x128x64xf32, #tpu.memory_space<vmem>>, vector<1x128x64xf32>
    %get3A_444 = vector.shape_cast %get3A_443 : vector<1x128x64xf32> to vector<128x64xf32>
    %dot_general3A_445 = arith.constant dense<0.000000e+00> : vector<2000x64xf32>
    %dot_general3A_446 = tpu.matmul %add3A_381, %get3A_444, %dot_general3A_445 {dimension_numbers = #tpu.dot_dimension_numbers<[1], [0], [0], [1], [0, 0, 1, 1], [], []>, transpose_lhs_hint = false} : vector<2000x128xf32>, vector<128x64xf32>, vector<2000x64xf32> -> vector<2000x64xf32>
    %add3A_447 = arith.addf %add3A_439, %dot_general3A_446 : vector<2000x64xf32>
    %get3A_448 = arith.constant 5 : index
    %get3A_449 = arith.constant 0 : index
    %get3A_450 = arith.constant 0 : index
    %get3A_451 = vector.load %arg7[%get3A_448, %get3A_449, %get3A_450] : memref<7x128x64xf32, #tpu.memory_space<vmem>>, vector<1x128x64xf32>
    %get3A_452 = vector.shape_cast %get3A_451 : vector<1x128x64xf32> to vector<128x64xf32>
    %dot_general3A_453 = arith.constant dense<0.000000e+00> : vector<2000x64xf32>
    %dot_general3A_454 = tpu.matmul %add3A_390, %get3A_452, %dot_general3A_453 {dimension_numbers = #tpu.dot_dimension_numbers<[1], [0], [0], [1], [0, 0, 1, 1], [], []>, transpose_lhs_hint = false} : vector<2000x128xf32>, vector<128x64xf32>, vector<2000x64xf32> -> vector<2000x64xf32>
    %add3A_455 = arith.addf %add3A_447, %dot_general3A_454 : vector<2000x64xf32>
    %get3A_456 = arith.constant 6 : index
    %get3A_457 = arith.constant 0 : index
    %get3A_458 = arith.constant 0 : index
    %get3A_459 = vector.load %arg7[%get3A_456, %get3A_457, %get3A_458] : memref<7x128x64xf32, #tpu.memory_space<vmem>>, vector<1x128x64xf32>
    %get3A_460 = vector.shape_cast %get3A_459 : vector<1x128x64xf32> to vector<128x64xf32>
    %dot_general3A_461 = arith.constant dense<0.000000e+00> : vector<2000x64xf32>
    %dot_general3A_462 = tpu.matmul %add3A_399, %get3A_460, %dot_general3A_461 {dimension_numbers = #tpu.dot_dimension_numbers<[1], [0], [0], [1], [0, 0, 1, 1], [], []>, transpose_lhs_hint = false} : vector<2000x128xf32>, vector<128x64xf32>, vector<2000x64xf32> -> vector<2000x64xf32>
    %add3A_463 = arith.addf %add3A_455, %dot_general3A_462 : vector<2000x64xf32>
    %mul3A_464 = vector.broadcast %slice3A_8 : vector<2000x1xf32> to vector<2000x64xf32>
    %mul3A_465 = arith.mulf %add3A_463, %mul3A_464 : vector<2000x64xf32>
    %swap3A = arith.constant 0 : index
    %swap3A_466 = arith.constant 0 : index
    %swap3A_467 = vector.load %arg8[%swap3A, %swap3A_466] : memref<2000x64xf32, #tpu.memory_space<vmem>>, vector<2000x64xf32>
    tpu.vector_store %arg8[%swap3A, %swap3A_466], %mul3A_465 {strides = array<i32>} : memref<2000x64xf32, #tpu.memory_space<vmem>>, vector<2000x64xf32>,
    return
  }
  func.func @transform_0(%arg0: i32) -> (i32, i32) {
    %c0_i32 = arith.constant 0 : i32
    %c0_i32_0 = arith.constant 0 : i32
    return %arg0, %c0_i32 : i32, i32
  }
  func.func @transform_1(%arg0: i32) -> (i32, i32, i32) {
    %c0_i32 = arith.constant 0 : i32
    %c0_i32_0 = arith.constant 0 : i32
    %c0_i32_1 = arith.constant 0 : i32
    return %c0_i32, %arg0, %c0_i32_0 : i32, i32, i32
  }
  func.func @transform_2(%arg0: i32) -> (i32, i32) {
    %c0_i32 = arith.constant 0 : i32
    %c0_i32_0 = arith.constant 0 : i32
    return %arg0, %c0_i32 : i32, i32
  }
  func.func @transform_3(%arg0: i32) -> (i32, i32, i32) {
    %c0_i32 = arith.constant 0 : i32
    %c0_i32_0 = arith.constant 0 : i32
    %c0_i32_1 = arith.constant 0 : i32
    return %c0_i32, %arg0, %c0_i32_0 : i32, i32, i32
  }
  func.func @transform_4(%arg0: i32) -> (i32, i32) {
    %c0_i32 = arith.constant 0 : i32
    %c0_i32_0 = arith.constant 0 : i32
    %c0_i32_1 = arith.constant 0 : i32
    return %c0_i32, %c0_i32_0 : i32, i32
  }
  func.func @transform_5(%arg0: i32) -> (i32, i32) {
    %c0_i32 = arith.constant 0 : i32
    %c0_i32_0 = arith.constant 0 : i32
    %c0_i32_1 = arith.constant 0 : i32
    return %c0_i32, %c0_i32_0 : i32, i32
  }
  func.func @transform_6(%arg0: i32) -> (i32, i32, i32) {
    %c0_i32 = arith.constant 0 : i32
    %c0_i32_0 = arith.constant 0 : i32
    %c0_i32_1 = arith.constant 0 : i32
    %c0_i32_2 = arith.constant 0 : i32
    return %c0_i32, %c0_i32_0, %c0_i32_1 : i32, i32, i32
  }
  func.func @transform_7(%arg0: i32) -> (i32, i32) {
    %c0_i32 = arith.constant 0 : i32
    %c0_i32_0 = arith.constant 0 : i32
    return %arg0, %c0_i32 : i32, i32
  }
}

module attributes {stable_mosaic.version = 14 : i64} {
  func.func @_epilogue_body(%arg0: i32, %arg1: memref<2000x64xf32, #tpu.memory_space<vmem>>, %arg2: memref<2x2000x64xf32, #tpu.memory_space<vmem>>, %arg3: memref<2x2000x16xf32, #tpu.memory_space<vmem>>, %arg4: memref<1x64xf32, #tpu.memory_space<vmem>>, %arg5: memref<2000x64xf32, #tpu.memory_space<vmem>>) attributes {dimension_semantics = [#tpu.dimension_semantics<arbitrary>], iteration_bounds = array<i64: 5>, scalar_prefetch = 0 : i64, scratch_operands = 0 : i64, tpu.core_type = #tpu.core_type<tc>, window_params = [{transform_indices = @transform_0, window_bounds = array<i64: 2000, 64>}, {transform_indices = @transform_1, window_bounds = array<i64: 2, 2000, 64>}, {transform_indices = @transform_2, window_bounds = array<i64: 2, 2000, 16>}, {pipeline_mode = #tpu.pipeline_mode<synchronous>, transform_indices = @transform_3, window_bounds = array<i64: 1, 64>}, {transform_indices = @transform_4, window_bounds = array<i64: 2000, 64>}]} {
    %get3A = arith.constant 0 : index
    %get3A_0 = arith.constant 0 : index
    %get3A_1 = arith.constant 0 : index
    %get3A_2 = vector.load %arg3[%get3A, %get3A_0, %get3A_1] : memref<2x2000x16xf32, #tpu.memory_space<vmem>>, vector<2x2000x16xf32>
    %slice3A = vector.extract_strided_slice %get3A_2 {offsets = [0, 0, 0], sizes = [1, 2000, 16], strides = [1, 1, 1]} : vector<2x2000x16xf32> to vector<1x2000x16xf32>
    %squeeze3A = vector.shape_cast %slice3A : vector<1x2000x16xf32> to vector<2000x16xf32>
    %slice3A_3 = vector.extract_strided_slice %get3A_2 {offsets = [1, 0, 0], sizes = [1, 2000, 16], strides = [1, 1, 1]} : vector<2x2000x16xf32> to vector<1x2000x16xf32>
    %squeeze3A_4 = vector.shape_cast %slice3A_3 : vector<1x2000x16xf32> to vector<2000x16xf32>
    %add3A = arith.addf %squeeze3A, %squeeze3A_4 : vector<2000x16xf32>
    %add3A_5 = arith.constant 1.000000e+00 : f32
    %add3A_6 = vector.broadcast %add3A_5 : f32 to vector<2000x16xf32>
    %add3A_7 = arith.addf %add3A, %add3A_6 : vector<2000x16xf32>
    %rsqrt3A = math.rsqrt %add3A_7 : vector<2000x16xf32>
    %slice3A_8 = vector.extract_strided_slice %rsqrt3A {offsets = [0, 0], sizes = [2000, 1], strides = [1, 1]} : vector<2000x16xf32> to vector<2000x1xf32>
    %get3A_9 = arith.constant 0 : index
    %get3A_10 = arith.constant 0 : index
    %get3A_11 = arith.constant 0 : index
    %get3A_12 = vector.load %arg2[%get3A_9, %get3A_10, %get3A_11] : memref<2x2000x64xf32, #tpu.memory_space<vmem>>, vector<1x2000x64xf32>
    %get3A_13 = vector.shape_cast %get3A_12 : vector<1x2000x64xf32> to vector<2000x64xf32>
    %get3A_14 = arith.constant 1 : index
    %get3A_15 = arith.constant 0 : index
    %get3A_16 = arith.constant 0 : index
    %get3A_17 = vector.load %arg2[%get3A_14, %get3A_15, %get3A_16] : memref<2x2000x64xf32, #tpu.memory_space<vmem>>, vector<1x2000x64xf32>
    %get3A_18 = vector.shape_cast %get3A_17 : vector<1x2000x64xf32> to vector<2000x64xf32>
    %add3A_19 = arith.addf %get3A_13, %get3A_18 : vector<2000x64xf32>
    %get3A_20 = arith.constant 0 : index
    %get3A_21 = arith.constant 0 : index
    %get3A_22 = vector.load %arg1[%get3A_20, %get3A_21] : memref<2000x64xf32, #tpu.memory_space<vmem>>, vector<2000x64xf32>
    %add3A_23 = arith.addf %add3A_19, %get3A_22 : vector<2000x64xf32>
    %mul3A = vector.broadcast %slice3A_8 : vector<2000x1xf32> to vector<2000x64xf32>
    %mul3A_24 = arith.mulf %mul3A, %add3A_23 : vector<2000x64xf32>
    %get3A_25 = arith.constant 0 : index
    %get3A_26 = arith.constant 0 : index
    %get3A_27 = vector.load %arg4[%get3A_25, %get3A_26] : memref<1x64xf32, #tpu.memory_space<vmem>>, vector<1x64xf32>
    %add3A_28 = vector.broadcast %get3A_27 : vector<1x64xf32> to vector<2000x64xf32>
    %add3A_29 = arith.addf %mul3A_24, %add3A_28 : vector<2000x64xf32>
    %swap3A = arith.constant 0 : index
    %swap3A_30 = arith.constant 0 : index
    %swap3A_31 = vector.load %arg5[%swap3A, %swap3A_30] : memref<2000x64xf32, #tpu.memory_space<vmem>>, vector<2000x64xf32>
    tpu.vector_store %arg5[%swap3A, %swap3A_30], %add3A_29 {strides = array<i32>} : memref<2000x64xf32, #tpu.memory_space<vmem>>, vector<2000x64xf32>,
    return
  }
  func.func @transform_0(%arg0: i32) -> (i32, i32) {
    %c0_i32 = arith.constant 0 : i32
    %c0_i32_0 = arith.constant 0 : i32
    return %arg0, %c0_i32 : i32, i32
  }
  func.func @transform_1(%arg0: i32) -> (i32, i32, i32) {
    %c0_i32 = arith.constant 0 : i32
    %c0_i32_0 = arith.constant 0 : i32
    %c0_i32_1 = arith.constant 0 : i32
    return %c0_i32, %arg0, %c0_i32_0 : i32, i32, i32
  }
  func.func @transform_2(%arg0: i32) -> (i32, i32, i32) {
    %c0_i32 = arith.constant 0 : i32
    %c0_i32_0 = arith.constant 0 : i32
    %c0_i32_1 = arith.constant 0 : i32
    return %c0_i32, %arg0, %c0_i32_0 : i32, i32, i32
  }
  func.func @transform_3(%arg0: i32) -> (i32, i32) {
    %c0_i32 = arith.constant 0 : i32
    %c0_i32_0 = arith.constant 0 : i32
    %c0_i32_1 = arith.constant 0 : i32
    return %c0_i32, %c0_i32_0 : i32, i32
  }
  func.func @transform_4(%arg0: i32) -> (i32, i32) {
    %c0_i32 = arith.constant 0 : i32
    %c0_i32_0 = arith.constant 0 : i32
    return %arg0, %c0_i32 : i32, i32
  }
}

</mosaic_0001>

<sc_bundles>
// kernel: kernel.11.cloned.1.call-start
scs
__scs_entry_jumppad:
0x0: {  	(pc) =	sbr.rel $0x88, $3  }
0x1: {  	(tag) =	ssettag $0x0;
	lr =	simm.s32 $0x1  }
0x2: {  	[smem:$0x3F97] =	sst lr;
	_ =	strace $0xD0000000  }
0x3: {  	_ = 	snop  }
0x4: {  	_ = 	snop  }
0x5: {  	_ = 	snop  }
0x6: {  	_ = 	snop  }
0x7: {  	_ = 	snop  }
__scs_overlays_trampoline_lowered:
0x8: {  	[smem:$0x3FA6] =	sst s0  }
0x9: {  	[smem:$0x3FA7] =	sst s1  }
0xa: {  	[smem:$0x3FA8] =	sst s2  }
0xb: {  	[smem:$0x3FA9] =	sst s3  }
0xc: {  	[smem:$0x3FAA] =	sst s4  }
0xd: {  	[smem:$0x3FAB] =	sst s5  }
0xe: {  	[smem:$0x3FAC] =	sst s6  }
0xf: {  	[smem:$0x3FAD] =	sst s7  }
0x10: {  	[smem:$0x3FAE] =	sst s8  }
0x11: {  	[smem:$0x3FAF] =	sst s9;
	s0 =	simm.s32 @!p0 $0x0  }
0x12: {  	s1 =	sld [smem:$0x3F95];
	s0 =	simm.s32 @p0 $0x1  }
0x13: {  	[smem:$0x3FB0] =	sst s0;
	s0 =	simm.s32 @!p1 $0x0  }
0x14: {  	s2 =	sld [smem:$0x3F94];
	s0 =	simm.s32 @p1 $0x1  }
0x15: {  	[smem:$0x3FB1] =	sst s0;
	s0 =	simm.s32 @!p2 $0x0  }
0x16: {  	s3 =	sld [smem:$0x3FDB];
	s0 =	simm.s32 @p2 $0x1  }
0x17: {  	s4 =	simm.s32 $0x1BF5;
	[smem:$0x3FB3] =	sst s0  }
0x18: {  	s0 =	sld [smem:$0x3F96];
	_ =	swait.ge [sflag:s4], $0x0  }
0x19: {  	s7 =	sld [smem:$0x3F97]  }
0x1a: {  	s8 =	sadd.s32 $0xFFFFE003, lr  }
0x1b: {  	s9 =	sadd.s32 $0xFFFFFEF7, lr;
	s5 =	simm.s32 $0xFFFFFFFF;
	p2 =	slt.u32 s8, $0xFFFFF086  }
0x1c: {  	p1 =	slt.u32 s9, $0xF7A;
	s5 =	simm.s32 @!p2 $0x0  }
0x1d: {  	s5 =	simm.s32 @p1 $0x1;
	p0 =	seq.s32 s7, s2  }
0x1e: {  	s7 =	smul.u32 @!p0 $0xF7A, s2;
	p2 =	seq.s32 @!p0 s5, $0x0  }
0x1f: {  	s9 =	smul.u32 $0xF7A, s1;
	s8 =	simm.s32 @!p0 $0x1BF5;
	p2 =	por !p2, p0  }
0x20: {  	[sflag:s8] =	ssyncset.s32 @!p0 $0xFFFFF086;
	s6 =	sadd.s32 @!p0 s3, s7;
	s7 =	simm.s32 @!p0 $0x108  }
0x21: {  	s3 =	sadd.s32 s3, s9;
	s6 =	sadd.s32 @!p0 $0x88, s6;
	s7 =	simm.s32 @p2 $0x1082  }
0x22: {  	[simem:s7], [sflag:s8] =	dma.local @!p0 [hbm:s6], $0xF7A  }
0x23: {  	s9 =	sor.u32 $0xD0000000, s2;
	s6 =	simm.s32 $0x108;
	_ =	swait.ge @!p0 [sflag:s8], $0x0  }
0x24: {  	s3 =	sadd.s32 $0x88, s3;
	s6 =	simm.s32 @!p1 $0x1082;
	[sflag:s4] =	ssyncset.s32 $0xFFFFF086  }
0x25: {  	[simem:s6], [sflag:s4] =	dma.local [hbm:s3], $0xF7A  }
0x26: {  	[smem:$0x3F97] =	sst s1;
	(tag) =	ssettag s2;
	_ =	strace s9  }
0x27: {  	s1 =	sld [smem:$0x3FA7]  }
0x28: {  	s2 =	sld [smem:$0x3FA8]  }
0x29: {  	s4 =	sld [smem:$0x3FAA]  }
0x2a: {  	p0 =	seq.s32 s5, $0x0;
	s5 =	sld [smem:$0x3FAB]  }
0x2b: {  	s6 =	sld [smem:$0x3FAC]  }
0x2c: {  	s7 =	sld [smem:$0x3FAD]  }
0x2d: {  	s3 =	simm.s32 $0x108;
	s8 =	sld [smem:$0x3FAE]  }
0x2e: {  	s3 =	simm.s32 @!p0 $0x1082;
	s9 =	sld [smem:$0x3FAF]  }
0x2f: {  	lr =	sadd.s32 s0, s3;
	s0 =	sld [smem:$0x3FA6]  }
0x30: {  	s3 =	sld [smem:$0x3FA9]  }
0x31: {  	[smem:$0x3FB2] =	sst s10  }
0x32: {  	s10 =	sld [smem:$0x3FB0];
	_ =	sdelay $0x3  }
0x33: {  	p0 =	seq.s32 s10, $0x1;
	s10 =	sld [smem:$0x3FB2];
	_ =	sdelay $0x3  }
0x34: {  	[smem:$0x3FB2] =	sst s10  }
0x35: {  	s10 =	sld [smem:$0x3FB1];
	_ =	sdelay $0x3  }
0x36: {  	p1 =	seq.s32 s10, $0x1;
	s10 =	sld [smem:$0x3FB2];
	_ =	sdelay $0x3  }
0x37: {  	[smem:$0x3FB2] =	sst s10  }
0x38: {  	s10 =	sld [smem:$0x3FB3]  }
0x39: {  	_ = 	snop;
	(pc) =	sbr.ind lr, $3  }
0x3a: {  	_ = 	snop  }
0x3b: {  	_ = 	snop  }
0x3c: {  	p2 =	seq.s32 s10, $0x1;
	s10 =	sld [smem:$0x3FB2]  }
0x3d: {  	_ =	shalt  }
0x3e: {  	_ =	shalt  }
0x3f: {  	_ =	shalt  }
0x40: {  	_ =	shalt  }
0x41: {  	_ =	shalt  }
0x42: {  	_ =	shalt  }
0x43: {  	_ =	shalt  }
0x44: {  	_ =	shalt  }
0x45: {  	_ =	shalt  }
0x46: {  	_ =	shalt  }
0x47: {  	_ =	shalt  }
0x48: {  	_ =	shalt  }
0x49: {  	_ =	shalt  }
0x4a: {  	_ =	shalt  }
0x4b: {  	_ =	shalt  }
0x4c: {  	_ =	shalt  }
0x4d: {  	_ =	shalt  }
0x4e: {  	_ =	shalt  }
0x4f: {  	_ =	shalt  }
0x50: {  	_ =	shalt  }
0x51: {  	_ =	shalt  }
0x52: {  	_ =	shalt  }
0x53: {  	_ =	shalt  }
0x54: {  	_ =	shalt  }
0x55: {  	_ =	shalt  }
0x56: {  	_ =	shalt  }
0x57: {  	_ =	shalt  }
0x58: {  	_ =	shalt  }
0x59: {  	_ =	shalt  }
0x5a: {  	_ =	shalt  }
0x5b: {  	_ =	shalt  }
0x5c: {  	_ =	shalt  }
0x5d: {  	_ =	shalt  }
0x5e: {  	_ =	shalt  }
0x5f: {  	_ =	shalt  }
0x60: {  	_ =	shalt  }
0x61: {  	_ =	shalt  }
0x62: {  	_ =	shalt  }
0x63: {  	_ =	shalt  }
0x64: {  	_ =	shalt  }
0x65: {  	_ =	shalt  }
0x66: {  	_ =	shalt  }
0x67: {  	_ =	shalt  }
0x68: {  	_ =	shalt  }
0x69: {  	_ =	shalt  }
0x6a: {  	_ =	shalt  }
0x6b: {  	_ =	shalt  }
0x6c: {  	_ =	shalt  }
0x6d: {  	_ =	shalt  }
0x6e: {  	_ =	shalt  }
0x6f: {  	_ =	shalt  }
0x70: {  	_ =	shalt  }
0x71: {  	_ =	shalt  }
0x72: {  	_ =	shalt  }
0x73: {  	_ =	shalt  }
0x74: {  	_ =	shalt  }
0x75: {  	_ =	shalt  }
0x76: {  	_ =	shalt  }
0x77: {  	_ =	shalt  }
0x78: {  	_ =	shalt  }
0x79: {  	_ =	shalt  }
0x7a: {  	_ =	shalt  }
0x7b: {  	_ =	shalt  }
0x7c: {  	_ =	shalt  }
0x7d: {  	_ =	shalt  }
0x7e: {  	_ =	shalt  }
0x7f: {  	_ =	shalt  }
0x80: {  	_ =	shalt  }
0x81: {  	_ =	shalt  }
0x82: {  	_ =	shalt  }
0x83: {  	_ =	shalt  }
0x84: {  	_ =	shalt  }
0x85: {  	_ =	shalt  }
0x86: {  	_ =	shalt  }
0x87: {  	_ =	shalt  }
.Lfunc_end0:
.L_simem_size_0:
called_computation.1_lowered:
.L_overlay_start_0:
0x88: {  	s2 =	sld [smem:$0x3FD9]  }
0x89: {  	s3 =	sld [smem:$0x3FFE];
	_ =	sdelay $0x1  }
0x8a: {  	s1 =	srdreg.scid  }
0x8b: {  	s0 =	sand.u32 $0x1, s1  }
0x8c: {  	s16 =	sshll.u32 s0, $0xA;
	s2 =	sadd.s32 s3, s2  }
0x8d: {  	s2 =	sadd.s32 s2, s16  }
0x8e: {  	[smem:$0x3FBE] =	sst s2  }
0x8f: {  	_ = 	snop  }
0x90: {  	(tm) =	ssettm $0x1  }
0x91: {  	s17 =	sld [smem:$0x3FFB];
	_ =	sdelay $0x3  }
0x92: {  	_ =	strace s17  }
0x93: {  	s2 =	sld [smem:$0x3FFC];
	_ =	sdelay $0x3  }
0x94: {  	_ =	strace s2  }
0x95: {  	s2 =	sld [smem:$0x3FFD];
	_ =	sdelay $0x3  }
0x96: {  	_ =	strace s2  }
0x97: {  	_ =	strace $0x8FFFFFFF  }
0x98: {  	s18 =	sld [smem:$0x3FDB];
	_ =	sdelay $0x1  }
0x99: {  	s19 =	simm.s32 $_scs_section_size  }
0x9a: {  	s4 =	simm.s32 $_size__tile_overlayer_lowered;
	s5 =	simm.s32 $_tile_overlayer_lowered  }
0x9b: {  	s22 =	simm.s32 $0x1BFF;
	s21 =	sshll.u32 s5, $0x1;
	s2 =	sadd.s32 s19, s18  }
0x9c: {  	s6 =	simm.s32 $0x0;
	s20 =	sshll.u32 s4, $0x1;
	s4 =	sadd.s32 s21, s2  }
0x9d: {  	[timem:s6], [sflag:s22] =	dma.local [hbm:s4], s20  }
0x9e: {  	_ =	swait.ge [sflag:s22], s20  }
0x9f: {  	s3 =	ssub.s32 $0x0, s20;
	[sflag:s22] =	ssyncset.done $0x0  }
0xa0: {  	[sflag:s22] =	ssyncadd.s32 s3;
	_ =	sdelay $0x1  }
0xa1: {  	s23 =	simm.s32 $0x1B8B  }
0xa2: {  	_ =	swait.ge [sflag:s23], $0x1  }
0xa3: {  	[sflag:s23] =	ssyncset.done $0x0  }
0xa4: {  	s25 =	simm.s32 $0x1B8E;
	s24 =	sld [smem:$0x3FFE];
	[sflag:s23] =	ssyncadd.s32 $0xFFFFFFFF  }
0xa5: {  	s26 =	simm.s32 $execute0_lowered;
	[smem:$0x3FD2] =	sst s25  }
0xa6: {  	s4 =	sshll.u32 s26, $0x1;
	_ =	strace $0x80000049;
	[dreg:$0x1] =	wrdreg $0xFFFFFFFF  }
0xa7: {  	s28 =	simm.s32 $_size_execute0_lowered;
	s2 =	sadd.s32 s2, s4;
	[dreg:$0x0] =	wrdreg $0x0  }
0xa8: {  	s4 =	sshll.u32 s28, $0x1;
	[dreg:$0x2] =	wrdreg s2  }
0xa9: {  	[dreg:$0x3] =	wrdreg s4  }
0xaa: {  	[dreg:$0x4] =	wrdreg $0xC0  }
0xab: {  	_ =	task [dreg:s6], $0x5FFFF  }
0xac: {  	[dreg:$0x1] =	wrdreg $0xFFFFFFFF  }
0xad: {  	[dreg:$0x0] =	wrdreg $0x60  }
0xae: {  	[dreg:$0x2] =	wrdreg s24  }
0xaf: {  	[dreg:$0x3] =	wrdreg $0xB0000  }
0xb0: {  	[dreg:$0x4] =	wrdreg $0x9  }
0xb1: {  	_ =	task.clear_ibuf [dreg:s6], $0x5FFFF;
	_ =	strace $0x90000049  }
0xb2: {  	s29 =	simm.s32 $0x9;
	_ =	strace $0x8000004B  }
0xb3: {  	_ =	swait.ge [sflag:s29], $0x1  }
0xb4: {  	[sflag:s29] =	ssyncadd.s32 $0xFFFFFFFF  }
0xb5: {  	_ =	strace $0x9000004B  }
0xb6: {  	_ =	sfence  }
0xb7: {  	s30 =	sld [smem:$0x0];
	_ =	sdelay $0x2  }
0xb8: {  	s31 =	sshll.u32 s1, $0xD;
	s1 =	sshrl.u32 s1, $0x2  }
0xb9: {  	s3 =	sand.u32 $0x4000, s31;
	s1 =	sadd.s32 s1, s30  }
0xba: {  	s0 =	sor.u32 s3, s0;
	s1 =	sshll.u32 s1, $0x11  }
0xbb: {  	s0 =	sor.u32 s1, s0  }
0xbc: {  	s0 =	sadd.s32 $0x8F2B, s0  }
0xbd: {  	[sflag:s0] =	ssyncadd.remote.s32 $0x1  }
0xbe: {  	_ =	sfence.sel $0xFFFF  }
0xbf: {  	[dreg:$0x0] =	wrdreg $0xFFFFFFFF;
	(pc) =	sbr.abs _section_cstart, $3  }
0xc0: {  	[dreg:$0x1] =	wrdreg $0xFFFFFFFF  }
0xc1: {  	_ =	task.clear_ibuf [dreg:s6], $0x2FFFF;
	_ =	strace $0x9FFFFFFF  }
0xc2: {  	(tm) =	ssettm $0x7FFFFFFF  }
0xc3: {  	_ =	shalt  }
tec
execute0_lowered:
.L_overlay_start_1:
0x0: {  	(tag) =	ssettag $0x1  }
0x1: {  	s0 =	srdreg.scid;
	s5 =	rddreg [dreg:$0x0]  }
0x2: {  	s12 =	stileid.u32;
	s2 =	rddreg [dreg:$0x1];
	s3 =	simm.s32 $0x0  }
0x3: {  	s11 =	simm.s32 $0x2800;
	s14 =	simm.s32 $0x40;
	s15 =	simm.s32 $0x5000  }
0x4: {  	s16 =	simm.s32 $0x7000;
	s18 =	simm.s32 $0x9000;
	s19 =	simm.s32 $0x1  }
0x5: {  	s20 =	simm.s32 $0x4;
	s22 =	simm.s32 $0x2;
	s24 =	simm.s32 $0x5  }
0x6: {  	s28 =	simm.s32 $0x2880;
	s29 =	simm.s32 $0x6;
	s30 =	simm.s32 $0x2780  }
0x7: {  	s31 =	simm.s32 $0x4F80;
	s0 =	sand.u32 $0x1, s0;
	s1 =	sshll.u32 s12, $0x1  }
0x8: {  	s7 =	smul.u32 $0x13C00, s12;
	[smem:$0x7FF] =	sst s3;
	s4 =	sadd.s32 $0x65E00, s5  }
0x9: {  	s26 =	sshll.u32 s12, $0x6;
	s1 =	sor.u32 s0, s1;
	s6 =	smul.u32 $0x13C000, s0  }
0xa: {  	_ =	strace $0x8000004A;
	s0 =	ssub.s32 $0x2, s0;
	s12 =	sor.u32 $0x1C07, s26  }
0xb: {  	s26 =	simm.s32 $0x3;
	s1 =	smul.u32 $0x500, s1;
	s8 =	sshrl.u32 s7, $0x3  }
0xc: {  	s9 =	sshrl.u32 s0, $0x1;
	s25 =	sadd.s32 s7, s2;
	s6 =	sadd.s32 s7, s6  }
0xd: {  	s8 =	sadd.s32 s8, s5;
	s0 =	ssub.s32 s0, s9;
	s13 =	sshrl.u32 s25, $0x3  }
0xe: {  	s25 =	simm.s32 $0x100;
	s1 =	sadd.s32 s1, s5;
	s6 =	sshrl.u32 s6, $0x3  }
0xf: {  	s7 =	sadd.s32 $0x8D000, s8;
	s9 =	smax.u32 s0, $0x1;
	s0 =	simm.s32 $0x0  }
0x10: {  	s10 =	sadd.s32 s6, s5;
	s5 =	sadd.s32 $0xCE00, s1;
	s6 =	sadd.s32 $0x2E00, s1  }
0x11: {  	s1 =	simm.s32 $0x4FC0;
	s8 =	sadd.s32 $0xB4800, s10;
	s10 =	simm.s32 $0x7  }
.LBB2_1:
0x12: {  	[tilespmem:s3], [sflag:$0x7] =	stream.linear.gather [hbm4b:s5+s3], $0x2800, $0x38;
	[tilespmem:$0x1EC00] =	vst v63  }
0x13: {  	_ =	swait.ge [sflag:s10], $0x2800  }
0x14: {  	[sflag:s10] =	ssyncset.done $0x0  }
0x15: {  	[sflag:s10] =	ssyncadd.s32 $0xFFFFD800  }
0x16: {  	[tilespmem:s11], [sflag:$0x7] =	stream.linear.gather [hbm4b:s6+s3], $0x2800, $0x38;
	[tilespmem:$0x1EC00] =	vst v63  }
0x17: {  	_ =	swait.ge [sflag:s10], $0x2800  }
0x18: {  	[sflag:s10] =	ssyncset.done $0x0  }
0x19: {  	[sflag:s10] =	ssyncadd.s32 $0xFFFFD800  }
0x1a: {  	[spmem:s13], [sflag:s12] =	dma.local [hbm:s7], $0x2780  }
0x1b: {  	_ =	swait.ge [sflag:s10], $0x2780  }
0x1c: {  	[sflag:s10] =	ssyncset.done $0x0  }
0x1d: {  	[sflag:s10] =	ssyncadd.s32 $0xFFFFD880  }
0x1e: {  	[bflag:$0x0] =	sbarrier.arrive $0xFFFF  }
0x1f: {  	[tilespmem:s15], [sflag:$0x1] =	stream.indirect.gather [hbm4b:s4+s14], $0x80, s3, s14, $0xb8;
	[tilespmem:$0x1EC00] =	vst v63  }
0x20: {  	_ = 	snop  }
0x21: {  	[tilespmem:s16], [sflag:$0x2] =	stream.indirect.gather [hbm4b:s4+s14], $0x80, s14, s14, $0xb8;
	[tilespmem:$0x1EC00] =	vst v63  }
0x22: {  	s17 =	simm.s32 $0x80  }
0x23: {  	[tilespmem:s18], [sflag:$0x3] =	stream.indirect.gather [hbm4b:s4+s14], $0x80, s17, s14, $0xb8;
	[tilespmem:$0x1EC00] =	vst v63  }
0x24: {  	_ =	swait.ge [sflag:s19], $0x2000  }
0x25: {  	[sflag:s19] =	ssyncset.done $0x0  }
0x26: {  	[sflag:s19] =	ssyncadd.s32 $0xFFFFE000  }
0x27: {  	[spmem:s2] =	stream.indirect.scatter.add.f32 [tilespmem:s15], [sflag:$0x4], $0x80, s11, s14, $0xb8;
	[tilespmem:$0x1EC00] =	vst v63  }
0x28: {  	_ =	swait.ge [sflag:s20], $0x2000  }
0x29: {  	[sflag:s20] =	ssyncset.done $0x0  }
0x2a: {  	s23 =	simm.s32 $0xC0;
	[sflag:s20] =	ssyncadd.s32 $0xFFFFE000  }
0x2b: {  	[tilespmem:s15], [sflag:$0x1] =	stream.indirect.gather [hbm4b:s4+s14], $0x80, s23, s14, $0xb8;
	[tilespmem:$0x1EC00] =	vst v63  }
0x2c: {  	_ =	swait.ge [sflag:s22], $0x2000  }
0x2d: {  	[sflag:s22] =	ssyncset.done $0x0  }
0x2e: {  	s21 =	simm.s32 $0x2840;
	[sflag:s22] =	ssyncadd.s32 $0xFFFFE000  }
0x2f: {  	[spmem:s2] =	stream.indirect.scatter.add.f32 [tilespmem:s16], [sflag:$0x5], $0x80, s21, s14, $0xb8;
	[tilespmem:$0x1EC00] =	vst v63  }
0x30: {  	_ =	swait.ge [sflag:s24], $0x2000  }
0x31: {  	[sflag:s24] =	ssyncset.done $0x0  }
0x32: {  	[sflag:s24] =	ssyncadd.s32 $0xFFFFE000  }
0x33: {  	[tilespmem:s16], [sflag:$0x2] =	stream.indirect.gather [hbm4b:s4+s14], $0x80, s25, s14, $0xb8;
	[tilespmem:$0x1EC00] =	vst v63  }
0x34: {  	_ =	swait.ge [sflag:s26], $0x2000  }
0x35: {  	[sflag:s26] =	ssyncset.done $0x0  }
0x36: {  	[sflag:s26] =	ssyncadd.s32 $0xFFFFE000  }
0x37: {  	[spmem:s2] =	stream.indirect.scatter.add.f32 [tilespmem:s18], [sflag:$0x6], $0x80, s28, s14, $0xb8;
	[tilespmem:$0x1EC00] =	vst v63  }
0x38: {  	_ =	swait.ge [sflag:s29], $0x2000  }
0x39: {  	[sflag:s29] =	ssyncset.done $0x0  }
0x3a: {  	s23 =	simm.s32 $0x140;
	[sflag:s29] =	ssyncadd.s32 $0xFFFFE000  }
0x3b: {  	[tilespmem:s18], [sflag:$0x3] =	stream.indirect.gather [hbm4b:s4+s14], $0x80, s23, s14, $0xb8;
	[tilespmem:$0x1EC00] =	vst v63  }
0x3c: {  	_ =	swait.ge [sflag:s19], $0x2000  }
0x3d: {  	[sflag:s19] =	ssyncset.done $0x0  }
0x3e: {  	s21 =	simm.s32 $0x28C0;
	[sflag:s19] =	ssyncadd.s32 $0xFFFFE000  }
0x3f: {  	[spmem:s2] =	stream.indirect.scatter.add.f32 [tilespmem:s15], [sflag:$0x4], $0x80, s21, s14, $0xb8;
	[tilespmem:$0x1EC00] =	vst v63  }
0x40: {  	_ =	swait.ge [sflag:s20], $0x2000  }
0x41: {  	[sflag:s20] =	ssyncset.done $0x0  }
0x42: {  	s23 =	simm.s32 $0x180;
	[sflag:s20] =	ssyncadd.s32 $0xFFFFE000  }
0x43: {  	[tilespmem:s15], [sflag:$0x1] =	stream.indirect.gather [hbm4b:s4+s14], $0x80, s23, s14, $0xb8;
	[tilespmem:$0x1EC00] =	vst v63  }
0x44: {  	_ =	swait.ge [sflag:s22], $0x2000  }
0x45: {  	[sflag:s22] =	ssyncset.done $0x0  }
0x46: {  	s21 =	simm.s32 $0x2900;
	[sflag:s22] =	ssyncadd.s32 $0xFFFFE000  }
0x47: {  	[spmem:s2] =	stream.indirect.scatter.add.f32 [tilespmem:s16], [sflag:$0x5], $0x80, s21, s14, $0xb8;
	[tilespmem:$0x1EC00] =	vst v63  }
0x48: {  	_ =	swait.ge [sflag:s24], $0x2000  }
0x49: {  	[sflag:s24] =	ssyncset.done $0x0  }
0x4a: {  	s23 =	simm.s32 $0x1C0;
	[sflag:s24] =	ssyncadd.s32 $0xFFFFE000  }
0x4b: {  	[tilespmem:s16], [sflag:$0x2] =	stream.indirect.gather [hbm4b:s4+s14], $0x80, s23, s14, $0xb8;
	[tilespmem:$0x1EC00] =	vst v63  }
0x4c: {  	_ =	swait.ge [sflag:s26], $0x2000  }
0x4d: {  	[sflag:s26] =	ssyncset.done $0x0  }
0x4e: {  	s17 =	simm.s32 $0x300;
	s21 =	simm.s32 $0x2940;
	[sflag:s26] =	ssyncadd.s32 $0xFFFFE000  }
.LBB2_2:
0x4f: {  	[spmem:s2] =	stream.indirect.scatter.add.f32 [tilespmem:s18], [sflag:$0x6], $0x80, s21, s14, $0xb8;
	[tilespmem:$0x1EC00] =	vst v63  }
0x50: {  	s21 =	smov.u32 s17;
	s17 =	sadd.s32 $0x300, s17;
	_ =	swait.ge [sflag:s29], $0x2000  }
0x51: {  	s21 =	sshra.s32 s21, $0x2;
	p0 =	sne.s32 s17, $0x9900;
	[sflag:s29] =	ssyncset.done $0x0  }
0x52: {  	s23 =	sadd.s32 $0x140, s21;
	[sflag:s29] =	ssyncadd.s32 $0xFFFFE000  }
0x53: {  	[tilespmem:s18], [sflag:$0x3] =	stream.indirect.gather [hbm4b:s4+s14], $0x80, s23, s14, $0xb8;
	[tilespmem:$0x1EC00] =	vst v63  }
0x54: {  	_ =	swait.ge [sflag:s19], $0x2000  }
0x55: {  	[sflag:s19] =	ssyncset.done $0x0  }
0x56: {  	s23 =	sadd.s32 $0x28C0, s21;
	[sflag:s19] =	ssyncadd.s32 $0xFFFFE000  }
0x57: {  	[spmem:s2] =	stream.indirect.scatter.add.f32 [tilespmem:s15], [sflag:$0x4], $0x80, s23, s14, $0xb8;
	[tilespmem:$0x1EC00] =	vst v63  }
0x58: {  	_ =	swait.ge [sflag:s20], $0x2000  }
0x59: {  	[sflag:s20] =	ssyncset.done $0x0  }
0x5a: {  	s23 =	sadd.s32 $0x180, s21;
	[sflag:s20] =	ssyncadd.s32 $0xFFFFE000  }
0x5b: {  	[tilespmem:s15], [sflag:$0x1] =	stream.indirect.gather [hbm4b:s4+s14], $0x80, s23, s14, $0xb8;
	[tilespmem:$0x1EC00] =	vst v63  }
0x5c: {  	_ =	swait.ge [sflag:s22], $0x2000  }
0x5d: {  	[sflag:s22] =	ssyncset.done $0x0  }
0x5e: {  	s23 =	sadd.s32 $0x2900, s21;
	[sflag:s22] =	ssyncadd.s32 $0xFFFFE000  }
0x5f: {  	[spmem:s2] =	stream.indirect.scatter.add.f32 [tilespmem:s16], [sflag:$0x5], $0x80, s23, s14, $0xb8;
	[tilespmem:$0x1EC00] =	vst v63  }
0x60: {  	_ =	swait.ge [sflag:s24], $0x2000  }
0x61: {  	[sflag:s24] =	ssyncset.done $0x0  }
.Ltmp0:
0x62: {  	s23 =	sadd.s32 $0x1C0, s21;
	[sflag:s24] =	ssyncadd.s32 $0xFFFFE000;
	(pc) =	sbr.rel @p0 .LBB2_2-.Ltmp0, $4  }
0x63: {  	[tilespmem:s16], [sflag:$0x2] =	stream.indirect.gather [hbm4b:s4+s14], $0x80, s23, s14, $0xb8;
	[tilespmem:$0x1EC00] =	vst v63  }
0x64: {  	_ =	swait.ge [sflag:s26], $0x2000  }
0x65: {  	[sflag:s26] =	ssyncset.done $0x0  }
0x66: {  	s21 =	sadd.s32 $0x2940, s21;
	[sflag:s26] =	ssyncadd.s32 $0xFFFFE000  }
0x67: {  	[spmem:s2] =	stream.indirect.scatter.add.f32 [tilespmem:s18], [sflag:$0x6], $0x80, s21, s14, $0xb8;
	[tilespmem:$0x1EC00] =	vst v63  }
0x68: {  	_ =	swait.ge [sflag:s29], $0x2000  }
0x69: {  	[sflag:s29] =	ssyncset.done $0x0  }
0x6a: {  	[sflag:s29] =	ssyncadd.s32 $0xFFFFE000  }
0x6b: {  	[tilespmem:s18], [sflag:$0x3] =	stream.indirect.gather [hbm4b:s4+s14], $0x80, s30, s14, $0xb8;
	[tilespmem:$0x1EC00] =	vst v63  }
0x6c: {  	_ =	swait.ge [sflag:s19], $0x2000  }
0x6d: {  	s17 =	sshra.s32 s17, $0x2;
	[sflag:s19] =	ssyncset.done $0x0  }
0x6e: {  	s23 =	sadd.s32 $0x28C0, s17;
	[sflag:s19] =	ssyncadd.s32 $0xFFFFE000  }
0x6f: {  	[spmem:s2] =	stream.indirect.scatter.add.f32 [tilespmem:s15], [sflag:$0x4], $0x80, s23, s14, $0xb8;
	[tilespmem:$0x1EC00] =	vst v63  }
0x70: {  	_ =	swait.ge [sflag:s20], $0x2000  }
0x71: {  	[sflag:s20] =	ssyncset.done $0x0  }
0x72: {  	s23 =	sadd.s32 $0x180, s17;
	[sflag:s20] =	ssyncadd.s32 $0xFFFFE000  }
0x73: {  	[tilespmem:s15], [sflag:$0x1] =	stream.indirect.gather [hbm4b:s4+s14], $0x80, s23, s14, $0xb8;
	[tilespmem:$0x1EC00] =	vst v63  }
0x74: {  	_ =	swait.ge [sflag:s22], $0x2000  }
0x75: {  	[sflag:s22] =	ssyncset.done $0x0  }
0x76: {  	s17 =	sadd.s32 $0x2900, s17;
	[sflag:s22] =	ssyncadd.s32 $0xFFFFE000  }
0x77: {  	[spmem:s2] =	stream.indirect.scatter.add.f32 [tilespmem:s16], [sflag:$0x5], $0x80, s17, s14, $0xb8;
	[tilespmem:$0x1EC00] =	vst v63  }
0x78: {  	_ =	swait.ge [sflag:s24], $0x2000  }
0x79: {  	[sflag:s24] =	ssyncset.done $0x0  }
0x7a: {  	[sflag:s24] =	ssyncadd.s32 $0xFFFFE000  }
0x7b: {  	_ =	swait.ge [sflag:s26], $0x2000  }
0x7c: {  	[sflag:s26] =	ssyncset.done $0x0  }
0x7d: {  	[sflag:s26] =	ssyncadd.s32 $0xFFFFE000  }
0x7e: {  	[spmem:s2] =	stream.indirect.scatter.add.f32 [tilespmem:s18], [sflag:$0x6], $0x80, s31, s14, $0xb8;
	[tilespmem:$0x1EC00] =	vst v63  }
0x7f: {  	_ =	swait.ge [sflag:s19], $0x2000  }
0x80: {  	[sflag:s19] =	ssyncset.done $0x0  }
0x81: {  	[sflag:s19] =	ssyncadd.s32 $0xFFFFE000  }
0x82: {  	[spmem:s2] =	stream.indirect.scatter.add.f32 [tilespmem:s15], [sflag:$0x4], $0x80, s1, s14, $0xb8;
	[tilespmem:$0x1EC00] =	vst v63  }
0x83: {  	_ =	swait.ge [sflag:s29], $0x2000  }
0x84: {  	[sflag:s29] =	ssyncset.done $0x0  }
0x85: {  	[sflag:s29] =	ssyncadd.s32 $0xFFFFE000  }
0x86: {  	_ =	swait.ge [sflag:s20], $0x2000  }
0x87: {  	s0 =	sadd.s32 $0x1, s0;
	[sflag:s20] =	ssyncset.done $0x0  }
0x88: {  	p0 =	sne.s32 s0, s9;
	[sflag:s20] =	ssyncadd.s32 $0xFFFFE000  }
.Ltmp1:
0x89: {  	[bflag:$0x0] =	sbarrier.arrive $0xFFFF;
	(pc) =	sbr.rel @p0 .LBB2_1-.Ltmp1, $4  }
0x8a: {  	[hbm:s8], [sflag:s12] =	dma.local [spmem:s13], $0x2780  }
0x8b: {  	_ =	swait.ge [sflag:s10], $0x2780  }
0x8c: {  	[sflag:s10] =	ssyncset.done $0x0  }
0x8d: {  	[sflag:s10] =	ssyncadd.s32 $0xFFFFD880  }
0x8e: {  	_ =	sfence.sel $0x180000  }
0x8f: {  	[bflag:$0x0] =	sbarrier.arrive $0xFFFF  }
0x90: {  	_ =	strace $0x9000004A  }
0x91: {  	s0 =	stileid.u32;
	[bflag:$0x2] =	sbarrier.arrive $0xFFFF  }
0x92: {  	p0 =	sne.s32 s0, $0x0;
	s0 =	rddreg [dreg:$0x2]  }
0x93: {  	s0 =	sadd.s32 @!p0 $0x100000, s0  }
0x94: {  	[sflag:s0] =	ssyncadd.tile.s32 @!p0 $0x1;
	_ =	shalt  }
.Lfunc_end2:
_tile_overlayer_lowered:
.L_overlay_start_2:
0x95: {  	(tag) =	ssettag $0x2  }
0x96: {  	s0 =	rddreg [dreg:$0x0];
	s2 =	stileid.u32  }
0x97: {  	s1 =	rddreg [dreg:$0x1];
	p0 =	sne.s32 s2, $0x0  }
0x98: {  	s3 =	rddreg [dreg:$0x2];
	[bflag:$0x3] =	sbarrier.arrive $0xFFFF;
	s2 =	simm.s32 @!p0 $0x1C07  }
0x99: {  	[timem:s3], [sflag:s2] =	dma.local @!p0 [hbm:s0], s1  }
0x9a: {  	s0 =	simm.s32 @!p0 $0x7  }
0x9b: {  	_ =	swait.ge @!p0 [sflag:s0], s1  }
0x9c: {  	s1 =	ssub.s32 @!p0 $0x0, s1;
	[sflag:s0] =	ssyncset.done @!p0 $0x0  }
0x9d: {  	[sflag:s0] =	ssyncadd.s32 @!p0 s1  }
0x9e: {  	[bflag:$0x3] =	sbarrier.arrive $0xFFFF  }
0x9f: {  	_ =	shalt  }

// kernel: kernel.14.cloned.1.call-start
scs
__scs_entry_jumppad:
0x0: {  	(pc) =	sbr.rel $0x88, $3  }
0x1: {  	(tag) =	ssettag $0x0;
	lr =	simm.s32 $0x1  }
0x2: {  	[smem:$0x3F97] =	sst lr;
	_ =	strace $0xD0000000  }
0x3: {  	_ = 	snop  }
0x4: {  	_ = 	snop  }
0x5: {  	_ = 	snop  }
0x6: {  	_ = 	snop  }
0x7: {  	_ = 	snop  }
__scs_overlays_trampoline_lowered:
0x8: {  	[smem:$0x3FA6] =	sst s0  }
0x9: {  	[smem:$0x3FA7] =	sst s1  }
0xa: {  	[smem:$0x3FA8] =	sst s2  }
0xb: {  	[smem:$0x3FA9] =	sst s3  }
0xc: {  	[smem:$0x3FAA] =	sst s4  }
0xd: {  	[smem:$0x3FAB] =	sst s5  }
0xe: {  	[smem:$0x3FAC] =	sst s6  }
0xf: {  	[smem:$0x3FAD] =	sst s7  }
0x10: {  	[smem:$0x3FAE] =	sst s8  }
0x11: {  	[smem:$0x3FAF] =	sst s9;
	s0 =	simm.s32 @!p0 $0x0  }
0x12: {  	s1 =	sld [smem:$0x3F95];
	s0 =	simm.s32 @p0 $0x1  }
0x13: {  	[smem:$0x3FB0] =	sst s0;
	s0 =	simm.s32 @!p1 $0x0  }
0x14: {  	s2 =	sld [smem:$0x3F94];
	s0 =	simm.s32 @p1 $0x1  }
0x15: {  	[smem:$0x3FB1] =	sst s0;
	s0 =	simm.s32 @!p2 $0x0  }
0x16: {  	s3 =	sld [smem:$0x3FDB];
	s0 =	simm.s32 @p2 $0x1  }
0x17: {  	s4 =	simm.s32 $0x1BF5;
	[smem:$0x3FB3] =	sst s0  }
0x18: {  	s0 =	sld [smem:$0x3F96];
	_ =	swait.ge [sflag:s4], $0x0  }
0x19: {  	s7 =	sld [smem:$0x3F97]  }
0x1a: {  	s8 =	sadd.s32 $0xFFFFE003, lr  }
0x1b: {  	s9 =	sadd.s32 $0xFFFFFEF7, lr;
	s5 =	simm.s32 $0xFFFFFFFF;
	p2 =	slt.u32 s8, $0xFFFFF086  }
0x1c: {  	p1 =	slt.u32 s9, $0xF7A;
	s5 =	simm.s32 @!p2 $0x0  }
0x1d: {  	s5 =	simm.s32 @p1 $0x1;
	p0 =	seq.s32 s7, s2  }
0x1e: {  	s7 =	smul.u32 @!p0 $0xF7A, s2;
	p2 =	seq.s32 @!p0 s5, $0x0  }
0x1f: {  	s9 =	smul.u32 $0xF7A, s1;
	s8 =	simm.s32 @!p0 $0x1BF5;
	p2 =	por !p2, p0  }
0x20: {  	[sflag:s8] =	ssyncset.s32 @!p0 $0xFFFFF086;
	s6 =	sadd.s32 @!p0 s3, s7;
	s7 =	simm.s32 @!p0 $0x108  }
0x21: {  	s3 =	sadd.s32 s3, s9;
	s6 =	sadd.s32 @!p0 $0x88, s6;
	s7 =	simm.s32 @p2 $0x1082  }
0x22: {  	[simem:s7], [sflag:s8] =	dma.local @!p0 [hbm:s6], $0xF7A  }
0x23: {  	s9 =	sor.u32 $0xD0000000, s2;
	s6 =	simm.s32 $0x108;
	_ =	swait.ge @!p0 [sflag:s8], $0x0  }
0x24: {  	s3 =	sadd.s32 $0x88, s3;
	s6 =	simm.s32 @!p1 $0x1082;
	[sflag:s4] =	ssyncset.s32 $0xFFFFF086  }
0x25: {  	[simem:s6], [sflag:s4] =	dma.local [hbm:s3], $0xF7A  }
0x26: {  	[smem:$0x3F97] =	sst s1;
	(tag) =	ssettag s2;
	_ =	strace s9  }
0x27: {  	s1 =	sld [smem:$0x3FA7]  }
0x28: {  	s2 =	sld [smem:$0x3FA8]  }
0x29: {  	s4 =	sld [smem:$0x3FAA]  }
0x2a: {  	p0 =	seq.s32 s5, $0x0;
	s5 =	sld [smem:$0x3FAB]  }
0x2b: {  	s6 =	sld [smem:$0x3FAC]  }
0x2c: {  	s7 =	sld [smem:$0x3FAD]  }
0x2d: {  	s3 =	simm.s32 $0x108;
	s8 =	sld [smem:$0x3FAE]  }
0x2e: {  	s3 =	simm.s32 @!p0 $0x1082;
	s9 =	sld [smem:$0x3FAF]  }
0x2f: {  	lr =	sadd.s32 s0, s3;
	s0 =	sld [smem:$0x3FA6]  }
0x30: {  	s3 =	sld [smem:$0x3FA9]  }
0x31: {  	[smem:$0x3FB2] =	sst s10  }
0x32: {  	s10 =	sld [smem:$0x3FB0];
	_ =	sdelay $0x3  }
0x33: {  	p0 =	seq.s32 s10, $0x1;
	s10 =	sld [smem:$0x3FB2];
	_ =	sdelay $0x3  }
0x34: {  	[smem:$0x3FB2] =	sst s10  }
0x35: {  	s10 =	sld [smem:$0x3FB1];
	_ =	sdelay $0x3  }
0x36: {  	p1 =	seq.s32 s10, $0x1;
	s10 =	sld [smem:$0x3FB2];
	_ =	sdelay $0x3  }
0x37: {  	[smem:$0x3FB2] =	sst s10  }
0x38: {  	s10 =	sld [smem:$0x3FB3]  }
0x39: {  	_ = 	snop;
	(pc) =	sbr.ind lr, $3  }
0x3a: {  	_ = 	snop  }
0x3b: {  	_ = 	snop  }
0x3c: {  	p2 =	seq.s32 s10, $0x1;
	s10 =	sld [smem:$0x3FB2]  }
0x3d: {  	_ =	shalt  }
0x3e: {  	_ =	shalt  }
0x3f: {  	_ =	shalt  }
0x40: {  	_ =	shalt  }
0x41: {  	_ =	shalt  }
0x42: {  	_ =	shalt  }
0x43: {  	_ =	shalt  }
0x44: {  	_ =	shalt  }
0x45: {  	_ =	shalt  }
0x46: {  	_ =	shalt  }
0x47: {  	_ =	shalt  }
0x48: {  	_ =	shalt  }
0x49: {  	_ =	shalt  }
0x4a: {  	_ =	shalt  }
0x4b: {  	_ =	shalt  }
0x4c: {  	_ =	shalt  }
0x4d: {  	_ =	shalt  }
0x4e: {  	_ =	shalt  }
0x4f: {  	_ =	shalt  }
0x50: {  	_ =	shalt  }
0x51: {  	_ =	shalt  }
0x52: {  	_ =	shalt  }
0x53: {  	_ =	shalt  }
0x54: {  	_ =	shalt  }
0x55: {  	_ =	shalt  }
0x56: {  	_ =	shalt  }
0x57: {  	_ =	shalt  }
0x58: {  	_ =	shalt  }
0x59: {  	_ =	shalt  }
0x5a: {  	_ =	shalt  }
0x5b: {  	_ =	shalt  }
0x5c: {  	_ =	shalt  }
0x5d: {  	_ =	shalt  }
0x5e: {  	_ =	shalt  }
0x5f: {  	_ =	shalt  }
0x60: {  	_ =	shalt  }
0x61: {  	_ =	shalt  }
0x62: {  	_ =	shalt  }
0x63: {  	_ =	shalt  }
0x64: {  	_ =	shalt  }
0x65: {  	_ =	shalt  }
0x66: {  	_ =	shalt  }
0x67: {  	_ =	shalt  }
0x68: {  	_ =	shalt  }
0x69: {  	_ =	shalt  }
0x6a: {  	_ =	shalt  }
0x6b: {  	_ =	shalt  }
0x6c: {  	_ =	shalt  }
0x6d: {  	_ =	shalt  }
0x6e: {  	_ =	shalt  }
0x6f: {  	_ =	shalt  }
0x70: {  	_ =	shalt  }
0x71: {  	_ =	shalt  }
0x72: {  	_ =	shalt  }
0x73: {  	_ =	shalt  }
0x74: {  	_ =	shalt  }
0x75: {  	_ =	shalt  }
0x76: {  	_ =	shalt  }
0x77: {  	_ =	shalt  }
0x78: {  	_ =	shalt  }
0x79: {  	_ =	shalt  }
0x7a: {  	_ =	shalt  }
0x7b: {  	_ =	shalt  }
0x7c: {  	_ =	shalt  }
0x7d: {  	_ =	shalt  }
0x7e: {  	_ =	shalt  }
0x7f: {  	_ =	shalt  }
0x80: {  	_ =	shalt  }
0x81: {  	_ =	shalt  }
0x82: {  	_ =	shalt  }
0x83: {  	_ =	shalt  }
0x84: {  	_ =	shalt  }
0x85: {  	_ =	shalt  }
0x86: {  	_ =	shalt  }
0x87: {  	_ =	shalt  }
.Lfunc_end0:
.L_simem_size_0:
called_computation.2_lowered:
.L_overlay_start_0:
0x88: {  	s2 =	sld [smem:$0x3FD9]  }
0x89: {  	s3 =	sld [smem:$0x3FFE];
	_ =	sdelay $0x1  }
0x8a: {  	s1 =	srdreg.scid  }
0x8b: {  	s0 =	sand.u32 $0x1, s1  }
0x8c: {  	s17 =	sshll.u32 s0, $0xA;
	s2 =	sadd.s32 s3, s2  }
0x8d: {  	s2 =	sadd.s32 s2, s17  }
0x8e: {  	[smem:$0x3FBE] =	sst s2  }
0x8f: {  	_ = 	snop  }
0x90: {  	s2 =	sld [smem:$0x3FD0];
	(tm) =	ssettm $0x1  }
0x91: {  	s18 =	sld [smem:$0x3FFB];
	_ =	sdelay $0x3  }
0x92: {  	_ =	strace s18  }
0x93: {  	s3 =	sld [smem:$0x3FFC];
	_ =	sdelay $0x3  }
0x94: {  	_ =	strace s3  }
0x95: {  	s3 =	sld [smem:$0x3FFD];
	_ =	sdelay $0x3  }
0x96: {  	_ =	strace s3  }
0x97: {  	_ =	strace $0x8FFFFFFF  }
0x98: {  	s19 =	sld [smem:$0x3FDB];
	_ =	sdelay $0x1  }
0x99: {  	s4 =	simm.s32 $_scs_section_size  }
0x9a: {  	s5 =	simm.s32 $_size__tile_overlayer_lowered;
	s6 =	simm.s32 $_tile_overlayer_lowered  }
0x9b: {  	s22 =	simm.s32 $0x1BFF;
	s21 =	sshll.u32 s6, $0x1;
	s3 =	sadd.s32 s4, s19  }
0x9c: {  	s7 =	simm.s32 $0x0;
	s20 =	sshll.u32 s5, $0x1;
	s5 =	sadd.s32 s21, s3  }
0x9d: {  	[timem:s7], [sflag:s22] =	dma.local [hbm:s5], s20  }
0x9e: {  	_ =	swait.ge [sflag:s22], s20  }
0x9f: {  	s4 =	ssub.s32 $0x0, s20;
	[sflag:s22] =	ssyncset.done $0x0  }
0xa0: {  	[sflag:s22] =	ssyncadd.s32 s4;
	_ =	sdelay $0x1  }
0xa1: {  	s23 =	simm.s32 $0x1B8B  }
0xa2: {  	_ =	swait.ge [sflag:s23], $0x1  }
0xa3: {  	[sflag:s23] =	ssyncset.done $0x0  }
0xa4: {  	s25 =	simm.s32 $0x1B8E;
	s24 =	sld [smem:$0x3FFE];
	[sflag:s23] =	ssyncadd.s32 $0xFFFFFFFF  }
0xa5: {  	s26 =	simm.s32 $execute0_lowered;
	[smem:$0x3FD2] =	sst s25  }
0xa6: {  	s5 =	sshll.u32 s26, $0x1;
	_ =	strace $0x8000004C;
	[dreg:$0x1] =	wrdreg $0xFFFFFFFF  }
0xa7: {  	s28 =	simm.s32 $_size_execute0_lowered;
	s3 =	sadd.s32 s3, s5;
	[dreg:$0x0] =	wrdreg $0x0  }
0xa8: {  	s5 =	sshll.u32 s28, $0x1;
	[dreg:$0x2] =	wrdreg s3  }
0xa9: {  	[dreg:$0x3] =	wrdreg s5  }
0xaa: {  	[dreg:$0x4] =	wrdreg $0xC0  }
0xab: {  	_ =	task [dreg:s7], $0x5FFFF  }
0xac: {  	[dreg:$0x1] =	wrdreg $0xFFFFFFFF  }
0xad: {  	[dreg:$0x0] =	wrdreg $0x60  }
0xae: {  	[dreg:$0x2] =	wrdreg s24  }
0xaf: {  	[dreg:$0x3] =	wrdreg s2  }
0xb0: {  	[dreg:$0x4] =	wrdreg $0x90000  }
0xb1: {  	[dreg:$0x5] =	wrdreg $0x9  }
0xb2: {  	_ =	task.clear_ibuf [dreg:s7], $0x6FFFF;
	_ =	strace $0x9000004C  }
0xb3: {  	s29 =	simm.s32 $0x9;
	_ =	strace $0x8000004E  }
0xb4: {  	_ =	swait.ge [sflag:s29], $0x1  }
0xb5: {  	[sflag:s29] =	ssyncadd.s32 $0xFFFFFFFF  }
0xb6: {  	_ =	strace $0x9000004E  }
0xb7: {  	_ =	sfence  }
0xb8: {  	s30 =	sld [smem:$0x0];
	_ =	sdelay $0x2  }
0xb9: {  	s31 =	sshll.u32 s1, $0xD;
	s1 =	sshrl.u32 s1, $0x2  }
0xba: {  	s3 =	sand.u32 $0x4000, s31;
	s1 =	sadd.s32 s1, s30  }
0xbb: {  	s0 =	sor.u32 s3, s0;
	s1 =	sshll.u32 s1, $0x11  }
0xbc: {  	s0 =	sor.u32 s1, s0  }
0xbd: {  	s0 =	sadd.s32 $0x8F2B, s0  }
0xbe: {  	[sflag:s0] =	ssyncadd.remote.s32 $0x1  }
0xbf: {  	_ =	sfence.sel $0xFFFF  }
0xc0: {  	[dreg:$0x0] =	wrdreg $0xFFFFFFFF;
	(pc) =	sbr.abs _section_cstart, $3  }
0xc1: {  	[dreg:$0x1] =	wrdreg $0xFFFFFFFF  }
0xc2: {  	_ =	task.clear_ibuf [dreg:s7], $0x2FFFF;
	_ =	strace $0x9FFFFFFF  }
0xc3: {  	(tm) =	ssettm $0x7FFFFFFF  }
tec
execute0_lowered:
.L_overlay_start_1:
0x0: {  	(tag) =	ssettag $0x1  }
0x1: {  	s0 =	rddreg [dreg:$0x0]  }
0x2: {  	s1 =	rddreg [dreg:$0x1]  }
0x3: {  	s2 =	rddreg [dreg:$0x2]  }
0x4: {  	s3 =	srdreg.scid;
	s11 =	stileid.u32  }
0x5: {  	s14 =	simm.s32 $0x40;
	s15 =	simm.s32 $0x5000;
	s16 =	simm.s32 $0x6000  }
0x6: {  	s18 =	simm.s32 $0x7000;
	s20 =	simm.s32 $0x8000;
	s21 =	simm.s32 $0x1  }
0x7: {  	s22 =	simm.s32 $0x5;
	s29 =	simm.s32 $0x3;
	s31 =	simm.s32 $0x7  }
0x8: {  	s19 =	simm.s32 $0x8;
	s30 =	simm.s32 $0x4F80;
	s17 =	simm.s32 $0x0  }
0x9: {  	s4 =	sand.u32 $0x1, s3;
	s5 =	sshll.u32 s11, $0x1;
	s7 =	smul.u32 $0x9E00, s11  }
0xa: {  	s3 =	simm.s32 $0x0;
	s28 =	sshll.u32 s11, $0x6;
	s11 =	simm.s32 $0x2800  }
0xb: {  	s5 =	sor.u32 s4, s5;
	s6 =	smul.u32 $0x9E000, s4;
	[smem:$0x7FF] =	sst s3  }
0xc: {  	s8 =	ssub.s32 $0x2, s4;
	s4 =	sadd.s32 $0x65E00, s0;
	s12 =	sor.u32 $0x1C09, s28  }
0xd: {  	s5 =	smul.u32 $0x500, s5;
	_ =	strace $0x8000004D;
	s25 =	sshrl.u32 s8, $0x1  }
0xe: {  	s26 =	sshrl.u32 s7, $0x3;
	s13 =	sadd.s32 s7, s2;
	s6 =	sadd.s32 s7, s6  }
0xf: {  	s10 =	ssub.s32 s8, s25;
	s7 =	sadd.s32 s1, s26;
	s13 =	sshrl.u32 s13, $0x3  }
0x10: {  	s26 =	simm.s32 $0x6;
	s9 =	sadd.s32 s5, s0;
	s24 =	sshrl.u32 s6, $0x3  }
0x11: {  	s1 =	simm.s32 $0x4;
	s0 =	sadd.s32 s24, s0;
	s5 =	sadd.s32 $0xCE00, s9  }
0x12: {  	s6 =	sadd.s32 $0x2E00, s9;
	s9 =	smax.u32 s10, $0x1;
	s10 =	simm.s32 $0x9  }
0x13: {  	s24 =	simm.s32 $0x2;
	s8 =	sadd.s32 $0x79800, s0;
	s0 =	simm.s32 $0x4FC0  }
.LBB2_1:
0x14: {  	[tilespmem:s3], [sflag:$0x9] =	stream.linear.gather [hbm4b:s5+s3], $0x2800, $0x38;
	[tilespmem:$0x12E00] =	vst v63  }
0x15: {  	_ =	swait.ge [sflag:s10], $0x2800  }
0x16: {  	[sflag:s10] =	ssyncset.done $0x0  }
0x17: {  	[sflag:s10] =	ssyncadd.s32 $0xFFFFD800  }
0x18: {  	[tilespmem:s11], [sflag:$0x9] =	stream.linear.gather [hbm4b:s6+s3], $0x2800, $0x38;
	[tilespmem:$0x12E00] =	vst v63  }
0x19: {  	_ =	swait.ge [sflag:s10], $0x2800  }
0x1a: {  	[sflag:s10] =	ssyncset.done $0x0  }
0x1b: {  	[sflag:s10] =	ssyncadd.s32 $0xFFFFD800  }
0x1c: {  	[spmem:s13], [sflag:s12] =	dma.local [hbm:s7], $0x13C0  }
0x1d: {  	_ =	swait.ge [sflag:s10], $0x13C0  }
0x1e: {  	[sflag:s10] =	ssyncset.done $0x0  }
0x1f: {  	[sflag:s10] =	ssyncadd.s32 $0xFFFFEC40  }
0x20: {  	[bflag:$0x0] =	sbarrier.arrive $0xFFFF  }
0x21: {  	[tilespmem:s15], [sflag:$0x1] =	stream.indirect.gather [hbm4b:s4+s14], $0x40, s3, s14, $0xb8;
	[tilespmem:$0x12E00] =	vst v63  }
0x22: {  	_ = 	snop  }
0x23: {  	[tilespmem:s16], [sflag:$0x2] =	stream.indirect.gather [hbm4b:s4+s14], $0x40, s14, s14, $0xb8;
	[tilespmem:$0x12E00] =	vst v63  }
0x24: {  	s23 =	simm.s32 $0x80  }
0x25: {  	[tilespmem:s18], [sflag:$0x3] =	stream.indirect.gather [hbm4b:s4+s14], $0x40, s23, s14, $0xb8;
	[tilespmem:$0x12E00] =	vst v63  }
0x26: {  	s25 =	simm.s32 $0xC0  }
0x27: {  	[tilespmem:s20], [sflag:$0x4] =	stream.indirect.gather [hbm4b:s4+s14], $0x40, s25, s14, $0xb8;
	[tilespmem:$0x12E00] =	vst v63  }
0x28: {  	_ =	swait.ge [sflag:s21], $0x1000  }
0x29: {  	[sflag:s21] =	ssyncset.done $0x0  }
0x2a: {  	[sflag:s21] =	ssyncadd.s32 $0xFFFFF000  }
0x2b: {  	[spmem:s2] =	stream.indirect.scatter.add.f32 [tilespmem:s15], [sflag:$0x5], $0x40, s11, s14, $0xb8;
	[tilespmem:$0x12E00] =	vst v63  }
0x2c: {  	_ =	swait.ge [sflag:s22], $0x1000  }
0x2d: {  	[sflag:s22] =	ssyncset.done $0x0  }
0x2e: {  	s28 =	simm.s32 $0x100;
	[sflag:s22] =	ssyncadd.s32 $0xFFFFF000  }
0x2f: {  	[tilespmem:s15], [sflag:$0x1] =	stream.indirect.gather [hbm4b:s4+s14], $0x40, s28, s14, $0xb8;
	[tilespmem:$0x12E00] =	vst v63  }
0x30: {  	_ =	swait.ge [sflag:s24], $0x1000  }
0x31: {  	[sflag:s24] =	ssyncset.done $0x0  }
0x32: {  	s25 =	simm.s32 $0x2840;
	[sflag:s24] =	ssyncadd.s32 $0xFFFFF000  }
0x33: {  	[spmem:s2] =	stream.indirect.scatter.add.f32 [tilespmem:s16], [sflag:$0x6], $0x40, s25, s14, $0xb8;
	[tilespmem:$0x12E00] =	vst v63  }
0x34: {  	_ =	swait.ge [sflag:s26], $0x1000  }
0x35: {  	[sflag:s26] =	ssyncset.done $0x0  }
0x36: {  	s28 =	simm.s32 $0x140;
	[sflag:s26] =	ssyncadd.s32 $0xFFFFF000  }
0x37: {  	[tilespmem:s16], [sflag:$0x2] =	stream.indirect.gather [hbm4b:s4+s14], $0x40, s28, s14, $0xb8;
	[tilespmem:$0x12E00] =	vst v63  }
0x38: {  	_ =	swait.ge [sflag:s29], $0x1000  }
0x39: {  	[sflag:s29] =	ssyncset.done $0x0  }
0x3a: {  	s25 =	simm.s32 $0x2880;
	[sflag:s29] =	ssyncadd.s32 $0xFFFFF000  }
0x3b: {  	[spmem:s2] =	stream.indirect.scatter.add.f32 [tilespmem:s18], [sflag:$0x7], $0x40, s25, s14, $0xb8;
	[tilespmem:$0x12E00] =	vst v63  }
0x3c: {  	_ =	swait.ge [sflag:s31], $0x1000  }
0x3d: {  	[sflag:s31] =	ssyncset.done $0x0  }
0x3e: {  	s28 =	simm.s32 $0x180;
	[sflag:s31] =	ssyncadd.s32 $0xFFFFF000  }
0x3f: {  	[tilespmem:s18], [sflag:$0x3] =	stream.indirect.gather [hbm4b:s4+s14], $0x40, s28, s14, $0xb8;
	[tilespmem:$0x12E00] =	vst v63  }
0x40: {  	_ =	swait.ge [sflag:s1], $0x1000  }
0x41: {  	[sflag:s1] =	ssyncset.done $0x0  }
0x42: {  	s25 =	simm.s32 $0x28C0;
	[sflag:s1] =	ssyncadd.s32 $0xFFFFF000  }
0x43: {  	[spmem:s2] =	stream.indirect.scatter.add.f32 [tilespmem:s20], [sflag:$0x8], $0x40, s25, s14, $0xb8;
	[tilespmem:$0x12E00] =	vst v63  }
0x44: {  	_ =	swait.ge [sflag:s19], $0x1000  }
0x45: {  	[sflag:s19] =	ssyncset.done $0x0  }
0x46: {  	s28 =	simm.s32 $0x1C0;
	[sflag:s19] =	ssyncadd.s32 $0xFFFFF000  }
0x47: {  	[tilespmem:s20], [sflag:$0x4] =	stream.indirect.gather [hbm4b:s4+s14], $0x40, s28, s14, $0xb8;
	[tilespmem:$0x12E00] =	vst v63  }
0x48: {  	_ =	swait.ge [sflag:s21], $0x1000  }
0x49: {  	[sflag:s21] =	ssyncset.done $0x0  }
0x4a: {  	s25 =	simm.s32 $0x2900;
	[sflag:s21] =	ssyncadd.s32 $0xFFFFF000  }
0x4b: {  	[spmem:s2] =	stream.indirect.scatter.add.f32 [tilespmem:s15], [sflag:$0x5], $0x40, s25, s14, $0xb8;
	[tilespmem:$0x12E00] =	vst v63  }
0x4c: {  	_ =	swait.ge [sflag:s22], $0x1000  }
0x4d: {  	[sflag:s22] =	ssyncset.done $0x0  }
0x4e: {  	s28 =	simm.s32 $0x200;
	[sflag:s22] =	ssyncadd.s32 $0xFFFFF000  }
0x4f: {  	[tilespmem:s15], [sflag:$0x1] =	stream.indirect.gather [hbm4b:s4+s14], $0x40, s28, s14, $0xb8;
	[tilespmem:$0x12E00] =	vst v63  }
0x50: {  	_ =	swait.ge [sflag:s24], $0x1000  }
0x51: {  	[sflag:s24] =	ssyncset.done $0x0  }
0x52: {  	s25 =	simm.s32 $0x2940;
	[sflag:s24] =	ssyncadd.s32 $0xFFFFF000  }
0x53: {  	[spmem:s2] =	stream.indirect.scatter.add.f32 [tilespmem:s16], [sflag:$0x6], $0x40, s25, s14, $0xb8;
	[tilespmem:$0x12E00] =	vst v63  }
0x54: {  	_ =	swait.ge [sflag:s26], $0x1000  }
0x55: {  	[sflag:s26] =	ssyncset.done $0x0  }
0x56: {  	s28 =	simm.s32 $0x240;
	[sflag:s26] =	ssyncadd.s32 $0xFFFFF000  }
0x57: {  	[tilespmem:s16], [sflag:$0x2] =	stream.indirect.gather [hbm4b:s4+s14], $0x40, s28, s14, $0xb8;
	[tilespmem:$0x12E00] =	vst v63  }
0x58: {  	_ =	swait.ge [sflag:s29], $0x1000  }
0x59: {  	[sflag:s29] =	ssyncset.done $0x0  }
0x5a: {  	s25 =	simm.s32 $0x2980;
	[sflag:s29] =	ssyncadd.s32 $0xFFFFF000  }
0x5b: {  	[spmem:s2] =	stream.indirect.scatter.add.f32 [tilespmem:s18], [sflag:$0x7], $0x40, s25, s14, $0xb8;
	[tilespmem:$0x12E00] =	vst v63  }
0x5c: {  	_ =	swait.ge [sflag:s31], $0x1000  }
0x5d: {  	[sflag:s31] =	ssyncset.done $0x0  }
0x5e: {  	s28 =	simm.s32 $0x280;
	[sflag:s31] =	ssyncadd.s32 $0xFFFFF000  }
0x5f: {  	[tilespmem:s18], [sflag:$0x3] =	stream.indirect.gather [hbm4b:s4+s14], $0x40, s28, s14, $0xb8;
	[tilespmem:$0x12E00] =	vst v63  }
0x60: {  	_ =	swait.ge [sflag:s1], $0x1000  }
0x61: {  	[sflag:s1] =	ssyncset.done $0x0  }
0x62: {  	s23 =	simm.s32 $0x400;
	s25 =	simm.s32 $0x29C0;
	[sflag:s1] =	ssyncadd.s32 $0xFFFFF000  }
.LBB2_2:
0x63: {  	[spmem:s2] =	stream.indirect.scatter.add.f32 [tilespmem:s20], [sflag:$0x8], $0x40, s25, s14, $0xb8;
	[tilespmem:$0x12E00] =	vst v63  }
0x64: {  	s25 =	smov.u32 s23  }
0x65: {  	p0 =	sne.s32 s23, $0x9400;
	s23 =	sadd.s32 $0x400, s23;
	_ =	swait.ge [sflag:s19], $0x1000  }
0x66: {  	s25 =	sshra.s32 s25, $0x2;
	[sflag:s19] =	ssyncset.done $0x0  }
0x67: {  	s28 =	sadd.s32 $0x1C0, s25;
	[sflag:s19] =	ssyncadd.s32 $0xFFFFF000  }
0x68: {  	[tilespmem:s20], [sflag:$0x4] =	stream.indirect.gather [hbm4b:s4+s14], $0x40, s28, s14, $0xb8;
	[tilespmem:$0x12E00] =	vst v63  }
0x69: {  	_ =	swait.ge [sflag:s21], $0x1000  }
0x6a: {  	[sflag:s21] =	ssyncset.done $0x0  }
0x6b: {  	s28 =	sadd.s32 $0x2900, s25;
	[sflag:s21] =	ssyncadd.s32 $0xFFFFF000  }
0x6c: {  	[spmem:s2] =	stream.indirect.scatter.add.f32 [tilespmem:s15], [sflag:$0x5], $0x40, s28, s14, $0xb8;
	[tilespmem:$0x12E00] =	vst v63  }
0x6d: {  	_ =	swait.ge [sflag:s22], $0x1000  }
0x6e: {  	[sflag:s22] =	ssyncset.done $0x0  }
0x6f: {  	s28 =	sadd.s32 $0x200, s25;
	[sflag:s22] =	ssyncadd.s32 $0xFFFFF000  }
0x70: {  	[tilespmem:s15], [sflag:$0x1] =	stream.indirect.gather [hbm4b:s4+s14], $0x40, s28, s14, $0xb8;
	[tilespmem:$0x12E00] =	vst v63  }
0x71: {  	_ =	swait.ge [sflag:s24], $0x1000  }
0x72: {  	[sflag:s24] =	ssyncset.done $0x0  }
0x73: {  	s28 =	sadd.s32 $0x2940, s25;
	[sflag:s24] =	ssyncadd.s32 $0xFFFFF000  }
0x74: {  	[spmem:s2] =	stream.indirect.scatter.add.f32 [tilespmem:s16], [sflag:$0x6], $0x40, s28, s14, $0xb8;
	[tilespmem:$0x12E00] =	vst v63  }
0x75: {  	_ =	swait.ge [sflag:s26], $0x1000  }
0x76: {  	[sflag:s26] =	ssyncset.done $0x0  }
0x77: {  	s28 =	sadd.s32 $0x240, s25;
	[sflag:s26] =	ssyncadd.s32 $0xFFFFF000  }
0x78: {  	[tilespmem:s16], [sflag:$0x2] =	stream.indirect.gather [hbm4b:s4+s14], $0x40, s28, s14, $0xb8;
	[tilespmem:$0x12E00] =	vst v63  }
0x79: {  	_ =	swait.ge [sflag:s29], $0x1000  }
0x7a: {  	[sflag:s29] =	ssyncset.done $0x0  }
0x7b: {  	s28 =	sadd.s32 $0x2980, s25;
	[sflag:s29] =	ssyncadd.s32 $0xFFFFF000  }
0x7c: {  	[spmem:s2] =	stream.indirect.scatter.add.f32 [tilespmem:s18], [sflag:$0x7], $0x40, s28, s14, $0xb8;
	[tilespmem:$0x12E00] =	vst v63  }
0x7d: {  	_ =	swait.ge [sflag:s31], $0x1000  }
0x7e: {  	[sflag:s31] =	ssyncset.done $0x0  }
.Ltmp0:
0x7f: {  	s28 =	sadd.s32 $0x280, s25;
	[sflag:s31] =	ssyncadd.s32 $0xFFFFF000;
	(pc) =	sbr.rel @p0 .LBB2_2-.Ltmp0, $4  }
0x80: {  	[tilespmem:s18], [sflag:$0x3] =	stream.indirect.gather [hbm4b:s4+s14], $0x40, s28, s14, $0xb8;
	[tilespmem:$0x12E00] =	vst v63  }
0x81: {  	_ =	swait.ge [sflag:s1], $0x1000  }
0x82: {  	[sflag:s1] =	ssyncset.done $0x0  }
0x83: {  	s25 =	sadd.s32 $0x29C0, s25;
	[sflag:s1] =	ssyncadd.s32 $0xFFFFF000  }
0x84: {  	[spmem:s2] =	stream.indirect.scatter.add.f32 [tilespmem:s20], [sflag:$0x8], $0x40, s25, s14, $0xb8;
	[tilespmem:$0x12E00] =	vst v63  }
0x85: {  	_ =	swait.ge [sflag:s19], $0x1000  }
0x86: {  	[sflag:s19] =	ssyncset.done $0x0  }
0x87: {  	s23 =	simm.s32 $0x27C0;
	[sflag:s19] =	ssyncadd.s32 $0xFFFFF000  }
0x88: {  	[tilespmem:s20], [sflag:$0x4] =	stream.indirect.gather [hbm4b:s4+s14], $0x40, s23, s14, $0xb8;
	[tilespmem:$0x12E00] =	vst v63  }
0x89: {  	_ =	swait.ge [sflag:s21], $0x1000  }
0x8a: {  	[sflag:s21] =	ssyncset.done $0x0  }
0x8b: {  	s25 =	simm.s32 $0x4F00;
	[sflag:s21] =	ssyncadd.s32 $0xFFFFF000  }
0x8c: {  	[spmem:s2] =	stream.indirect.scatter.add.f32 [tilespmem:s15], [sflag:$0x5], $0x40, s25, s14, $0xb8;
	[tilespmem:$0x12E00] =	vst v63  }
0x8d: {  	_ =	swait.ge [sflag:s22], $0x1000  }
0x8e: {  	[sflag:s22] =	ssyncset.done $0x0  }
0x8f: {  	[sflag:s22] =	ssyncadd.s32 $0xFFFFF000  }
0x90: {  	_ =	swait.ge [sflag:s24], $0x1000  }
0x91: {  	[sflag:s24] =	ssyncset.done $0x0  }
0x92: {  	s28 =	simm.s32 $0x4F40;
	[sflag:s24] =	ssyncadd.s32 $0xFFFFF000  }
0x93: {  	[spmem:s2] =	stream.indirect.scatter.add.f32 [tilespmem:s16], [sflag:$0x6], $0x40, s28, s14, $0xb8;
	[tilespmem:$0x12E00] =	vst v63  }
0x94: {  	_ =	swait.ge [sflag:s26], $0x1000  }
0x95: {  	[sflag:s26] =	ssyncset.done $0x0  }
0x96: {  	[sflag:s26] =	ssyncadd.s32 $0xFFFFF000  }
0x97: {  	_ =	swait.ge [sflag:s29], $0x1000  }
0x98: {  	[sflag:s29] =	ssyncset.done $0x0  }
0x99: {  	[sflag:s29] =	ssyncadd.s32 $0xFFFFF000  }
0x9a: {  	[spmem:s2] =	stream.indirect.scatter.add.f32 [tilespmem:s18], [sflag:$0x7], $0x40, s30, s14, $0xb8;
	[tilespmem:$0x12E00] =	vst v63  }
0x9b: {  	_ =	swait.ge [sflag:s31], $0x1000  }
0x9c: {  	[sflag:s31] =	ssyncset.done $0x0  }
0x9d: {  	[sflag:s31] =	ssyncadd.s32 $0xFFFFF000  }
0x9e: {  	_ =	swait.ge [sflag:s1], $0x1000  }
0x9f: {  	[sflag:s1] =	ssyncset.done $0x0  }
0xa0: {  	[sflag:s1] =	ssyncadd.s32 $0xFFFFF000  }
0xa1: {  	[spmem:s2] =	stream.indirect.scatter.add.f32 [tilespmem:s20], [sflag:$0x8], $0x40, s0, s14, $0xb8;
	[tilespmem:$0x12E00] =	vst v63  }
0xa2: {  	_ =	swait.ge [sflag:s19], $0x1000  }
0xa3: {  	s17 =	sadd.s32 $0x1, s17;
	[sflag:s19] =	ssyncset.done $0x0  }
0xa4: {  	p0 =	sne.s32 s17, s9;
	[sflag:s19] =	ssyncadd.s32 $0xFFFFF000  }
.Ltmp1:
0xa5: {  	[bflag:$0x0] =	sbarrier.arrive $0xFFFF;
	(pc) =	sbr.rel @p0 .LBB2_1-.Ltmp1, $4  }
0xa6: {  	[hbm:s8], [sflag:s12] =	dma.local [spmem:s13], $0x13C0  }
0xa7: {  	_ =	swait.ge [sflag:s10], $0x13C0  }
0xa8: {  	[sflag:s10] =	ssyncset.done $0x0  }
0xa9: {  	[sflag:s10] =	ssyncadd.s32 $0xFFFFEC40  }
0xaa: {  	_ =	sfence.sel $0x180000  }
0xab: {  	[bflag:$0x0] =	sbarrier.arrive $0xFFFF  }
0xac: {  	_ =	strace $0x9000004D  }
0xad: {  	s0 =	stileid.u32;
	[bflag:$0x2] =	sbarrier.arrive $0xFFFF  }
0xae: {  	p0 =	sne.s32 s0, $0x0;
	s0 =	rddreg [dreg:$0x3]  }
0xaf: {  	s0 =	sadd.s32 @!p0 $0x100000, s0  }
0xb0: {  	[sflag:s0] =	ssyncadd.tile.s32 @!p0 $0x1;
	_ =	shalt  }
.Lfunc_end2:
_tile_overlayer_lowered:
.L_overlay_start_2:
0xb1: {  	(tag) =	ssettag $0x2  }
0xb2: {  	s0 =	rddreg [dreg:$0x0];
	s2 =	stileid.u32  }
0xb3: {  	s1 =	rddreg [dreg:$0x1];
	p0 =	sne.s32 s2, $0x0  }
0xb4: {  	s3 =	rddreg [dreg:$0x2];
	[bflag:$0x3] =	sbarrier.arrive $0xFFFF;
	s2 =	simm.s32 @!p0 $0x1C09  }
0xb5: {  	[timem:s3], [sflag:s2] =	dma.local @!p0 [hbm:s0], s1  }
0xb6: {  	s0 =	simm.s32 @!p0 $0x9  }
0xb7: {  	_ =	swait.ge @!p0 [sflag:s0], s1  }
0xb8: {  	s1 =	ssub.s32 @!p0 $0x0, s1;
	[sflag:s0] =	ssyncset.done @!p0 $0x0  }
0xb9: {  	[sflag:s0] =	ssyncadd.s32 @!p0 s1  }
0xba: {  	[bflag:$0x3] =	sbarrier.arrive $0xFFFF  }
0xbb: {  	_ =	shalt  }

// kernel: kernel.8.cloned.1.call-start
scs
__scs_entry_jumppad:
0x0: {  	(pc) =	sbr.rel $0x88, $3  }
0x1: {  	(tag) =	ssettag $0x0;
	lr =	simm.s32 $0x1  }
0x2: {  	[smem:$0x3F97] =	sst lr;
	_ =	strace $0xD0000000  }
0x3: {  	_ = 	snop  }
0x4: {  	_ = 	snop  }
0x5: {  	_ = 	snop  }
0x6: {  	_ = 	snop  }
0x7: {  	_ = 	snop  }
__scs_overlays_trampoline_lowered:
0x8: {  	[smem:$0x3FA6] =	sst s0  }
0x9: {  	[smem:$0x3FA7] =	sst s1  }
0xa: {  	[smem:$0x3FA8] =	sst s2  }
0xb: {  	[smem:$0x3FA9] =	sst s3  }
0xc: {  	[smem:$0x3FAA] =	sst s4  }
0xd: {  	[smem:$0x3FAB] =	sst s5  }
0xe: {  	[smem:$0x3FAC] =	sst s6  }
0xf: {  	[smem:$0x3FAD] =	sst s7  }
0x10: {  	[smem:$0x3FAE] =	sst s8  }
0x11: {  	[smem:$0x3FAF] =	sst s9;
	s0 =	simm.s32 @!p0 $0x0  }
0x12: {  	s1 =	sld [smem:$0x3F95];
	s0 =	simm.s32 @p0 $0x1  }
0x13: {  	[smem:$0x3FB0] =	sst s0;
	s0 =	simm.s32 @!p1 $0x0  }
0x14: {  	s2 =	sld [smem:$0x3F94];
	s0 =	simm.s32 @p1 $0x1  }
0x15: {  	[smem:$0x3FB1] =	sst s0;
	s0 =	simm.s32 @!p2 $0x0  }
0x16: {  	s3 =	sld [smem:$0x3FDB];
	s0 =	simm.s32 @p2 $0x1  }
0x17: {  	s4 =	simm.s32 $0x1BF5;
	[smem:$0x3FB3] =	sst s0  }
0x18: {  	s0 =	sld [smem:$0x3F96];
	_ =	swait.ge [sflag:s4], $0x0  }
0x19: {  	s7 =	sld [smem:$0x3F97]  }
0x1a: {  	s8 =	sadd.s32 $0xFFFFE003, lr  }
0x1b: {  	s9 =	sadd.s32 $0xFFFFFEF7, lr;
	s5 =	simm.s32 $0xFFFFFFFF;
	p2 =	slt.u32 s8, $0xFFFFF086  }
0x1c: {  	p1 =	slt.u32 s9, $0xF7A;
	s5 =	simm.s32 @!p2 $0x0  }
0x1d: {  	s5 =	simm.s32 @p1 $0x1;
	p0 =	seq.s32 s7, s2  }
0x1e: {  	s7 =	smul.u32 @!p0 $0xF7A, s2;
	p2 =	seq.s32 @!p0 s5, $0x0  }
0x1f: {  	s9 =	smul.u32 $0xF7A, s1;
	s8 =	simm.s32 @!p0 $0x1BF5;
	p2 =	por !p2, p0  }
0x20: {  	[sflag:s8] =	ssyncset.s32 @!p0 $0xFFFFF086;
	s6 =	sadd.s32 @!p0 s3, s7;
	s7 =	simm.s32 @!p0 $0x108  }
0x21: {  	s3 =	sadd.s32 s3, s9;
	s6 =	sadd.s32 @!p0 $0x88, s6;
	s7 =	simm.s32 @p2 $0x1082  }
0x22: {  	[simem:s7], [sflag:s8] =	dma.local @!p0 [hbm:s6], $0xF7A  }
0x23: {  	s9 =	sor.u32 $0xD0000000, s2;
	s6 =	simm.s32 $0x108;
	_ =	swait.ge @!p0 [sflag:s8], $0x0  }
0x24: {  	s3 =	sadd.s32 $0x88, s3;
	s6 =	simm.s32 @!p1 $0x1082;
	[sflag:s4] =	ssyncset.s32 $0xFFFFF086  }
0x25: {  	[simem:s6], [sflag:s4] =	dma.local [hbm:s3], $0xF7A  }
0x26: {  	[smem:$0x3F97] =	sst s1;
	(tag) =	ssettag s2;
	_ =	strace s9  }
0x27: {  	s1 =	sld [smem:$0x3FA7]  }
0x28: {  	s2 =	sld [smem:$0x3FA8]  }
0x29: {  	s4 =	sld [smem:$0x3FAA]  }
0x2a: {  	p0 =	seq.s32 s5, $0x0;
	s5 =	sld [smem:$0x3FAB]  }
0x2b: {  	s6 =	sld [smem:$0x3FAC]  }
0x2c: {  	s7 =	sld [smem:$0x3FAD]  }
0x2d: {  	s3 =	simm.s32 $0x108;
	s8 =	sld [smem:$0x3FAE]  }
0x2e: {  	s3 =	simm.s32 @!p0 $0x1082;
	s9 =	sld [smem:$0x3FAF]  }
0x2f: {  	lr =	sadd.s32 s0, s3;
	s0 =	sld [smem:$0x3FA6]  }
0x30: {  	s3 =	sld [smem:$0x3FA9]  }
0x31: {  	[smem:$0x3FB2] =	sst s10  }
0x32: {  	s10 =	sld [smem:$0x3FB0];
	_ =	sdelay $0x3  }
0x33: {  	p0 =	seq.s32 s10, $0x1;
	s10 =	sld [smem:$0x3FB2];
	_ =	sdelay $0x3  }
0x34: {  	[smem:$0x3FB2] =	sst s10  }
0x35: {  	s10 =	sld [smem:$0x3FB1];
	_ =	sdelay $0x3  }
0x36: {  	p1 =	seq.s32 s10, $0x1;
	s10 =	sld [smem:$0x3FB2];
	_ =	sdelay $0x3  }
0x37: {  	[smem:$0x3FB2] =	sst s10  }
0x38: {  	s10 =	sld [smem:$0x3FB3]  }
0x39: {  	_ = 	snop;
	(pc) =	sbr.ind lr, $3  }
0x3a: {  	_ = 	snop  }
0x3b: {  	_ = 	snop  }
0x3c: {  	p2 =	seq.s32 s10, $0x1;
	s10 =	sld [smem:$0x3FB2]  }
0x3d: {  	_ =	shalt  }
0x3e: {  	_ =	shalt  }
0x3f: {  	_ =	shalt  }
0x40: {  	_ =	shalt  }
0x41: {  	_ =	shalt  }
0x42: {  	_ =	shalt  }
0x43: {  	_ =	shalt  }
0x44: {  	_ =	shalt  }
0x45: {  	_ =	shalt  }
0x46: {  	_ =	shalt  }
0x47: {  	_ =	shalt  }
0x48: {  	_ =	shalt  }
0x49: {  	_ =	shalt  }
0x4a: {  	_ =	shalt  }
0x4b: {  	_ =	shalt  }
0x4c: {  	_ =	shalt  }
0x4d: {  	_ =	shalt  }
0x4e: {  	_ =	shalt  }
0x4f: {  	_ =	shalt  }
0x50: {  	_ =	shalt  }
0x51: {  	_ =	shalt  }
0x52: {  	_ =	shalt  }
0x53: {  	_ =	shalt  }
0x54: {  	_ =	shalt  }
0x55: {  	_ =	shalt  }
0x56: {  	_ =	shalt  }
0x57: {  	_ =	shalt  }
0x58: {  	_ =	shalt  }
0x59: {  	_ =	shalt  }
0x5a: {  	_ =	shalt  }
0x5b: {  	_ =	shalt  }
0x5c: {  	_ =	shalt  }
0x5d: {  	_ =	shalt  }
0x5e: {  	_ =	shalt  }
0x5f: {  	_ =	shalt  }
0x60: {  	_ =	shalt  }
0x61: {  	_ =	shalt  }
0x62: {  	_ =	shalt  }
0x63: {  	_ =	shalt  }
0x64: {  	_ =	shalt  }
0x65: {  	_ =	shalt  }
0x66: {  	_ =	shalt  }
0x67: {  	_ =	shalt  }
0x68: {  	_ =	shalt  }
0x69: {  	_ =	shalt  }
0x6a: {  	_ =	shalt  }
0x6b: {  	_ =	shalt  }
0x6c: {  	_ =	shalt  }
0x6d: {  	_ =	shalt  }
0x6e: {  	_ =	shalt  }
0x6f: {  	_ =	shalt  }
0x70: {  	_ =	shalt  }
0x71: {  	_ =	shalt  }
0x72: {  	_ =	shalt  }
0x73: {  	_ =	shalt  }
0x74: {  	_ =	shalt  }
0x75: {  	_ =	shalt  }
0x76: {  	_ =	shalt  }
0x77: {  	_ =	shalt  }
0x78: {  	_ =	shalt  }
0x79: {  	_ =	shalt  }
0x7a: {  	_ =	shalt  }
0x7b: {  	_ =	shalt  }
0x7c: {  	_ =	shalt  }
0x7d: {  	_ =	shalt  }
0x7e: {  	_ =	shalt  }
0x7f: {  	_ =	shalt  }
0x80: {  	_ =	shalt  }
0x81: {  	_ =	shalt  }
0x82: {  	_ =	shalt  }
0x83: {  	_ =	shalt  }
0x84: {  	_ =	shalt  }
0x85: {  	_ =	shalt  }
0x86: {  	_ =	shalt  }
0x87: {  	_ =	shalt  }
.Lfunc_end0:
.L_simem_size_0:
called_computation_lowered:
.L_overlay_start_0:
0x88: {  	s2 =	sld [smem:$0x3FD9]  }
0x89: {  	s3 =	sld [smem:$0x3FFE];
	_ =	sdelay $0x1  }
0x8a: {  	s1 =	srdreg.scid  }
0x8b: {  	s0 =	sand.u32 $0x1, s1  }
0x8c: {  	s17 =	sshll.u32 s0, $0xA;
	s2 =	sadd.s32 s3, s2  }
0x8d: {  	s2 =	sadd.s32 s2, s17  }
0x8e: {  	[smem:$0x3FBE] =	sst s2  }
0x8f: {  	_ = 	snop  }
0x90: {  	s2 =	sld [smem:$0x3FD0];
	(tm) =	ssettm $0x1  }
0x91: {  	s18 =	sld [smem:$0x3FFB];
	_ =	sdelay $0x3  }
0x92: {  	_ =	strace s18  }
0x93: {  	s3 =	sld [smem:$0x3FFC];
	_ =	sdelay $0x3  }
0x94: {  	_ =	strace s3  }
0x95: {  	s3 =	sld [smem:$0x3FFD];
	_ =	sdelay $0x3  }
0x96: {  	_ =	strace s3  }
0x97: {  	_ =	strace $0x8FFFFFFF  }
0x98: {  	s19 =	sld [smem:$0x3FDB];
	_ =	sdelay $0x1  }
0x99: {  	s4 =	simm.s32 $_scs_section_size  }
0x9a: {  	s5 =	simm.s32 $_size__tile_overlayer_lowered;
	s6 =	simm.s32 $_tile_overlayer_lowered  }
0x9b: {  	s22 =	simm.s32 $0x1BFF;
	s21 =	sshll.u32 s6, $0x1;
	s3 =	sadd.s32 s4, s19  }
0x9c: {  	s7 =	simm.s32 $0x0;
	s20 =	sshll.u32 s5, $0x1;
	s5 =	sadd.s32 s21, s3  }
0x9d: {  	[timem:s7], [sflag:s22] =	dma.local [hbm:s5], s20  }
0x9e: {  	_ =	swait.ge [sflag:s22], s20  }
0x9f: {  	s4 =	ssub.s32 $0x0, s20;
	[sflag:s22] =	ssyncset.done $0x0  }
0xa0: {  	[sflag:s22] =	ssyncadd.s32 s4;
	_ =	sdelay $0x1  }
0xa1: {  	s23 =	simm.s32 $0x1B8B  }
0xa2: {  	_ =	swait.ge [sflag:s23], $0x1  }
0xa3: {  	[sflag:s23] =	ssyncset.done $0x0  }
0xa4: {  	s25 =	simm.s32 $0x1B8E;
	s24 =	sld [smem:$0x3FFE];
	[sflag:s23] =	ssyncadd.s32 $0xFFFFFFFF  }
0xa5: {  	s26 =	simm.s32 $execute0_lowered;
	[smem:$0x3FD2] =	sst s25  }
0xa6: {  	s5 =	sshll.u32 s26, $0x1;
	_ =	strace $0x80000046;
	[dreg:$0x1] =	wrdreg $0xFFFFFFFF  }
0xa7: {  	s28 =	simm.s32 $_size_execute0_lowered;
	s3 =	sadd.s32 s3, s5;
	[dreg:$0x0] =	wrdreg $0x0  }
0xa8: {  	s5 =	sshll.u32 s28, $0x1;
	[dreg:$0x2] =	wrdreg s3  }
0xa9: {  	[dreg:$0x3] =	wrdreg s5  }
0xaa: {  	[dreg:$0x4] =	wrdreg $0xC0  }
0xab: {  	_ =	task [dreg:s7], $0x5FFFF  }
0xac: {  	[dreg:$0x1] =	wrdreg $0xFFFFFFFF  }
0xad: {  	[dreg:$0x0] =	wrdreg $0x60  }
0xae: {  	[dreg:$0x2] =	wrdreg s24  }
0xaf: {  	[dreg:$0x3] =	wrdreg s2  }
0xb0: {  	[dreg:$0x4] =	wrdreg $0x2C000  }
0xb1: {  	[dreg:$0x5] =	wrdreg $0x9  }
0xb2: {  	_ =	task.clear_ibuf [dreg:s7], $0x6FFFF;
	_ =	strace $0x90000046  }
0xb3: {  	s29 =	simm.s32 $0x9;
	_ =	strace $0x80000048  }
0xb4: {  	_ =	swait.ge [sflag:s29], $0x1  }
0xb5: {  	[sflag:s29] =	ssyncadd.s32 $0xFFFFFFFF  }
0xb6: {  	_ =	strace $0x90000048  }
0xb7: {  	_ =	sfence  }
0xb8: {  	s30 =	sld [smem:$0x0];
	_ =	sdelay $0x2  }
0xb9: {  	s31 =	sshll.u32 s1, $0xD;
	s1 =	sshrl.u32 s1, $0x2  }
0xba: {  	s3 =	sand.u32 $0x4000, s31;
	s1 =	sadd.s32 s1, s30  }
0xbb: {  	s0 =	sor.u32 s3, s0;
	s1 =	sshll.u32 s1, $0x11  }
0xbc: {  	s0 =	sor.u32 s1, s0  }
0xbd: {  	s0 =	sadd.s32 $0x8F2B, s0  }
0xbe: {  	[sflag:s0] =	ssyncadd.remote.s32 $0x1  }
0xbf: {  	_ =	sfence.sel $0xFFFF  }
0xc0: {  	[dreg:$0x0] =	wrdreg $0xFFFFFFFF;
	(pc) =	sbr.abs _section_cstart, $3  }
0xc1: {  	[dreg:$0x1] =	wrdreg $0xFFFFFFFF  }
0xc2: {  	_ =	task.clear_ibuf [dreg:s7], $0x2FFFF;
	_ =	strace $0x9FFFFFFF  }
0xc3: {  	(tm) =	ssettm $0x7FFFFFFF  }
tec
execute0_lowered:
.L_overlay_start_1:
0x0: {  	(tag) =	ssettag $0x1  }
0x1: {  	s5 =	rddreg [dreg:$0x0];
	s1 =	srdreg.scid  }
0x2: {  	s0 =	stileid.u32;
	s7 =	rddreg [dreg:$0x1]  }
0x3: {  	s2 =	rddreg [dreg:$0x2];
	s3 =	simm.s32 $0x0;
	s14 =	simm.s32 $0x1  }
0x4: {  	s15 =	simm.s32 $0x0;
	s6 =	sand.u32 $0x1, s1;
	s1 =	rddreg [dreg:$0x3]  }
0x5: {  	s28 =	sshll.u32 s0, $0x1;
	[smem:$0x7FF] =	sst s3;
	s8 =	smul.u32 $0x2780, s0  }
0x6: {  	s31 =	sshll.u32 s0, $0x6;
	s4 =	sor.u32 s6, s28;
	s10 =	smul.u32 $0x27800, s6  }
0x7: {  	_ =	strace $0x80000047;
	s6 =	ssub.s32 $0x2, s6;
	s4 =	smul.u32 $0x500, s4  }
0x8: {  	s11 =	sshrl.u32 s8, $0x3;
	s29 =	sshrl.u32 s6, $0x1;
	s13 =	sadd.s32 s8, s2  }
0x9: {  	s11 =	sadd.s32 s11, s5;
	s10 =	sadd.s32 s8, s10;
	s12 =	ssub.s32 s6, s29  }
0xa: {  	s9 =	sadd.s32 s4, s5;
	s4 =	sadd.s32 $0x1BE00, s5;
	s30 =	sshrl.u32 s10, $0x3  }
0xb: {  	s6 =	sadd.s32 $0x16E00, s11;
	s8 =	smax.u32 s12, $0x1;
	s10 =	simm.s32 $0x2800  }
0xc: {  	s11 =	sor.u32 $0x1C02, s31;
	s12 =	sshrl.u32 s13, $0x3;
	s13 =	simm.s32 $0x40  }
0xd: {  	s5 =	sadd.s32 $0x2E00, s9;
	s7 =	sadd.s32 s7, s30;
	s9 =	simm.s32 $0x2  }
.LBB2_1:
0xe: {  	[tilespmem:s3], [sflag:$0x2] =	stream.linear.gather [hbm4b:s5+s3], $0x2800, $0x38;
	[tilespmem:$0x5380] =	vst v63  }
0xf: {  	_ =	swait.ge [sflag:s9], $0x2800  }
0x10: {  	[sflag:s9] =	ssyncset.done $0x0  }
0x11: {  	[sflag:s9] =	ssyncadd.s32 $0xFFFFD800  }
0x12: {  	[tilespmem:s10], [sflag:$0x2] =	stream.linear.gather [hbm4b:s4+s3], $0x400, $0x38;
	[tilespmem:$0x5380] =	vst v63  }
0x13: {  	_ =	swait.ge [sflag:s9], $0x400  }
0x14: {  	[sflag:s9] =	ssyncset.done $0x0  }
0x15: {  	[sflag:s9] =	ssyncadd.s32 $0xFFFFFC00  }
0x16: {  	[spmem:s12], [sflag:s11] =	dma.local [hbm:s6], $0x4F0  }
0x17: {  	_ =	swait.ge [sflag:s9], $0x4F0  }
0x18: {  	[sflag:s9] =	ssyncset.done $0x0  }
0x19: {  	p0 =	por $0x1, $0x1;
	[sflag:s9] =	ssyncadd.s32 $0xFFFFFB10  }
0x1a: {  	s17 =	simm.s32 @!p0 $0x1;
	[bflag:$0x0] =	sbarrier.arrive $0xFFFF  }
0x1b: {  	_ =	swait.ge @!p0 [sflag:s17], $0x400  }
0x1c: {  	s16 =	simm.s32 $0x1;
	[sflag:s17] =	ssyncset.done @!p0 $0x0  }
0x1d: {  	s18 =	simm.s32 $0x0;
	[sflag:s17] =	ssyncadd.s32 @!p0 $0xFFFFFC00;
	s17 =	simm.s32 $0x40  }
.LBB2_2:
0x1e: {  	[spmem:s2] =	stream.indirect.scatter.add.f32 [tilespmem:s10], [sflag:$0x1], $0x10, s18, s13, $0xb8;
	[tilespmem:$0x5380] =	vst v63  }
0x1f: {  	p0 =	slt.u32 s16, $0x8;
	s16 =	sadd.s32 $0x1, s16  }
0x20: {  	p1 =	sne.s32 s16, $0xA0  }
.Ltmp0:
0x21: {  	(pc) =	sbr.rel @p1 .LBB2_2-.Ltmp0, $4  }
0x22: {  	s18 =	smov.u32 s17;
	s19 =	simm.s32 @!p0 $0x1  }
0x23: {  	_ =	swait.ge @!p0 [sflag:s19], $0x400  }
0x24: {  	[sflag:s19] =	ssyncset.done @!p0 $0x0  }
0x25: {  	s17 =	sadd.s32 $0x40, s17;
	[sflag:s19] =	ssyncadd.s32 @!p0 $0xFFFFFC00  }
0x26: {  	[spmem:s2] =	stream.indirect.scatter.add.f32 [tilespmem:s10], [sflag:$0x1], $0x10, s18, s13, $0xb8;
	[tilespmem:$0x5380] =	vst v63  }
0x27: {  	_ =	swait.ge [sflag:s14], $0x400  }
0x28: {  	[sflag:s14] =	ssyncset.done $0x0  }
0x29: {  	[sflag:s14] =	ssyncadd.s32 $0xFFFFFC00  }
0x2a: {  	_ =	swait.ge [sflag:s14], $0x400  }
0x2b: {  	[sflag:s14] =	ssyncset.done $0x0  }
0x2c: {  	[sflag:s14] =	ssyncadd.s32 $0xFFFFFC00  }
0x2d: {  	_ =	swait.ge [sflag:s14], $0x400  }
0x2e: {  	[sflag:s14] =	ssyncset.done $0x0  }
0x2f: {  	[sflag:s14] =	ssyncadd.s32 $0xFFFFFC00  }
0x30: {  	_ =	swait.ge [sflag:s14], $0x400  }
0x31: {  	[sflag:s14] =	ssyncset.done $0x0  }
0x32: {  	[sflag:s14] =	ssyncadd.s32 $0xFFFFFC00  }
0x33: {  	_ =	swait.ge [sflag:s14], $0x400  }
0x34: {  	[sflag:s14] =	ssyncset.done $0x0  }
0x35: {  	[sflag:s14] =	ssyncadd.s32 $0xFFFFFC00  }
0x36: {  	_ =	swait.ge [sflag:s14], $0x400  }
0x37: {  	[sflag:s14] =	ssyncset.done $0x0  }
0x38: {  	[sflag:s14] =	ssyncadd.s32 $0xFFFFFC00  }
0x39: {  	_ =	swait.ge [sflag:s14], $0x400  }
0x3a: {  	[sflag:s14] =	ssyncset.done $0x0  }
0x3b: {  	[sflag:s14] =	ssyncadd.s32 $0xFFFFFC00  }
0x3c: {  	_ =	swait.ge [sflag:s14], $0x400  }
0x3d: {  	s15 =	sadd.s32 $0x1, s15;
	[sflag:s14] =	ssyncset.done $0x0  }
0x3e: {  	p0 =	sne.s32 s15, s8;
	[sflag:s14] =	ssyncadd.s32 $0xFFFFFC00  }
.Ltmp1:
0x3f: {  	[bflag:$0x0] =	sbarrier.arrive $0xFFFF;
	(pc) =	sbr.rel @p0 .LBB2_1-.Ltmp1, $4  }
0x40: {  	[hbm:s7], [sflag:s11] =	dma.local [spmem:s12], $0x4F0  }
0x41: {  	_ =	swait.ge [sflag:s9], $0x4F0  }
0x42: {  	[sflag:s9] =	ssyncset.done $0x0  }
0x43: {  	[sflag:s9] =	ssyncadd.s32 $0xFFFFFB10  }
0x44: {  	_ =	sfence.sel $0x180000  }
0x45: {  	[bflag:$0x0] =	sbarrier.arrive $0xFFFF  }
0x46: {  	p0 =	sne.s32 s0, $0x0;
	_ =	strace $0x90000047  }
0x47: {  	s0 =	sadd.s32 @!p0 $0x100000, s1;
	[bflag:$0x2] =	sbarrier.arrive $0xFFFF  }
0x48: {  	[sflag:s0] =	ssyncadd.tile.s32 @!p0 $0x1;
	_ =	shalt  }
.Lfunc_end2:
_tile_overlayer_lowered:
.L_overlay_start_2:
0x49: {  	(tag) =	ssettag $0x2  }
0x4a: {  	s0 =	rddreg [dreg:$0x0];
	s2 =	stileid.u32  }
0x4b: {  	s1 =	rddreg [dreg:$0x1];
	p0 =	sne.s32 s2, $0x0  }
0x4c: {  	s3 =	rddreg [dreg:$0x2];
	[bflag:$0x3] =	sbarrier.arrive $0xFFFF;
	s2 =	simm.s32 @!p0 $0x1C02  }
0x4d: {  	[timem:s3], [sflag:s2] =	dma.local @!p0 [hbm:s0], s1  }
0x4e: {  	s0 =	simm.s32 @!p0 $0x2  }
0x4f: {  	_ =	swait.ge @!p0 [sflag:s0], s1  }
0x50: {  	s1 =	ssub.s32 @!p0 $0x0, s1;
	[sflag:s0] =	ssyncset.done @!p0 $0x0  }
0x51: {  	[sflag:s0] =	ssyncadd.s32 @!p0 s1  }
0x52: {  	[bflag:$0x3] =	sbarrier.arrive $0xFFFF  }
0x53: {  	_ =	shalt  }

</sc_bundles>
